<compile_context>
chip_gen: v7x
topology: tpu7x:2x2x1
jax: 0.10.2.dev20260603
libtpu: 0.0.44.dev20260713+nightly
codegen_flags: <defaults>
</compile_context>

<pallas_src>
import functools

import jax
import jax.numpy as jnp
from jax import lax
from jax.experimental import pallas as pl
from jax.experimental.pallas import tpu as pltpu
from jax.experimental.pallas import tpu_sc as plsc

N = 10000
E = 320000
D = 128

NC = 2
NS = 16
NW = NC * NS
NFULL = 10240
NACC = 10248
RPC = NFULL // NS
CH = 32
KBUF = 8
NOUT = 40
NITER = KBUF * NOUT
EPT = NITER * CH
EPAD = NW * EPT
L = 16

_MESH = plsc.VectorSubcoreMesh(
    core_axis_name="c", subcore_axis_name="s", num_cores=NC, num_subcores=NS)


CHD = 48
KBD = 8
BLKD = 27
EPTD = BLKD * KBD * CHD
EPADD = NC * NS * EPTD
DR = 80


@functools.partial(
    pl.kernel,
    out_type=jax.ShapeDtypeStruct((NC, DR, D), jnp.float32),
    mesh=_MESH,
    scratch_types=[
        pltpu.VMEM((KBD, CHD), jnp.int32),
        pltpu.VMEM((DR, D), jnp.float32),
        pltpu.VMEM((DR,), jnp.int32),
        pltpu.VMEM_SHARED((DR, D), jnp.float32),
    ],
    compiler_params=pltpu.CompilerParams(needs_layout_passes=False),
)
def _deg_kernel(cols_hbm, ids_hbm, zeros_hbm, out_hbm, cbuf, dloc, idbuf,
                dacc):
    c = lax.axis_index("c")
    s = lax.axis_index("s")
    w = c * NS + s
    pltpu.sync_copy(ids_hbm, idbuf)
    pltpu.sync_copy(zeros_hbm, dloc)

    @pl.when(s == 0)
    def _():
        pltpu.sync_copy(zeros_hbm, dacc)

    ones16 = jnp.full((L,), 1.0, jnp.float32)

    def body(i, carry):
        pltpu.sync_copy(cols_hbm.at[w, pl.ds(i * KBD, KBD)], cbuf)
        for r in range(KBD):
            for k in range(CHD // L):
                v = cbuf[r, pl.ds(k * L, L)]
                plsc.addupdate_scatter(dloc, [v >> 7, v & 127], ones16)
        return carry

    lax.fori_loop(0, BLKD, body, 0)
    plsc.subcore_barrier()
    pltpu.sync_copy(dloc, dacc.at[idbuf], add=True)
    plsc.subcore_barrier()

    @pl.when(s == 0)
    def _():
        pltpu.sync_copy(dacc, out_hbm.at[c])


GRP = KBUF // 2


@functools.partial(
    pl.kernel,
    out_type=jax.ShapeDtypeStruct((NC, NFULL, D), jnp.float32),
    mesh=_MESH,
    scratch_types=(
        [pltpu.VMEM((2 * KBUF, CH), jnp.int32),
         pltpu.VMEM((2 * KBUF, CH), jnp.int32)]
        + [pltpu.VMEM((CH, D), jnp.float32) for _ in range(KBUF)]
        + [pltpu.VMEM_SHARED((NACC, D), jnp.float32),
           pltpu.SemaphoreType.DMA, pltpu.SemaphoreType.DMA,
           pltpu.SemaphoreType.DMA, pltpu.SemaphoreType.DMA,
           pltpu.SemaphoreType.DMA]
    ),
)
def _apply_kernel(t_hbm, rows_hbm, cols_hbm, zeros_hbm, out_hbm,
                  rbuf, cbuf, gb0, gb1, gb2, gb3, gb4, gb5, gb6, gb7,
                  acc, semA, semB, semSA, semSB, semI):
    qa = (gb0, gb1, gb2, gb3)
    qb = (gb4, gb5, gb6, gb7)
    c = lax.axis_index("c")
    s = lax.axis_index("s")
    w = c * NS + s

    def stage_descs(j, off):
        return (pltpu.make_async_copy(rows_hbm.at[w, pl.ds(j * KBUF, KBUF)],
                                      rbuf.at[pl.ds(off, KBUF)], semI),
                pltpu.make_async_copy(cols_hbm.at[w, pl.ds(j * KBUF, KBUF)],
                                      cbuf.at[pl.ds(off, KBUF)], semI))

    def fire(bufs, roff, sem):
        return [pltpu.async_copy(t_hbm.at[rbuf.at[roff + b]], bufs[b], sem)
                for b in range(GRP)]

    def drain(bufs, roff, sem):
        for b in range(GRP):
            pltpu.make_async_copy(t_hbm.at[rbuf.at[roff + b]], bufs[b],
                                  sem).wait()

    def scat(bufs, coff, sem):
        return [pltpu.async_copy(bufs[b], acc.at[cbuf.at[coff + b]], sem,
                                 add=True)
                for b in range(GRP)]

    pltpu.sync_copy(zeros_hbm.at[pl.ds(s * RPC, RPC)],
                    acc.at[pl.ds(s * RPC, RPC)])
    for d in stage_descs(0, 0):
        d.start()
        d.wait()
    plsc.subcore_barrier()
    fire(qa, 0, semA)

    def outer(j, carry):
        jm = (j & 1) * KBUF
        nm = KBUF - jm

        @pl.when(j > 0)
        def _():
            for d in stage_descs(j, jm):
                d.wait()

        descs_b = fire(qb, jm + GRP, semB)

        @pl.when(j + 1 < NOUT)
        def _():
            for d in stage_descs(j + 1, nm):
                d.start()

        drain(qa, jm, semA)
        descs_sa = scat(qa, jm, semSA)
        for d in descs_b:
            d.wait()
        descs_sb = scat(qb, jm + GRP, semSB)
        for d in descs_sa:
            d.wait()

        @pl.when(j + 1 < NOUT)
        def _():
            fire(qa, nm, semA)

        for d in descs_sb:
            d.wait()
        return carry

    lax.fori_loop(0, NOUT, outer, 0)
    plsc.subcore_barrier()
    pltpu.sync_copy(acc.at[pl.ds(s * RPC, RPC)],
                    out_hbm.at[c, pl.ds(s * RPC, RPC)])


_RB = 1280
_GRID = 8


def _s_from_deg(deg_blk):
    deg = deg_blk[0] + deg_blk[1]
    return jnp.where(deg > 0, lax.rsqrt(deg), 0.0)


def _tc1_body(deg_ref, x_ref, w1_ref, o_ref):
    s = _s_from_deg(deg_ref[...])
    xs = x_ref[...] * s[:, None]
    o_ref[...] = lax.dot_general(xs, w1_ref[...], (((1,), (1,)), ((), ())),
                                 preferred_element_type=jnp.float32)


def _tc2_body(deg_ref, a_ref, b1_ref, w2_ref, o_ref):
    s = _s_from_deg(deg_ref[...])
    a = a_ref[...]
    h = jnp.maximum((a[0] + a[1]) * s[:, None] + b1_ref[...], 0.0)
    o_ref[...] = lax.dot_general(h, w2_ref[...], (((1,), (1,)), ((), ())),
                                 preferred_element_type=jnp.float32) * s[:, None]


def _tc3_body(deg_ref, a_ref, b2_ref, o_ref):
    s = _s_from_deg(deg_ref[...])
    a = a_ref[...]
    o_ref[...] = (a[0] + a[1]) * s[:, None] + b2_ref[...]


_DEG_SPEC = pl.BlockSpec((NC, _RB), lambda i: (0, i))
_A_SPEC = pl.BlockSpec((NC, _RB, D), lambda i: (0, i, 0))
_ROW_SPEC = pl.BlockSpec((_RB, D), lambda i: (i, 0))
_W_SPEC = pl.BlockSpec((D, D), lambda i: (0, 0))
_B_SPEC = pl.BlockSpec((1, D), lambda i: (0, 0))
_OUT_TYPE = jax.ShapeDtypeStruct((N, D), jnp.float32)

_tc1 = pl.pallas_call(
    _tc1_body, grid=(_GRID,),
    in_specs=[_DEG_SPEC, _ROW_SPEC, _W_SPEC],
    out_specs=_ROW_SPEC, out_shape=_OUT_TYPE)

_tc2 = pl.pallas_call(
    _tc2_body, grid=(_GRID,),
    in_specs=[_DEG_SPEC, _A_SPEC, _B_SPEC, _W_SPEC],
    out_specs=_ROW_SPEC, out_shape=_OUT_TYPE)

_tc3 = pl.pallas_call(
    _tc3_body, grid=(_GRID,),
    in_specs=[_DEG_SPEC, _A_SPEC, _B_SPEC],
    out_specs=_ROW_SPEC, out_shape=_OUT_TYPE)


def kernel(x, edge_index, W1, b1, W2, b2):
    edge = edge_index.astype(jnp.int32)
    pad = EPAD - E
    pad_rows = jnp.arange(pad, dtype=jnp.int32) % N
    pad_cols = N + (jnp.arange(pad, dtype=jnp.int32) % (NFULL - N))
    rows2 = jnp.concatenate([edge[0], pad_rows]).reshape(NW, NITER, CH)
    cols2 = jnp.concatenate([edge[1], pad_cols]).reshape(NW, NITER, CH)
    zeros_d = jnp.zeros((NFULL, D), jnp.float32)
    pad_deg = N + (jnp.arange(EPADD - E, dtype=jnp.int32) % (NFULL - N))
    cols_deg = jnp.concatenate([edge[1], pad_deg]).reshape(
        NC * NS, BLKD * KBD, CHD)
    ids_dr = jnp.arange(DR, dtype=jnp.int32)
    zeros_dr = jnp.zeros((DR, D), jnp.float32)

    degp = _deg_kernel(cols_deg, ids_dr, zeros_dr).reshape(NC, DR * D)
    t1 = _tc1(degp, x, W1)
    a1 = _apply_kernel(t1, rows2, cols2, zeros_d)
    t2 = _tc2(degp, a1, b1.reshape(1, D), W2)
    a2 = _apply_kernel(t2, rows2, cols2, zeros_d)
    return _tc3(degp, a2, b2.reshape(1, D))

# --- scband reference (transcript-rebuilt; emitter-appended) ---
"""Pipeline reference for scband-gnn-10385230922554 (READ-ONLY COPY).

The authoritative reference and input builder live on the scoring server;
editing this copy changes nothing except your own understanding.
"""

import jax, jax.numpy as jnp
import numpy as np

N_NODES = 10000
N_EDGES = 320000
D_IN = 128
D_HID = 128
D_OUT = 128


def gcn_conv(x, edge_index):
    # GCN propagation: D^{-1/2} A D^{-1/2} x (degree computed on dst column)
    N = x.shape[0]
    row = edge_index[0]
    col = edge_index[1]
    deg = jnp.zeros((N,), dtype=x.dtype).at[col].add(1.0)
    d_inv_sqrt = jnp.where(deg > 0, 1.0 / jnp.sqrt(deg), 0.0)
    value = d_inv_sqrt[row] * d_inv_sqrt[col]  # [E]
    msg = x[row] * value[:, None]              # gather + scale
    out = jnp.zeros_like(x).at[col].add(msg)   # scatter-add to dst
    return out


def xavier_uniform(key, shape, gain=1.414):
    fan_in, fan_out = shape[1], shape[0]
    a = gain * np.sqrt(6.0 / (fan_in + fan_out))
    return jax.random.uniform(key, shape, dtype=jnp.float32, minval=-a, maxval=a)


def setup_inputs(seed: int = 0) -> dict:
    key = jax.random.key(seed)
    k_x, k_e, k_w1, k_w2 = jax.random.split(key, 4)
    x = jax.random.normal(k_x, (N_NODES, D_IN), dtype=jnp.float32)
    edge_index = jax.random.randint(k_e, (2, N_EDGES), 0, N_NODES, dtype=jnp.int64)
    W1 = xavier_uniform(k_w1, (D_HID, D_IN))
    b1 = jnp.zeros((D_HID,), dtype=jnp.float32)
    W2 = xavier_uniform(k_w2, (D_OUT, D_HID))
    b2 = jnp.zeros((D_OUT,), dtype=jnp.float32)
    return {"x": x, "edge_index": edge_index, "W1": W1, "b1": b1, "W2": W2, "b2": b2}


def reference(x, edge_index, W1, b1, W2, b2):
    # layer 0 (hidden layer)
    h = x @ W1.T
    h = gcn_conv(h, edge_index)
    h = h + b1
    h = jax.nn.relu(h)
    # dropout is identity in eval mode
    # final layer
    h = h @ W2.T
    h = gcn_conv(h, edge_index)
    h = h + b2
    return h

if __name__ == "__main__":
    import jax
    _d = setup_inputs()
    print(jax.jit(kernel)(*tuple(_d.values())))

</pallas_src>

<mosaic_0001>
#map = affine_map<(d0, d1) -> (0, 0)>
#map1 = affine_map<(d0, d1) -> (0, 0, 0)>
module attributes {stable_mosaic.version = 14 : i64} {
  func.func @_apply_kernel(%arg0: i32, %arg1: i32, %arg2: memref<10000x128xf32, #tpu.memory_space<hbm>>, %arg3: memref<32x320x32xi32, #tpu.memory_space<hbm>>, %arg4: memref<32x320x32xi32, #tpu.memory_space<hbm>>, %arg5: memref<10240x128xf32, #tpu.memory_space<hbm>>, %arg6: memref<2x10240x128xf32, #tpu.memory_space<hbm>>, %arg7: memref<16x32xi32, #tpu.memory_space<vmem>>, %arg8: memref<16x32xi32, #tpu.memory_space<vmem>>, %arg9: memref<32x128xf32, #tpu.memory_space<vmem>>, %arg10: memref<32x128xf32, #tpu.memory_space<vmem>>, %arg11: memref<32x128xf32, #tpu.memory_space<vmem>>, %arg12: memref<32x128xf32, #tpu.memory_space<vmem>>, %arg13: memref<32x128xf32, #tpu.memory_space<vmem>>, %arg14: memref<32x128xf32, #tpu.memory_space<vmem>>, %arg15: memref<32x128xf32, #tpu.memory_space<vmem>>, %arg16: memref<32x128xf32, #tpu.memory_space<vmem>>, %arg17: memref<10248x128xf32, #tpu.memory_space<vmem_shared>>, %arg18: memref<!tpu.dma_semaphore, #tpu.memory_space<semaphore_mem>>, %arg19: memref<!tpu.dma_semaphore, #tpu.memory_space<semaphore_mem>>, %arg20: memref<!tpu.dma_semaphore, #tpu.memory_space<semaphore_mem>>, %arg21: memref<!tpu.dma_semaphore, #tpu.memory_space<semaphore_mem>>, %arg22: memref<!tpu.dma_semaphore, #tpu.memory_space<semaphore_mem>>) attributes {dimension_semantics = [#tpu.dimension_semantics<core_parallel>, #tpu.dimension_semantics<subcore_parallel>], iteration_bounds = array<i64: 2, 16>, scalar_prefetch = 0 : i64, scratch_operands = 16 : i64, tpu.core_type = #tpu.core_type<sc_vector_subcore>, window_params = [{transform_indices = #map}, {transform_indices = #map1}, {transform_indices = #map1}, {transform_indices = #map}, {transform_indices = #map1}]} {
    %mul3A = arith.constant 16 : i32
    %mul3A_0 = arith.muli %arg0, %mul3A : i32
    %add3A = arith.addi %mul3A_0, %arg1 : i32
    %mul3A_1 = arith.constant 640 : i32
    %mul3A_2 = arith.muli %arg1, %mul3A_1 : i32
    %mul3A_3 = arith.constant 640 : i32
    %mul3A_4 = arith.muli %arg1, %mul3A_3 : i32
    "tpu.region"() ({
      %run_scoped3A = tpu.sem_alloc : memref<!tpu.dma_semaphore, #tpu.memory_space<semaphore_mem>>
      %dma_start3A_97 = arith.constant 0 : i32
      %dma_start3A_98 = tpu.memref_slice %arg17[%mul3A_4, %dma_start3A_97] : memref<10248x128xf32, #tpu.memory_space<vmem_shared>> -> memref<640x128xf32, #tpu.memory_space<vmem_shared>>
      %dma_start3A_99 = arith.constant 0 : i32
      %dma_start3A_100 = tpu.memref_slice %arg5[%mul3A_2, %dma_start3A_99] : memref<10240x128xf32, #tpu.memory_space<hbm>> -> memref<640x128xf32, #tpu.memory_space<hbm>>
      tpu.enqueue_dma source(%dma_start3A_100 : memref<640x128xf32, #tpu.memory_space<hbm>>) target(%dma_start3A_98 : memref<640x128xf32, #tpu.memory_space<vmem_shared>>) target_semaphore(%run_scoped3A : memref<!tpu.dma_semaphore, #tpu.memory_space<semaphore_mem>>)
      %dma_wait3A_101 = arith.constant 0 : i32
      %dma_wait3A_102 = tpu.memref_slice %arg17[%mul3A_4, %dma_wait3A_101] : memref<10248x128xf32, #tpu.memory_space<vmem_shared>> -> memref<640x128xf32, #tpu.memory_space<vmem_shared>>
      %dma_wait3A_103 = arith.constant 0 : i32
      %dma_wait3A_104 = tpu.memref_slice %arg5[%mul3A_2, %dma_wait3A_103] : memref<10240x128xf32, #tpu.memory_space<hbm>> -> memref<640x128xf32, #tpu.memory_space<hbm>>
      tpu.wait_dma2 semaphore(%run_scoped3A : memref<!tpu.dma_semaphore, #tpu.memory_space<semaphore_mem>>) src(%dma_wait3A_104 : memref<640x128xf32, #tpu.memory_space<hbm>>) dst(%dma_wait3A_102 : memref<640x128xf32, #tpu.memory_space<vmem_shared>>)
      tpu.yield
    }) : () -> ()
    %dma_start3A = arith.constant 0 : i32
    %dma_start3A_5 = arith.constant 0 : i32
    %dma_start3A_6 = tpu.memref_slice %arg7[%dma_start3A, %dma_start3A_5] : memref<16x32xi32, #tpu.memory_space<vmem>> -> memref<8x32xi32, #tpu.memory_space<vmem>>
    %dma_start3A_7 = arith.constant 0 : i32
    %dma_start3A_8 = arith.constant 0 : i32
    %dma_start3A_9 = tpu.memref_slice %arg3[%add3A, %dma_start3A_7, %dma_start3A_8] : memref<32x320x32xi32, #tpu.memory_space<hbm>> -> memref<1x8x32xi32, #tpu.memory_space<hbm>>
    %dma_start3A_10 = tpu.memref_squeeze %dma_start3A_9 : memref<1x8x32xi32, #tpu.memory_space<hbm>> -> memref<8x32xi32, #tpu.memory_space<hbm>>
    %dma_start3A_11 = arith.constant 0 : i32
    %dma_start3A_12 = arith.constant 0 : i32
    %dma_start3A_13 = tpu.memref_slice %arg7[%dma_start3A_11, %dma_start3A_12] : memref<16x32xi32, #tpu.memory_space<vmem>> -> memref<8x32xi32, #tpu.memory_space<vmem>>
    %dma_start3A_14 = arith.constant 0 : i32
    %dma_start3A_15 = arith.constant 0 : i32
    %dma_start3A_16 = tpu.memref_slice %arg3[%add3A, %dma_start3A_14, %dma_start3A_15] : memref<32x320x32xi32, #tpu.memory_space<hbm>> -> memref<1x8x32xi32, #tpu.memory_space<hbm>>
    %dma_start3A_17 = tpu.memref_squeeze %dma_start3A_16 : memref<1x8x32xi32, #tpu.memory_space<hbm>> -> memref<8x32xi32, #tpu.memory_space<hbm>>
    tpu.enqueue_dma source(%dma_start3A_17 : memref<8x32xi32, #tpu.memory_space<hbm>>) target(%dma_start3A_13 : memref<8x32xi32, #tpu.memory_space<vmem>>) target_semaphore(%arg22 : memref<!tpu.dma_semaphore, #tpu.memory_space<semaphore_mem>>)
    %dma_wait3A = arith.constant 0 : i32
    %dma_wait3A_18 = arith.constant 0 : i32
    %dma_wait3A_19 = tpu.memref_slice %arg7[%dma_wait3A, %dma_wait3A_18] : memref<16x32xi32, #tpu.memory_space<vmem>> -> memref<8x32xi32, #tpu.memory_space<vmem>>
    %dma_wait3A_20 = arith.constant 0 : i32
    %dma_wait3A_21 = arith.constant 0 : i32
    %dma_wait3A_22 = tpu.memref_slice %arg3[%add3A, %dma_wait3A_20, %dma_wait3A_21] : memref<32x320x32xi32, #tpu.memory_space<hbm>> -> memref<1x8x32xi32, #tpu.memory_space<hbm>>
    %dma_wait3A_23 = tpu.memref_squeeze %dma_wait3A_22 : memref<1x8x32xi32, #tpu.memory_space<hbm>> -> memref<8x32xi32, #tpu.memory_space<hbm>>
    %dma_wait3A_24 = arith.constant 0 : i32
    %dma_wait3A_25 = arith.constant 0 : i32
    %dma_wait3A_26 = tpu.memref_slice %arg7[%dma_wait3A_24, %dma_wait3A_25] : memref<16x32xi32, #tpu.memory_space<vmem>> -> memref<8x32xi32, #tpu.memory_space<vmem>>
    %dma_wait3A_27 = arith.constant 0 : i32
    %dma_wait3A_28 = arith.constant 0 : i32
    %dma_wait3A_29 = tpu.memref_slice %arg3[%add3A, %dma_wait3A_27, %dma_wait3A_28] : memref<32x320x32xi32, #tpu.memory_space<hbm>> -> memref<1x8x32xi32, #tpu.memory_space<hbm>>
    %dma_wait3A_30 = tpu.memref_squeeze %dma_wait3A_29 : memref<1x8x32xi32, #tpu.memory_space<hbm>> -> memref<8x32xi32, #tpu.memory_space<hbm>>
    tpu.wait_dma2 semaphore(%arg22 : memref<!tpu.dma_semaphore, #tpu.memory_space<semaphore_mem>>) src(%dma_wait3A_30 : memref<8x32xi32, #tpu.memory_space<hbm>>) dst(%dma_wait3A_26 : memref<8x32xi32, #tpu.memory_space<vmem>>)
    %dma_start3A_31 = arith.constant 0 : i32
    %dma_start3A_32 = arith.constant 0 : i32
    %dma_start3A_33 = tpu.memref_slice %arg8[%dma_start3A_31, %dma_start3A_32] : memref<16x32xi32, #tpu.memory_space<vmem>> -> memref<8x32xi32, #tpu.memory_space<vmem>>
    %dma_start3A_34 = arith.constant 0 : i32
    %dma_start3A_35 = arith.constant 0 : i32
    %dma_start3A_36 = tpu.memref_slice %arg4[%add3A, %dma_start3A_34, %dma_start3A_35] : memref<32x320x32xi32, #tpu.memory_space<hbm>> -> memref<1x8x32xi32, #tpu.memory_space<hbm>>
    %dma_start3A_37 = tpu.memref_squeeze %dma_start3A_36 : memref<1x8x32xi32, #tpu.memory_space<hbm>> -> memref<8x32xi32, #tpu.memory_space<hbm>>
    %dma_start3A_38 = arith.constant 0 : i32
    %dma_start3A_39 = arith.constant 0 : i32
    %dma_start3A_40 = tpu.memref_slice %arg8[%dma_start3A_38, %dma_start3A_39] : memref<16x32xi32, #tpu.memory_space<vmem>> -> memref<8x32xi32, #tpu.memory_space<vmem>>
    %dma_start3A_41 = arith.constant 0 : i32
    %dma_start3A_42 = arith.constant 0 : i32
    %dma_start3A_43 = tpu.memref_slice %arg4[%add3A, %dma_start3A_41, %dma_start3A_42] : memref<32x320x32xi32, #tpu.memory_space<hbm>> -> memref<1x8x32xi32, #tpu.memory_space<hbm>>
    %dma_start3A_44 = tpu.memref_squeeze %dma_start3A_43 : memref<1x8x32xi32, #tpu.memory_space<hbm>> -> memref<8x32xi32, #tpu.memory_space<hbm>>
    tpu.enqueue_dma source(%dma_start3A_44 : memref<8x32xi32, #tpu.memory_space<hbm>>) target(%dma_start3A_40 : memref<8x32xi32, #tpu.memory_space<vmem>>) target_semaphore(%arg22 : memref<!tpu.dma_semaphore, #tpu.memory_space<semaphore_mem>>)
    %dma_wait3A_45 = arith.constant 0 : i32
    %dma_wait3A_46 = arith.constant 0 : i32
    %dma_wait3A_47 = tpu.memref_slice %arg8[%dma_wait3A_45, %dma_wait3A_46] : memref<16x32xi32, #tpu.memory_space<vmem>> -> memref<8x32xi32, #tpu.memory_space<vmem>>
    %dma_wait3A_48 = arith.constant 0 : i32
    %dma_wait3A_49 = arith.constant 0 : i32
    %dma_wait3A_50 = tpu.memref_slice %arg4[%add3A, %dma_wait3A_48, %dma_wait3A_49] : memref<32x320x32xi32, #tpu.memory_space<hbm>> -> memref<1x8x32xi32, #tpu.memory_space<hbm>>
    %dma_wait3A_51 = tpu.memref_squeeze %dma_wait3A_50 : memref<1x8x32xi32, #tpu.memory_space<hbm>> -> memref<8x32xi32, #tpu.memory_space<hbm>>
    %dma_wait3A_52 = arith.constant 0 : i32
    %dma_wait3A_53 = arith.constant 0 : i32
    %dma_wait3A_54 = tpu.memref_slice %arg8[%dma_wait3A_52, %dma_wait3A_53] : memref<16x32xi32, #tpu.memory_space<vmem>> -> memref<8x32xi32, #tpu.memory_space<vmem>>
    %dma_wait3A_55 = arith.constant 0 : i32
    %dma_wait3A_56 = arith.constant 0 : i32
    %dma_wait3A_57 = tpu.memref_slice %arg4[%add3A, %dma_wait3A_55, %dma_wait3A_56] : memref<32x320x32xi32, #tpu.memory_space<hbm>> -> memref<1x8x32xi32, #tpu.memory_space<hbm>>
    %dma_wait3A_58 = tpu.memref_squeeze %dma_wait3A_57 : memref<1x8x32xi32, #tpu.memory_space<hbm>> -> memref<8x32xi32, #tpu.memory_space<hbm>>
    tpu.wait_dma2 semaphore(%arg22 : memref<!tpu.dma_semaphore, #tpu.memory_space<semaphore_mem>>) src(%dma_wait3A_58 : memref<8x32xi32, #tpu.memory_space<hbm>>) dst(%dma_wait3A_54 : memref<8x32xi32, #tpu.memory_space<vmem>>)
    %barrier3A = arith.constant 0 : index
    tpu.barrier barrier_id(%barrier3A)
    %dma_start3A_59 = arith.constant 0 : i32
    %dma_start3A_60 = arith.constant 0 : i32
    %dma_start3A_61 = tpu.memref_slice %arg7[%dma_start3A_59, %dma_start3A_60] : memref<16x32xi32, #tpu.memory_space<vmem>> -> memref<1x32xi32, #tpu.memory_space<vmem>>
    %dma_start3A_62 = tpu.memref_squeeze %dma_start3A_61 : memref<1x32xi32, #tpu.memory_space<vmem>> -> memref<32xi32, #tpu.memory_space<vmem>>
    %dma_start3A_63 = arith.constant 0 : i32
    %dma_start3A_64 = arith.constant 0 : i32
    %dma_start3A_65 = tpu.memref_slice %arg2[%dma_start3A_63, %dma_start3A_64] : memref<10000x128xf32, #tpu.memory_space<hbm>> -> memref<10000x128xf32, #tpu.memory_space<hbm>>
    tpu.enqueue_indirect_dma source(%dma_start3A_65 : memref<10000x128xf32, #tpu.memory_space<hbm>>) target(%arg9 : memref<32x128xf32, #tpu.memory_space<vmem>>) offsets(%dma_start3A_62 : memref<32xi32, #tpu.memory_space<vmem>>) semaphore(%arg18 : memref<!tpu.dma_semaphore, #tpu.memory_space<semaphore_mem>>)
    %dma_start3A_66 = arith.constant 1 : i32
    %dma_start3A_67 = arith.constant 0 : i32
    %dma_start3A_68 = tpu.memref_slice %arg7[%dma_start3A_66, %dma_start3A_67] : memref<16x32xi32, #tpu.memory_space<vmem>> -> memref<1x32xi32, #tpu.memory_space<vmem>>
    %dma_start3A_69 = tpu.memref_squeeze %dma_start3A_68 : memref<1x32xi32, #tpu.memory_space<vmem>> -> memref<32xi32, #tpu.memory_space<vmem>>
    %dma_start3A_70 = arith.constant 0 : i32
    %dma_start3A_71 = arith.constant 0 : i32
    %dma_start3A_72 = tpu.memref_slice %arg2[%dma_start3A_70, %dma_start3A_71] : memref<10000x128xf32, #tpu.memory_space<hbm>> -> memref<10000x128xf32, #tpu.memory_space<hbm>>
    tpu.enqueue_indirect_dma source(%dma_start3A_72 : memref<10000x128xf32, #tpu.memory_space<hbm>>) target(%arg10 : memref<32x128xf32, #tpu.memory_space<vmem>>) offsets(%dma_start3A_69 : memref<32xi32, #tpu.memory_space<vmem>>) semaphore(%arg18 : memref<!tpu.dma_semaphore, #tpu.memory_space<semaphore_mem>>)
    %dma_start3A_73 = arith.constant 2 : i32
    %dma_start3A_74 = arith.constant 0 : i32
    %dma_start3A_75 = tpu.memref_slice %arg7[%dma_start3A_73, %dma_start3A_74] : memref<16x32xi32, #tpu.memory_space<vmem>> -> memref<1x32xi32, #tpu.memory_space<vmem>>
    %dma_start3A_76 = tpu.memref_squeeze %dma_start3A_75 : memref<1x32xi32, #tpu.memory_space<vmem>> -> memref<32xi32, #tpu.memory_space<vmem>>
    %dma_start3A_77 = arith.constant 0 : i32
    %dma_start3A_78 = arith.constant 0 : i32
    %dma_start3A_79 = tpu.memref_slice %arg2[%dma_start3A_77, %dma_start3A_78] : memref<10000x128xf32, #tpu.memory_space<hbm>> -> memref<10000x128xf32, #tpu.memory_space<hbm>>
    tpu.enqueue_indirect_dma source(%dma_start3A_79 : memref<10000x128xf32, #tpu.memory_space<hbm>>) target(%arg11 : memref<32x128xf32, #tpu.memory_space<vmem>>) offsets(%dma_start3A_76 : memref<32xi32, #tpu.memory_space<vmem>>) semaphore(%arg18 : memref<!tpu.dma_semaphore, #tpu.memory_space<semaphore_mem>>)
    %dma_start3A_80 = arith.constant 3 : i32
    %dma_start3A_81 = arith.constant 0 : i32
    %dma_start3A_82 = tpu.memref_slice %arg7[%dma_start3A_80, %dma_start3A_81] : memref<16x32xi32, #tpu.memory_space<vmem>> -> memref<1x32xi32, #tpu.memory_space<vmem>>
    %dma_start3A_83 = tpu.memref_squeeze %dma_start3A_82 : memref<1x32xi32, #tpu.memory_space<vmem>> -> memref<32xi32, #tpu.memory_space<vmem>>
    %dma_start3A_84 = arith.constant 0 : i32
    %dma_start3A_85 = arith.constant 0 : i32
    %dma_start3A_86 = tpu.memref_slice %arg2[%dma_start3A_84, %dma_start3A_85] : memref<10000x128xf32, #tpu.memory_space<hbm>> -> memref<10000x128xf32, #tpu.memory_space<hbm>>
    tpu.enqueue_indirect_dma source(%dma_start3A_86 : memref<10000x128xf32, #tpu.memory_space<hbm>>) target(%arg12 : memref<32x128xf32, #tpu.memory_space<vmem>>) offsets(%dma_start3A_83 : memref<32xi32, #tpu.memory_space<vmem>>) semaphore(%arg18 : memref<!tpu.dma_semaphore, #tpu.memory_space<semaphore_mem>>)
    %scan3A = arith.constant 0 : i32
    %scan3A_87 = arith.constant 0 : i32
    %scan3A_88 = arith.constant 40 : i32
    %scan3A_89 = arith.addi %scan3A_87, %scan3A_88 : i32
    %scan3A_90 = arith.constant 1 : i32
    scf.for %scan3A_97 = %scan3A_87 to %scan3A_89 step %scan3A_90  : i32 {
      %and3A = arith.constant 1 : i32
      %and3A_98 = arith.andi %scan3A_97, %and3A : i32
      %mul3A_99 = arith.constant 8 : i32
      %mul3A_100 = arith.muli %and3A_98, %mul3A_99 : i32
      %sub3A = arith.constant 8 : i32
      %sub3A_101 = arith.subi %sub3A, %mul3A_100 : i32
      %gt3A = arith.constant 0 : i32
      %gt3A_102 = arith.cmpi sgt, %scan3A_97, %gt3A : i32
      %convert_element_type3A = arith.extui %gt3A_102 : i1 to i32
      %cond3A = arith.constant 0 : i32
      %cond3A_103 = arith.cmpi ne, %convert_element_type3A, %cond3A : i32
      scf.if %cond3A_103 {
        %mul3A_321 = arith.constant 8 : i32
        %mul3A_322 = arith.muli %scan3A_97, %mul3A_321 : i32
        %mul3A_323 = arith.constant 8 : i32
        %mul3A_324 = arith.muli %scan3A_97, %mul3A_323 : i32
        %dma_wait3A_325 = arith.constant 0 : i32
        %dma_wait3A_326 = tpu.memref_slice %arg7[%mul3A_100, %dma_wait3A_325] : memref<16x32xi32, #tpu.memory_space<vmem>> -> memref<8x32xi32, #tpu.memory_space<vmem>>
        %dma_wait3A_327 = arith.constant 0 : i32
        %dma_wait3A_328 = tpu.memref_slice %arg3[%add3A, %mul3A_322, %dma_wait3A_327] : memref<32x320x32xi32, #tpu.memory_space<hbm>> -> memref<1x8x32xi32, #tpu.memory_space<hbm>>
        %dma_wait3A_329 = tpu.memref_squeeze %dma_wait3A_328 : memref<1x8x32xi32, #tpu.memory_space<hbm>> -> memref<8x32xi32, #tpu.memory_space<hbm>>
        %dma_wait3A_330 = arith.constant 0 : i32
        %dma_wait3A_331 = tpu.memref_slice %arg7[%mul3A_100, %dma_wait3A_330] : memref<16x32xi32, #tpu.memory_space<vmem>> -> memref<8x32xi32, #tpu.memory_space<vmem>>
        %dma_wait3A_332 = arith.constant 0 : i32
        %dma_wait3A_333 = tpu.memref_slice %arg3[%add3A, %mul3A_322, %dma_wait3A_332] : memref<32x320x32xi32, #tpu.memory_space<hbm>> -> memref<1x8x32xi32, #tpu.memory_space<hbm>>
        %dma_wait3A_334 = tpu.memref_squeeze %dma_wait3A_333 : memref<1x8x32xi32, #tpu.memory_space<hbm>> -> memref<8x32xi32, #tpu.memory_space<hbm>>
        tpu.wait_dma2 semaphore(%arg22 : memref<!tpu.dma_semaphore, #tpu.memory_space<semaphore_mem>>) src(%dma_wait3A_334 : memref<8x32xi32, #tpu.memory_space<hbm>>) dst(%dma_wait3A_331 : memref<8x32xi32, #tpu.memory_space<vmem>>)
        %dma_wait3A_335 = arith.constant 0 : i32
        %dma_wait3A_336 = tpu.memref_slice %arg8[%mul3A_100, %dma_wait3A_335] : memref<16x32xi32, #tpu.memory_space<vmem>> -> memref<8x32xi32, #tpu.memory_space<vmem>>
        %dma_wait3A_337 = arith.constant 0 : i32
        %dma_wait3A_338 = tpu.memref_slice %arg4[%add3A, %mul3A_324, %dma_wait3A_337] : memref<32x320x32xi32, #tpu.memory_space<hbm>> -> memref<1x8x32xi32, #tpu.memory_space<hbm>>
        %dma_wait3A_339 = tpu.memref_squeeze %dma_wait3A_338 : memref<1x8x32xi32, #tpu.memory_space<hbm>> -> memref<8x32xi32, #tpu.memory_space<hbm>>
        %dma_wait3A_340 = arith.constant 0 : i32
        %dma_wait3A_341 = tpu.memref_slice %arg8[%mul3A_100, %dma_wait3A_340] : memref<16x32xi32, #tpu.memory_space<vmem>> -> memref<8x32xi32, #tpu.memory_space<vmem>>
        %dma_wait3A_342 = arith.constant 0 : i32
        %dma_wait3A_343 = tpu.memref_slice %arg4[%add3A, %mul3A_324, %dma_wait3A_342] : memref<32x320x32xi32, #tpu.memory_space<hbm>> -> memref<1x8x32xi32, #tpu.memory_space<hbm>>
        %dma_wait3A_344 = tpu.memref_squeeze %dma_wait3A_343 : memref<1x8x32xi32, #tpu.memory_space<hbm>> -> memref<8x32xi32, #tpu.memory_space<hbm>>
        tpu.wait_dma2 semaphore(%arg22 : memref<!tpu.dma_semaphore, #tpu.memory_space<semaphore_mem>>) src(%dma_wait3A_344 : memref<8x32xi32, #tpu.memory_space<hbm>>) dst(%dma_wait3A_341 : memref<8x32xi32, #tpu.memory_space<vmem>>)
      } else {
      }
      %add3A_104 = arith.constant 4 : i32
      %add3A_105 = arith.addi %mul3A_100, %add3A_104 : i32
      %add3A_106 = arith.constant 0 : i32
      %add3A_107 = arith.addi %add3A_105, %add3A_106 : i32
      %dma_start3A_108 = arith.constant 0 : i32
      %dma_start3A_109 = tpu.memref_slice %arg7[%add3A_107, %dma_start3A_108] : memref<16x32xi32, #tpu.memory_space<vmem>> -> memref<1x32xi32, #tpu.memory_space<vmem>>
      %dma_start3A_110 = tpu.memref_squeeze %dma_start3A_109 : memref<1x32xi32, #tpu.memory_space<vmem>> -> memref<32xi32, #tpu.memory_space<vmem>>
      %dma_start3A_111 = arith.constant 0 : i32
      %dma_start3A_112 = arith.constant 0 : i32
      %dma_start3A_113 = tpu.memref_slice %arg2[%dma_start3A_111, %dma_start3A_112] : memref<10000x128xf32, #tpu.memory_space<hbm>> -> memref<10000x128xf32, #tpu.memory_space<hbm>>
      tpu.enqueue_indirect_dma source(%dma_start3A_113 : memref<10000x128xf32, #tpu.memory_space<hbm>>) target(%arg13 : memref<32x128xf32, #tpu.memory_space<vmem>>) offsets(%dma_start3A_110 : memref<32xi32, #tpu.memory_space<vmem>>) semaphore(%arg19 : memref<!tpu.dma_semaphore, #tpu.memory_space<semaphore_mem>>)
      %add3A_114 = arith.constant 1 : i32
      %add3A_115 = arith.addi %add3A_105, %add3A_114 : i32
      %dma_start3A_116 = arith.constant 0 : i32
      %dma_start3A_117 = tpu.memref_slice %arg7[%add3A_115, %dma_start3A_116] : memref<16x32xi32, #tpu.memory_space<vmem>> -> memref<1x32xi32, #tpu.memory_space<vmem>>
      %dma_start3A_118 = tpu.memref_squeeze %dma_start3A_117 : memref<1x32xi32, #tpu.memory_space<vmem>> -> memref<32xi32, #tpu.memory_space<vmem>>
      %dma_start3A_119 = arith.constant 0 : i32
      %dma_start3A_120 = arith.constant 0 : i32
      %dma_start3A_121 = tpu.memref_slice %arg2[%dma_start3A_119, %dma_start3A_120] : memref<10000x128xf32, #tpu.memory_space<hbm>> -> memref<10000x128xf32, #tpu.memory_space<hbm>>
      tpu.enqueue_indirect_dma source(%dma_start3A_121 : memref<10000x128xf32, #tpu.memory_space<hbm>>) target(%arg14 : memref<32x128xf32, #tpu.memory_space<vmem>>) offsets(%dma_start3A_118 : memref<32xi32, #tpu.memory_space<vmem>>) semaphore(%arg19 : memref<!tpu.dma_semaphore, #tpu.memory_space<semaphore_mem>>)
      %add3A_122 = arith.constant 2 : i32
      %add3A_123 = arith.addi %add3A_105, %add3A_122 : i32
      %dma_start3A_124 = arith.constant 0 : i32
      %dma_start3A_125 = tpu.memref_slice %arg7[%add3A_123, %dma_start3A_124] : memref<16x32xi32, #tpu.memory_space<vmem>> -> memref<1x32xi32, #tpu.memory_space<vmem>>
      %dma_start3A_126 = tpu.memref_squeeze %dma_start3A_125 : memref<1x32xi32, #tpu.memory_space<vmem>> -> memref<32xi32, #tpu.memory_space<vmem>>
      %dma_start3A_127 = arith.constant 0 : i32
      %dma_start3A_128 = arith.constant 0 : i32
      %dma_start3A_129 = tpu.memref_slice %arg2[%dma_start3A_127, %dma_start3A_128] : memref<10000x128xf32, #tpu.memory_space<hbm>> -> memref<10000x128xf32, #tpu.memory_space<hbm>>
      tpu.enqueue_indirect_dma source(%dma_start3A_129 : memref<10000x128xf32, #tpu.memory_space<hbm>>) target(%arg15 : memref<32x128xf32, #tpu.memory_space<vmem>>) offsets(%dma_start3A_126 : memref<32xi32, #tpu.memory_space<vmem>>) semaphore(%arg19 : memref<!tpu.dma_semaphore, #tpu.memory_space<semaphore_mem>>)
      %add3A_130 = arith.constant 3 : i32
      %add3A_131 = arith.addi %add3A_105, %add3A_130 : i32
      %dma_start3A_132 = arith.constant 0 : i32
      %dma_start3A_133 = tpu.memref_slice %arg7[%add3A_131, %dma_start3A_132] : memref<16x32xi32, #tpu.memory_space<vmem>> -> memref<1x32xi32, #tpu.memory_space<vmem>>
      %dma_start3A_134 = tpu.memref_squeeze %dma_start3A_133 : memref<1x32xi32, #tpu.memory_space<vmem>> -> memref<32xi32, #tpu.memory_space<vmem>>
      %dma_start3A_135 = arith.constant 0 : i32
      %dma_start3A_136 = arith.constant 0 : i32
      %dma_start3A_137 = tpu.memref_slice %arg2[%dma_start3A_135, %dma_start3A_136] : memref<10000x128xf32, #tpu.memory_space<hbm>> -> memref<10000x128xf32, #tpu.memory_space<hbm>>
      tpu.enqueue_indirect_dma source(%dma_start3A_137 : memref<10000x128xf32, #tpu.memory_space<hbm>>) target(%arg16 : memref<32x128xf32, #tpu.memory_space<vmem>>) offsets(%dma_start3A_134 : memref<32xi32, #tpu.memory_space<vmem>>) semaphore(%arg19 : memref<!tpu.dma_semaphore, #tpu.memory_space<semaphore_mem>>)
      %add3A_138 = arith.constant 1 : i32
      %add3A_139 = arith.addi %scan3A_97, %add3A_138 : i32
      %lt3A = arith.constant 40 : i32
      %lt3A_140 = arith.cmpi slt, %add3A_139, %lt3A : i32
      %convert_element_type3A_141 = arith.extui %lt3A_140 : i1 to i32
      %cond3A_142 = arith.constant 0 : i32
      %cond3A_143 = arith.cmpi ne, %convert_element_type3A_141, %cond3A_142 : i32
      scf.if %cond3A_143 {
        %add3A_321 = arith.constant 1 : i32
        %add3A_322 = arith.addi %scan3A_97, %add3A_321 : i32
        %mul3A_323 = arith.constant 8 : i32
        %mul3A_324 = arith.muli %add3A_322, %mul3A_323 : i32
        %mul3A_325 = arith.constant 8 : i32
        %mul3A_326 = arith.muli %add3A_322, %mul3A_325 : i32
        %dma_start3A_327 = arith.constant 0 : i32
        %dma_start3A_328 = tpu.memref_slice %arg7[%sub3A_101, %dma_start3A_327] : memref<16x32xi32, #tpu.memory_space<vmem>> -> memref<8x32xi32, #tpu.memory_space<vmem>>
        %dma_start3A_329 = arith.constant 0 : i32
        %dma_start3A_330 = tpu.memref_slice %arg3[%add3A, %mul3A_324, %dma_start3A_329] : memref<32x320x32xi32, #tpu.memory_space<hbm>> -> memref<1x8x32xi32, #tpu.memory_space<hbm>>
        %dma_start3A_331 = tpu.memref_squeeze %dma_start3A_330 : memref<1x8x32xi32, #tpu.memory_space<hbm>> -> memref<8x32xi32, #tpu.memory_space<hbm>>
        %dma_start3A_332 = arith.constant 0 : i32
        %dma_start3A_333 = tpu.memref_slice %arg7[%sub3A_101, %dma_start3A_332] : memref<16x32xi32, #tpu.memory_space<vmem>> -> memref<8x32xi32, #tpu.memory_space<vmem>>
        %dma_start3A_334 = arith.constant 0 : i32
        %dma_start3A_335 = tpu.memref_slice %arg3[%add3A, %mul3A_324, %dma_start3A_334] : memref<32x320x32xi32, #tpu.memory_space<hbm>> -> memref<1x8x32xi32, #tpu.memory_space<hbm>>
        %dma_start3A_336 = tpu.memref_squeeze %dma_start3A_335 : memref<1x8x32xi32, #tpu.memory_space<hbm>> -> memref<8x32xi32, #tpu.memory_space<hbm>>
        tpu.enqueue_dma source(%dma_start3A_336 : memref<8x32xi32, #tpu.memory_space<hbm>>) target(%dma_start3A_333 : memref<8x32xi32, #tpu.memory_space<vmem>>) target_semaphore(%arg22 : memref<!tpu.dma_semaphore, #tpu.memory_space<semaphore_mem>>)
        %dma_start3A_337 = arith.constant 0 : i32
        %dma_start3A_338 = tpu.memref_slice %arg8[%sub3A_101, %dma_start3A_337] : memref<16x32xi32, #tpu.memory_space<vmem>> -> memref<8x32xi32, #tpu.memory_space<vmem>>
        %dma_start3A_339 = arith.constant 0 : i32
        %dma_start3A_340 = tpu.memref_slice %arg4[%add3A, %mul3A_326, %dma_start3A_339] : memref<32x320x32xi32, #tpu.memory_space<hbm>> -> memref<1x8x32xi32, #tpu.memory_space<hbm>>
        %dma_start3A_341 = tpu.memref_squeeze %dma_start3A_340 : memref<1x8x32xi32, #tpu.memory_space<hbm>> -> memref<8x32xi32, #tpu.memory_space<hbm>>
        %dma_start3A_342 = arith.constant 0 : i32
        %dma_start3A_343 = tpu.memref_slice %arg8[%sub3A_101, %dma_start3A_342] : memref<16x32xi32, #tpu.memory_space<vmem>> -> memref<8x32xi32, #tpu.memory_space<vmem>>
        %dma_start3A_344 = arith.constant 0 : i32
        %dma_start3A_345 = tpu.memref_slice %arg4[%add3A, %mul3A_326, %dma_start3A_344] : memref<32x320x32xi32, #tpu.memory_space<hbm>> -> memref<1x8x32xi32, #tpu.memory_space<hbm>>
        %dma_start3A_346 = tpu.memref_squeeze %dma_start3A_345 : memref<1x8x32xi32, #tpu.memory_space<hbm>> -> memref<8x32xi32, #tpu.memory_space<hbm>>
        tpu.enqueue_dma source(%dma_start3A_346 : memref<8x32xi32, #tpu.memory_space<hbm>>) target(%dma_start3A_343 : memref<8x32xi32, #tpu.memory_space<vmem>>) target_semaphore(%arg22 : memref<!tpu.dma_semaphore, #tpu.memory_space<semaphore_mem>>)
      } else {
      }
      %add3A_144 = arith.constant 0 : i32
      %add3A_145 = arith.addi %mul3A_100, %add3A_144 : i32
      %dma_wait3A_146 = arith.constant 0 : i32
      %dma_wait3A_147 = tpu.memref_slice %arg7[%add3A_145, %dma_wait3A_146] : memref<16x32xi32, #tpu.memory_space<vmem>> -> memref<1x32xi32, #tpu.memory_space<vmem>>
      %dma_wait3A_148 = tpu.memref_squeeze %dma_wait3A_147 : memref<1x32xi32, #tpu.memory_space<vmem>> -> memref<32xi32, #tpu.memory_space<vmem>>
      %dma_wait3A_149 = arith.constant 0 : i32
      %dma_wait3A_150 = arith.constant 0 : i32
      %dma_wait3A_151 = tpu.memref_slice %arg2[%dma_wait3A_149, %dma_wait3A_150] : memref<10000x128xf32, #tpu.memory_space<hbm>> -> memref<10000x128xf32, #tpu.memory_space<hbm>>
      tpu.wait_indirect_dma semaphore(%arg18 : memref<!tpu.dma_semaphore, #tpu.memory_space<semaphore_mem>>) src(%dma_wait3A_151 : memref<10000x128xf32, #tpu.memory_space<hbm>>) dst(%arg9 : memref<32x128xf32, #tpu.memory_space<vmem>>)
      %add3A_152 = arith.constant 1 : i32
      %add3A_153 = arith.addi %mul3A_100, %add3A_152 : i32
      %dma_wait3A_154 = arith.constant 0 : i32
      %dma_wait3A_155 = tpu.memref_slice %arg7[%add3A_153, %dma_wait3A_154] : memref<16x32xi32, #tpu.memory_space<vmem>> -> memref<1x32xi32, #tpu.memory_space<vmem>>
      %dma_wait3A_156 = tpu.memref_squeeze %dma_wait3A_155 : memref<1x32xi32, #tpu.memory_space<vmem>> -> memref<32xi32, #tpu.memory_space<vmem>>
      %dma_wait3A_157 = arith.constant 0 : i32
      %dma_wait3A_158 = arith.constant 0 : i32
      %dma_wait3A_159 = tpu.memref_slice %arg2[%dma_wait3A_157, %dma_wait3A_158] : memref<10000x128xf32, #tpu.memory_space<hbm>> -> memref<10000x128xf32, #tpu.memory_space<hbm>>
      tpu.wait_indirect_dma semaphore(%arg18 : memref<!tpu.dma_semaphore, #tpu.memory_space<semaphore_mem>>) src(%dma_wait3A_159 : memref<10000x128xf32, #tpu.memory_space<hbm>>) dst(%arg10 : memref<32x128xf32, #tpu.memory_space<vmem>>)
      %add3A_160 = arith.constant 2 : i32
      %add3A_161 = arith.addi %mul3A_100, %add3A_160 : i32
      %dma_wait3A_162 = arith.constant 0 : i32
      %dma_wait3A_163 = tpu.memref_slice %arg7[%add3A_161, %dma_wait3A_162] : memref<16x32xi32, #tpu.memory_space<vmem>> -> memref<1x32xi32, #tpu.memory_space<vmem>>
      %dma_wait3A_164 = tpu.memref_squeeze %dma_wait3A_163 : memref<1x32xi32, #tpu.memory_space<vmem>> -> memref<32xi32, #tpu.memory_space<vmem>>
      %dma_wait3A_165 = arith.constant 0 : i32
      %dma_wait3A_166 = arith.constant 0 : i32
      %dma_wait3A_167 = tpu.memref_slice %arg2[%dma_wait3A_165, %dma_wait3A_166] : memref<10000x128xf32, #tpu.memory_space<hbm>> -> memref<10000x128xf32, #tpu.memory_space<hbm>>
      tpu.wait_indirect_dma semaphore(%arg18 : memref<!tpu.dma_semaphore, #tpu.memory_space<semaphore_mem>>) src(%dma_wait3A_167 : memref<10000x128xf32, #tpu.memory_space<hbm>>) dst(%arg11 : memref<32x128xf32, #tpu.memory_space<vmem>>)
      %add3A_168 = arith.constant 3 : i32
      %add3A_169 = arith.addi %mul3A_100, %add3A_168 : i32
      %dma_wait3A_170 = arith.constant 0 : i32
      %dma_wait3A_171 = tpu.memref_slice %arg7[%add3A_169, %dma_wait3A_170] : memref<16x32xi32, #tpu.memory_space<vmem>> -> memref<1x32xi32, #tpu.memory_space<vmem>>
      %dma_wait3A_172 = tpu.memref_squeeze %dma_wait3A_171 : memref<1x32xi32, #tpu.memory_space<vmem>> -> memref<32xi32, #tpu.memory_space<vmem>>
      %dma_wait3A_173 = arith.constant 0 : i32
      %dma_wait3A_174 = arith.constant 0 : i32
      %dma_wait3A_175 = tpu.memref_slice %arg2[%dma_wait3A_173, %dma_wait3A_174] : memref<10000x128xf32, #tpu.memory_space<hbm>> -> memref<10000x128xf32, #tpu.memory_space<hbm>>
      tpu.wait_indirect_dma semaphore(%arg18 : memref<!tpu.dma_semaphore, #tpu.memory_space<semaphore_mem>>) src(%dma_wait3A_175 : memref<10000x128xf32, #tpu.memory_space<hbm>>) dst(%arg12 : memref<32x128xf32, #tpu.memory_space<vmem>>)
      %add3A_176 = arith.constant 0 : i32
      %add3A_177 = arith.addi %mul3A_100, %add3A_176 : i32
      %dma_start3A_178 = arith.constant 0 : i32
      %dma_start3A_179 = tpu.memref_slice %arg8[%add3A_177, %dma_start3A_178] : memref<16x32xi32, #tpu.memory_space<vmem>> -> memref<1x32xi32, #tpu.memory_space<vmem>>
      %dma_start3A_180 = tpu.memref_squeeze %dma_start3A_179 : memref<1x32xi32, #tpu.memory_space<vmem>> -> memref<32xi32, #tpu.memory_space<vmem>>
      %dma_start3A_181 = arith.constant 0 : i32
      %dma_start3A_182 = arith.constant 0 : i32
      %dma_start3A_183 = tpu.memref_slice %arg17[%dma_start3A_181, %dma_start3A_182] : memref<10248x128xf32, #tpu.memory_space<vmem_shared>> -> memref<10248x128xf32, #tpu.memory_space<vmem_shared>>
      tpu.enqueue_indirect_dma source(%arg9 : memref<32x128xf32, #tpu.memory_space<vmem>>) target(%dma_start3A_183 : memref<10248x128xf32, #tpu.memory_space<vmem_shared>>) offsets(%dma_start3A_180 : memref<32xi32, #tpu.memory_space<vmem>>) semaphore(%arg20 : memref<!tpu.dma_semaphore, #tpu.memory_space<semaphore_mem>>) {add = true}
      %add3A_184 = arith.constant 1 : i32
      %add3A_185 = arith.addi %mul3A_100, %add3A_184 : i32
      %dma_start3A_186 = arith.constant 0 : i32
      %dma_start3A_187 = tpu.memref_slice %arg8[%add3A_185, %dma_start3A_186] : memref<16x32xi32, #tpu.memory_space<vmem>> -> memref<1x32xi32, #tpu.memory_space<vmem>>
      %dma_start3A_188 = tpu.memref_squeeze %dma_start3A_187 : memref<1x32xi32, #tpu.memory_space<vmem>> -> memref<32xi32, #tpu.memory_space<vmem>>
      %dma_start3A_189 = arith.constant 0 : i32
      %dma_start3A_190 = arith.constant 0 : i32
      %dma_start3A_191 = tpu.memref_slice %arg17[%dma_start3A_189, %dma_start3A_190] : memref<10248x128xf32, #tpu.memory_space<vmem_shared>> -> memref<10248x128xf32, #tpu.memory_space<vmem_shared>>
      tpu.enqueue_indirect_dma source(%arg10 : memref<32x128xf32, #tpu.memory_space<vmem>>) target(%dma_start3A_191 : memref<10248x128xf32, #tpu.memory_space<vmem_shared>>) offsets(%dma_start3A_188 : memref<32xi32, #tpu.memory_space<vmem>>) semaphore(%arg20 : memref<!tpu.dma_semaphore, #tpu.memory_space<semaphore_mem>>) {add = true}
      %add3A_192 = arith.constant 2 : i32
      %add3A_193 = arith.addi %mul3A_100, %add3A_192 : i32
      %dma_start3A_194 = arith.constant 0 : i32
      %dma_start3A_195 = tpu.memref_slice %arg8[%add3A_193, %dma_start3A_194] : memref<16x32xi32, #tpu.memory_space<vmem>> -> memref<1x32xi32, #tpu.memory_space<vmem>>
      %dma_start3A_196 = tpu.memref_squeeze %dma_start3A_195 : memref<1x32xi32, #tpu.memory_space<vmem>> -> memref<32xi32, #tpu.memory_space<vmem>>
      %dma_start3A_197 = arith.constant 0 : i32
      %dma_start3A_198 = arith.constant 0 : i32
      %dma_start3A_199 = tpu.memref_slice %arg17[%dma_start3A_197, %dma_start3A_198] : memref<10248x128xf32, #tpu.memory_space<vmem_shared>> -> memref<10248x128xf32, #tpu.memory_space<vmem_shared>>
      tpu.enqueue_indirect_dma source(%arg11 : memref<32x128xf32, #tpu.memory_space<vmem>>) target(%dma_start3A_199 : memref<10248x128xf32, #tpu.memory_space<vmem_shared>>) offsets(%dma_start3A_196 : memref<32xi32, #tpu.memory_space<vmem>>) semaphore(%arg20 : memref<!tpu.dma_semaphore, #tpu.memory_space<semaphore_mem>>) {add = true}
      %add3A_200 = arith.constant 3 : i32
      %add3A_201 = arith.addi %mul3A_100, %add3A_200 : i32
      %dma_start3A_202 = arith.constant 0 : i32
      %dma_start3A_203 = tpu.memref_slice %arg8[%add3A_201, %dma_start3A_202] : memref<16x32xi32, #tpu.memory_space<vmem>> -> memref<1x32xi32, #tpu.memory_space<vmem>>
      %dma_start3A_204 = tpu.memref_squeeze %dma_start3A_203 : memref<1x32xi32, #tpu.memory_space<vmem>> -> memref<32xi32, #tpu.memory_space<vmem>>
      %dma_start3A_205 = arith.constant 0 : i32
      %dma_start3A_206 = arith.constant 0 : i32
      %dma_start3A_207 = tpu.memref_slice %arg17[%dma_start3A_205, %dma_start3A_206] : memref<10248x128xf32, #tpu.memory_space<vmem_shared>> -> memref<10248x128xf32, #tpu.memory_space<vmem_shared>>
      tpu.enqueue_indirect_dma source(%arg12 : memref<32x128xf32, #tpu.memory_space<vmem>>) target(%dma_start3A_207 : memref<10248x128xf32, #tpu.memory_space<vmem_shared>>) offsets(%dma_start3A_204 : memref<32xi32, #tpu.memory_space<vmem>>) semaphore(%arg20 : memref<!tpu.dma_semaphore, #tpu.memory_space<semaphore_mem>>) {add = true}
      %dma_wait3A_208 = arith.constant 0 : i32
      %dma_wait3A_209 = tpu.memref_slice %arg7[%add3A_107, %dma_wait3A_208] : memref<16x32xi32, #tpu.memory_space<vmem>> -> memref<1x32xi32, #tpu.memory_space<vmem>>
      %dma_wait3A_210 = tpu.memref_squeeze %dma_wait3A_209 : memref<1x32xi32, #tpu.memory_space<vmem>> -> memref<32xi32, #tpu.memory_space<vmem>>
      %dma_wait3A_211 = arith.constant 0 : i32
      %dma_wait3A_212 = arith.constant 0 : i32
      %dma_wait3A_213 = tpu.memref_slice %arg2[%dma_wait3A_211, %dma_wait3A_212] : memref<10000x128xf32, #tpu.memory_space<hbm>> -> memref<10000x128xf32, #tpu.memory_space<hbm>>
      tpu.wait_indirect_dma semaphore(%arg19 : memref<!tpu.dma_semaphore, #tpu.memory_space<semaphore_mem>>) src(%dma_wait3A_213 : memref<10000x128xf32, #tpu.memory_space<hbm>>) dst(%arg13 : memref<32x128xf32, #tpu.memory_space<vmem>>)
      %dma_wait3A_214 = arith.constant 0 : i32
      %dma_wait3A_215 = tpu.memref_slice %arg7[%add3A_115, %dma_wait3A_214] : memref<16x32xi32, #tpu.memory_space<vmem>> -> memref<1x32xi32, #tpu.memory_space<vmem>>
      %dma_wait3A_216 = tpu.memref_squeeze %dma_wait3A_215 : memref<1x32xi32, #tpu.memory_space<vmem>> -> memref<32xi32, #tpu.memory_space<vmem>>
      %dma_wait3A_217 = arith.constant 0 : i32
      %dma_wait3A_218 = arith.constant 0 : i32
      %dma_wait3A_219 = tpu.memref_slice %arg2[%dma_wait3A_217, %dma_wait3A_218] : memref<10000x128xf32, #tpu.memory_space<hbm>> -> memref<10000x128xf32, #tpu.memory_space<hbm>>
      tpu.wait_indirect_dma semaphore(%arg19 : memref<!tpu.dma_semaphore, #tpu.memory_space<semaphore_mem>>) src(%dma_wait3A_219 : memref<10000x128xf32, #tpu.memory_space<hbm>>) dst(%arg14 : memref<32x128xf32, #tpu.memory_space<vmem>>)
      %dma_wait3A_220 = arith.constant 0 : i32
      %dma_wait3A_221 = tpu.memref_slice %arg7[%add3A_123, %dma_wait3A_220] : memref<16x32xi32, #tpu.memory_space<vmem>> -> memref<1x32xi32, #tpu.memory_space<vmem>>
      %dma_wait3A_222 = tpu.memref_squeeze %dma_wait3A_221 : memref<1x32xi32, #tpu.memory_space<vmem>> -> memref<32xi32, #tpu.memory_space<vmem>>
      %dma_wait3A_223 = arith.constant 0 : i32
      %dma_wait3A_224 = arith.constant 0 : i32
      %dma_wait3A_225 = tpu.memref_slice %arg2[%dma_wait3A_223, %dma_wait3A_224] : memref<10000x128xf32, #tpu.memory_space<hbm>> -> memref<10000x128xf32, #tpu.memory_space<hbm>>
      tpu.wait_indirect_dma semaphore(%arg19 : memref<!tpu.dma_semaphore, #tpu.memory_space<semaphore_mem>>) src(%dma_wait3A_225 : memref<10000x128xf32, #tpu.memory_space<hbm>>) dst(%arg15 : memref<32x128xf32, #tpu.memory_space<vmem>>)
      %dma_wait3A_226 = arith.constant 0 : i32
      %dma_wait3A_227 = tpu.memref_slice %arg7[%add3A_131, %dma_wait3A_226] : memref<16x32xi32, #tpu.memory_space<vmem>> -> memref<1x32xi32, #tpu.memory_space<vmem>>
      %dma_wait3A_228 = tpu.memref_squeeze %dma_wait3A_227 : memref<1x32xi32, #tpu.memory_space<vmem>> -> memref<32xi32, #tpu.memory_space<vmem>>
      %dma_wait3A_229 = arith.constant 0 : i32
      %dma_wait3A_230 = arith.constant 0 : i32
      %dma_wait3A_231 = tpu.memref_slice %arg2[%dma_wait3A_229, %dma_wait3A_230] : memref<10000x128xf32, #tpu.memory_space<hbm>> -> memref<10000x128xf32, #tpu.memory_space<hbm>>
      tpu.wait_indirect_dma semaphore(%arg19 : memref<!tpu.dma_semaphore, #tpu.memory_space<semaphore_mem>>) src(%dma_wait3A_231 : memref<10000x128xf32, #tpu.memory_space<hbm>>) dst(%arg16 : memref<32x128xf32, #tpu.memory_space<vmem>>)
      %add3A_232 = arith.constant 4 : i32
      %add3A_233 = arith.addi %mul3A_100, %add3A_232 : i32
      %add3A_234 = arith.constant 0 : i32
      %add3A_235 = arith.addi %add3A_233, %add3A_234 : i32
      %dma_start3A_236 = arith.constant 0 : i32
      %dma_start3A_237 = tpu.memref_slice %arg8[%add3A_235, %dma_start3A_236] : memref<16x32xi32, #tpu.memory_space<vmem>> -> memref<1x32xi32, #tpu.memory_space<vmem>>
      %dma_start3A_238 = tpu.memref_squeeze %dma_start3A_237 : memref<1x32xi32, #tpu.memory_space<vmem>> -> memref<32xi32, #tpu.memory_space<vmem>>
      %dma_start3A_239 = arith.constant 0 : i32
      %dma_start3A_240 = arith.constant 0 : i32
      %dma_start3A_241 = tpu.memref_slice %arg17[%dma_start3A_239, %dma_start3A_240] : memref<10248x128xf32, #tpu.memory_space<vmem_shared>> -> memref<10248x128xf32, #tpu.memory_space<vmem_shared>>
      tpu.enqueue_indirect_dma source(%arg13 : memref<32x128xf32, #tpu.memory_space<vmem>>) target(%dma_start3A_241 : memref<10248x128xf32, #tpu.memory_space<vmem_shared>>) offsets(%dma_start3A_238 : memref<32xi32, #tpu.memory_space<vmem>>) semaphore(%arg21 : memref<!tpu.dma_semaphore, #tpu.memory_space<semaphore_mem>>) {add = true}
      %add3A_242 = arith.constant 1 : i32
      %add3A_243 = arith.addi %add3A_233, %add3A_242 : i32
      %dma_start3A_244 = arith.constant 0 : i32
      %dma_start3A_245 = tpu.memref_slice %arg8[%add3A_243, %dma_start3A_244] : memref<16x32xi32, #tpu.memory_space<vmem>> -> memref<1x32xi32, #tpu.memory_space<vmem>>
      %dma_start3A_246 = tpu.memref_squeeze %dma_start3A_245 : memref<1x32xi32, #tpu.memory_space<vmem>> -> memref<32xi32, #tpu.memory_space<vmem>>
      %dma_start3A_247 = arith.constant 0 : i32
      %dma_start3A_248 = arith.constant 0 : i32
      %dma_start3A_249 = tpu.memref_slice %arg17[%dma_start3A_247, %dma_start3A_248] : memref<10248x128xf32, #tpu.memory_space<vmem_shared>> -> memref<10248x128xf32, #tpu.memory_space<vmem_shared>>
      tpu.enqueue_indirect_dma source(%arg14 : memref<32x128xf32, #tpu.memory_space<vmem>>) target(%dma_start3A_249 : memref<10248x128xf32, #tpu.memory_space<vmem_shared>>) offsets(%dma_start3A_246 : memref<32xi32, #tpu.memory_space<vmem>>) semaphore(%arg21 : memref<!tpu.dma_semaphore, #tpu.memory_space<semaphore_mem>>) {add = true}
      %add3A_250 = arith.constant 2 : i32
      %add3A_251 = arith.addi %add3A_233, %add3A_250 : i32
      %dma_start3A_252 = arith.constant 0 : i32
      %dma_start3A_253 = tpu.memref_slice %arg8[%add3A_251, %dma_start3A_252] : memref<16x32xi32, #tpu.memory_space<vmem>> -> memref<1x32xi32, #tpu.memory_space<vmem>>
      %dma_start3A_254 = tpu.memref_squeeze %dma_start3A_253 : memref<1x32xi32, #tpu.memory_space<vmem>> -> memref<32xi32, #tpu.memory_space<vmem>>
      %dma_start3A_255 = arith.constant 0 : i32
      %dma_start3A_256 = arith.constant 0 : i32
      %dma_start3A_257 = tpu.memref_slice %arg17[%dma_start3A_255, %dma_start3A_256] : memref<10248x128xf32, #tpu.memory_space<vmem_shared>> -> memref<10248x128xf32, #tpu.memory_space<vmem_shared>>
      tpu.enqueue_indirect_dma source(%arg15 : memref<32x128xf32, #tpu.memory_space<vmem>>) target(%dma_start3A_257 : memref<10248x128xf32, #tpu.memory_space<vmem_shared>>) offsets(%dma_start3A_254 : memref<32xi32, #tpu.memory_space<vmem>>) semaphore(%arg21 : memref<!tpu.dma_semaphore, #tpu.memory_space<semaphore_mem>>) {add = true}
      %add3A_258 = arith.constant 3 : i32
      %add3A_259 = arith.addi %add3A_233, %add3A_258 : i32
      %dma_start3A_260 = arith.constant 0 : i32
      %dma_start3A_261 = tpu.memref_slice %arg8[%add3A_259, %dma_start3A_260] : memref<16x32xi32, #tpu.memory_space<vmem>> -> memref<1x32xi32, #tpu.memory_space<vmem>>
      %dma_start3A_262 = tpu.memref_squeeze %dma_start3A_261 : memref<1x32xi32, #tpu.memory_space<vmem>> -> memref<32xi32, #tpu.memory_space<vmem>>
      %dma_start3A_263 = arith.constant 0 : i32
      %dma_start3A_264 = arith.constant 0 : i32
      %dma_start3A_265 = tpu.memref_slice %arg17[%dma_start3A_263, %dma_start3A_264] : memref<10248x128xf32, #tpu.memory_space<vmem_shared>> -> memref<10248x128xf32, #tpu.memory_space<vmem_shared>>
      tpu.enqueue_indirect_dma source(%arg16 : memref<32x128xf32, #tpu.memory_space<vmem>>) target(%dma_start3A_265 : memref<10248x128xf32, #tpu.memory_space<vmem_shared>>) offsets(%dma_start3A_262 : memref<32xi32, #tpu.memory_space<vmem>>) semaphore(%arg21 : memref<!tpu.dma_semaphore, #tpu.memory_space<semaphore_mem>>) {add = true}
      %dma_wait3A_266 = arith.constant 0 : i32
      %dma_wait3A_267 = tpu.memref_slice %arg8[%add3A_177, %dma_wait3A_266] : memref<16x32xi32, #tpu.memory_space<vmem>> -> memref<1x32xi32, #tpu.memory_space<vmem>>
      %dma_wait3A_268 = tpu.memref_squeeze %dma_wait3A_267 : memref<1x32xi32, #tpu.memory_space<vmem>> -> memref<32xi32, #tpu.memory_space<vmem>>
      %dma_wait3A_269 = arith.constant 0 : i32
      %dma_wait3A_270 = arith.constant 0 : i32
      %dma_wait3A_271 = tpu.memref_slice %arg17[%dma_wait3A_269, %dma_wait3A_270] : memref<10248x128xf32, #tpu.memory_space<vmem_shared>> -> memref<10248x128xf32, #tpu.memory_space<vmem_shared>>
      tpu.wait_indirect_dma semaphore(%arg20 : memref<!tpu.dma_semaphore, #tpu.memory_space<semaphore_mem>>) src(%arg9 : memref<32x128xf32, #tpu.memory_space<vmem>>) dst(%dma_wait3A_271 : memref<10248x128xf32, #tpu.memory_space<vmem_shared>>)
      %dma_wait3A_272 = arith.constant 0 : i32
      %dma_wait3A_273 = tpu.memref_slice %arg8[%add3A_185, %dma_wait3A_272] : memref<16x32xi32, #tpu.memory_space<vmem>> -> memref<1x32xi32, #tpu.memory_space<vmem>>
      %dma_wait3A_274 = tpu.memref_squeeze %dma_wait3A_273 : memref<1x32xi32, #tpu.memory_space<vmem>> -> memref<32xi32, #tpu.memory_space<vmem>>
      %dma_wait3A_275 = arith.constant 0 : i32
      %dma_wait3A_276 = arith.constant 0 : i32
      %dma_wait3A_277 = tpu.memref_slice %arg17[%dma_wait3A_275, %dma_wait3A_276] : memref<10248x128xf32, #tpu.memory_space<vmem_shared>> -> memref<10248x128xf32, #tpu.memory_space<vmem_shared>>
      tpu.wait_indirect_dma semaphore(%arg20 : memref<!tpu.dma_semaphore, #tpu.memory_space<semaphore_mem>>) src(%arg10 : memref<32x128xf32, #tpu.memory_space<vmem>>) dst(%dma_wait3A_277 : memref<10248x128xf32, #tpu.memory_space<vmem_shared>>)
      %dma_wait3A_278 = arith.constant 0 : i32
      %dma_wait3A_279 = tpu.memref_slice %arg8[%add3A_193, %dma_wait3A_278] : memref<16x32xi32, #tpu.memory_space<vmem>> -> memref<1x32xi32, #tpu.memory_space<vmem>>
      %dma_wait3A_280 = tpu.memref_squeeze %dma_wait3A_279 : memref<1x32xi32, #tpu.memory_space<vmem>> -> memref<32xi32, #tpu.memory_space<vmem>>
      %dma_wait3A_281 = arith.constant 0 : i32
      %dma_wait3A_282 = arith.constant 0 : i32
      %dma_wait3A_283 = tpu.memref_slice %arg17[%dma_wait3A_281, %dma_wait3A_282] : memref<10248x128xf32, #tpu.memory_space<vmem_shared>> -> memref<10248x128xf32, #tpu.memory_space<vmem_shared>>
      tpu.wait_indirect_dma semaphore(%arg20 : memref<!tpu.dma_semaphore, #tpu.memory_space<semaphore_mem>>) src(%arg11 : memref<32x128xf32, #tpu.memory_space<vmem>>) dst(%dma_wait3A_283 : memref<10248x128xf32, #tpu.memory_space<vmem_shared>>)
      %dma_wait3A_284 = arith.constant 0 : i32
      %dma_wait3A_285 = tpu.memref_slice %arg8[%add3A_201, %dma_wait3A_284] : memref<16x32xi32, #tpu.memory_space<vmem>> -> memref<1x32xi32, #tpu.memory_space<vmem>>
      %dma_wait3A_286 = tpu.memref_squeeze %dma_wait3A_285 : memref<1x32xi32, #tpu.memory_space<vmem>> -> memref<32xi32, #tpu.memory_space<vmem>>
      %dma_wait3A_287 = arith.constant 0 : i32
      %dma_wait3A_288 = arith.constant 0 : i32
      %dma_wait3A_289 = tpu.memref_slice %arg17[%dma_wait3A_287, %dma_wait3A_288] : memref<10248x128xf32, #tpu.memory_space<vmem_shared>> -> memref<10248x128xf32, #tpu.memory_space<vmem_shared>>
      tpu.wait_indirect_dma semaphore(%arg20 : memref<!tpu.dma_semaphore, #tpu.memory_space<semaphore_mem>>) src(%arg12 : memref<32x128xf32, #tpu.memory_space<vmem>>) dst(%dma_wait3A_289 : memref<10248x128xf32, #tpu.memory_space<vmem_shared>>)
      %add3A_290 = arith.constant 1 : i32
      %add3A_291 = arith.addi %scan3A_97, %add3A_290 : i32
      %lt3A_292 = arith.constant 40 : i32
      %lt3A_293 = arith.cmpi slt, %add3A_291, %lt3A_292 : i32
      %convert_element_type3A_294 = arith.extui %lt3A_293 : i1 to i32
      %cond3A_295 = arith.constant 0 : i32
      %cond3A_296 = arith.cmpi ne, %convert_element_type3A_294, %cond3A_295 : i32
      scf.if %cond3A_296 {
        %add3A_321 = arith.constant 0 : i32
        %add3A_322 = arith.addi %sub3A_101, %add3A_321 : i32
        %dma_start3A_323 = arith.constant 0 : i32
        %dma_start3A_324 = tpu.memref_slice %arg7[%add3A_322, %dma_start3A_323] : memref<16x32xi32, #tpu.memory_space<vmem>> -> memref<1x32xi32, #tpu.memory_space<vmem>>
        %dma_start3A_325 = tpu.memref_squeeze %dma_start3A_324 : memref<1x32xi32, #tpu.memory_space<vmem>> -> memref<32xi32, #tpu.memory_space<vmem>>
        %dma_start3A_326 = arith.constant 0 : i32
        %dma_start3A_327 = arith.constant 0 : i32
        %dma_start3A_328 = tpu.memref_slice %arg2[%dma_start3A_326, %dma_start3A_327] : memref<10000x128xf32, #tpu.memory_space<hbm>> -> memref<10000x128xf32, #tpu.memory_space<hbm>>
        tpu.enqueue_indirect_dma source(%dma_start3A_328 : memref<10000x128xf32, #tpu.memory_space<hbm>>) target(%arg9 : memref<32x128xf32, #tpu.memory_space<vmem>>) offsets(%dma_start3A_325 : memref<32xi32, #tpu.memory_space<vmem>>) semaphore(%arg18 : memref<!tpu.dma_semaphore, #tpu.memory_space<semaphore_mem>>)
        %add3A_329 = arith.constant 1 : i32
        %add3A_330 = arith.addi %sub3A_101, %add3A_329 : i32
        %dma_start3A_331 = arith.constant 0 : i32
        %dma_start3A_332 = tpu.memref_slice %arg7[%add3A_330, %dma_start3A_331] : memref<16x32xi32, #tpu.memory_space<vmem>> -> memref<1x32xi32, #tpu.memory_space<vmem>>
        %dma_start3A_333 = tpu.memref_squeeze %dma_start3A_332 : memref<1x32xi32, #tpu.memory_space<vmem>> -> memref<32xi32, #tpu.memory_space<vmem>>
        %dma_start3A_334 = arith.constant 0 : i32
        %dma_start3A_335 = arith.constant 0 : i32
        %dma_start3A_336 = tpu.memref_slice %arg2[%dma_start3A_334, %dma_start3A_335] : memref<10000x128xf32, #tpu.memory_space<hbm>> -> memref<10000x128xf32, #tpu.memory_space<hbm>>
        tpu.enqueue_indirect_dma source(%dma_start3A_336 : memref<10000x128xf32, #tpu.memory_space<hbm>>) target(%arg10 : memref<32x128xf32, #tpu.memory_space<vmem>>) offsets(%dma_start3A_333 : memref<32xi32, #tpu.memory_space<vmem>>) semaphore(%arg18 : memref<!tpu.dma_semaphore, #tpu.memory_space<semaphore_mem>>)
        %add3A_337 = arith.constant 2 : i32
        %add3A_338 = arith.addi %sub3A_101, %add3A_337 : i32
        %dma_start3A_339 = arith.constant 0 : i32
        %dma_start3A_340 = tpu.memref_slice %arg7[%add3A_338, %dma_start3A_339] : memref<16x32xi32, #tpu.memory_space<vmem>> -> memref<1x32xi32, #tpu.memory_space<vmem>>
        %dma_start3A_341 = tpu.memref_squeeze %dma_start3A_340 : memref<1x32xi32, #tpu.memory_space<vmem>> -> memref<32xi32, #tpu.memory_space<vmem>>
        %dma_start3A_342 = arith.constant 0 : i32
        %dma_start3A_343 = arith.constant 0 : i32
        %dma_start3A_344 = tpu.memref_slice %arg2[%dma_start3A_342, %dma_start3A_343] : memref<10000x128xf32, #tpu.memory_space<hbm>> -> memref<10000x128xf32, #tpu.memory_space<hbm>>
        tpu.enqueue_indirect_dma source(%dma_start3A_344 : memref<10000x128xf32, #tpu.memory_space<hbm>>) target(%arg11 : memref<32x128xf32, #tpu.memory_space<vmem>>) offsets(%dma_start3A_341 : memref<32xi32, #tpu.memory_space<vmem>>) semaphore(%arg18 : memref<!tpu.dma_semaphore, #tpu.memory_space<semaphore_mem>>)
        %add3A_345 = arith.constant 3 : i32
        %add3A_346 = arith.addi %sub3A_101, %add3A_345 : i32
        %dma_start3A_347 = arith.constant 0 : i32
        %dma_start3A_348 = tpu.memref_slice %arg7[%add3A_346, %dma_start3A_347] : memref<16x32xi32, #tpu.memory_space<vmem>> -> memref<1x32xi32, #tpu.memory_space<vmem>>
        %dma_start3A_349 = tpu.memref_squeeze %dma_start3A_348 : memref<1x32xi32, #tpu.memory_space<vmem>> -> memref<32xi32, #tpu.memory_space<vmem>>
        %dma_start3A_350 = arith.constant 0 : i32
        %dma_start3A_351 = arith.constant 0 : i32
        %dma_start3A_352 = tpu.memref_slice %arg2[%dma_start3A_350, %dma_start3A_351] : memref<10000x128xf32, #tpu.memory_space<hbm>> -> memref<10000x128xf32, #tpu.memory_space<hbm>>
        tpu.enqueue_indirect_dma source(%dma_start3A_352 : memref<10000x128xf32, #tpu.memory_space<hbm>>) target(%arg12 : memref<32x128xf32, #tpu.memory_space<vmem>>) offsets(%dma_start3A_349 : memref<32xi32, #tpu.memory_space<vmem>>) semaphore(%arg18 : memref<!tpu.dma_semaphore, #tpu.memory_space<semaphore_mem>>)
      } else {
      }
      %dma_wait3A_297 = arith.constant 0 : i32
      %dma_wait3A_298 = tpu.memref_slice %arg8[%add3A_235, %dma_wait3A_297] : memref<16x32xi32, #tpu.memory_space<vmem>> -> memref<1x32xi32, #tpu.memory_space<vmem>>
      %dma_wait3A_299 = tpu.memref_squeeze %dma_wait3A_298 : memref<1x32xi32, #tpu.memory_space<vmem>> -> memref<32xi32, #tpu.memory_space<vmem>>
      %dma_wait3A_300 = arith.constant 0 : i32
      %dma_wait3A_301 = arith.constant 0 : i32
      %dma_wait3A_302 = tpu.memref_slice %arg17[%dma_wait3A_300, %dma_wait3A_301] : memref<10248x128xf32, #tpu.memory_space<vmem_shared>> -> memref<10248x128xf32, #tpu.memory_space<vmem_shared>>
      tpu.wait_indirect_dma semaphore(%arg21 : memref<!tpu.dma_semaphore, #tpu.memory_space<semaphore_mem>>) src(%arg13 : memref<32x128xf32, #tpu.memory_space<vmem>>) dst(%dma_wait3A_302 : memref<10248x128xf32, #tpu.memory_space<vmem_shared>>)
      %dma_wait3A_303 = arith.constant 0 : i32
      %dma_wait3A_304 = tpu.memref_slice %arg8[%add3A_243, %dma_wait3A_303] : memref<16x32xi32, #tpu.memory_space<vmem>> -> memref<1x32xi32, #tpu.memory_space<vmem>>
      %dma_wait3A_305 = tpu.memref_squeeze %dma_wait3A_304 : memref<1x32xi32, #tpu.memory_space<vmem>> -> memref<32xi32, #tpu.memory_space<vmem>>
      %dma_wait3A_306 = arith.constant 0 : i32
      %dma_wait3A_307 = arith.constant 0 : i32
      %dma_wait3A_308 = tpu.memref_slice %arg17[%dma_wait3A_306, %dma_wait3A_307] : memref<10248x128xf32, #tpu.memory_space<vmem_shared>> -> memref<10248x128xf32, #tpu.memory_space<vmem_shared>>
      tpu.wait_indirect_dma semaphore(%arg21 : memref<!tpu.dma_semaphore, #tpu.memory_space<semaphore_mem>>) src(%arg14 : memref<32x128xf32, #tpu.memory_space<vmem>>) dst(%dma_wait3A_308 : memref<10248x128xf32, #tpu.memory_space<vmem_shared>>)
      %dma_wait3A_309 = arith.constant 0 : i32
      %dma_wait3A_310 = tpu.memref_slice %arg8[%add3A_251, %dma_wait3A_309] : memref<16x32xi32, #tpu.memory_space<vmem>> -> memref<1x32xi32, #tpu.memory_space<vmem>>
      %dma_wait3A_311 = tpu.memref_squeeze %dma_wait3A_310 : memref<1x32xi32, #tpu.memory_space<vmem>> -> memref<32xi32, #tpu.memory_space<vmem>>
      %dma_wait3A_312 = arith.constant 0 : i32
      %dma_wait3A_313 = arith.constant 0 : i32
      %dma_wait3A_314 = tpu.memref_slice %arg17[%dma_wait3A_312, %dma_wait3A_313] : memref<10248x128xf32, #tpu.memory_space<vmem_shared>> -> memref<10248x128xf32, #tpu.memory_space<vmem_shared>>
      tpu.wait_indirect_dma semaphore(%arg21 : memref<!tpu.dma_semaphore, #tpu.memory_space<semaphore_mem>>) src(%arg15 : memref<32x128xf32, #tpu.memory_space<vmem>>) dst(%dma_wait3A_314 : memref<10248x128xf32, #tpu.memory_space<vmem_shared>>)
      %dma_wait3A_315 = arith.constant 0 : i32
      %dma_wait3A_316 = tpu.memref_slice %arg8[%add3A_259, %dma_wait3A_315] : memref<16x32xi32, #tpu.memory_space<vmem>> -> memref<1x32xi32, #tpu.memory_space<vmem>>
      %dma_wait3A_317 = tpu.memref_squeeze %dma_wait3A_316 : memref<1x32xi32, #tpu.memory_space<vmem>> -> memref<32xi32, #tpu.memory_space<vmem>>
      %dma_wait3A_318 = arith.constant 0 : i32
      %dma_wait3A_319 = arith.constant 0 : i32
      %dma_wait3A_320 = tpu.memref_slice %arg17[%dma_wait3A_318, %dma_wait3A_319] : memref<10248x128xf32, #tpu.memory_space<vmem_shared>> -> memref<10248x128xf32, #tpu.memory_space<vmem_shared>>
      tpu.wait_indirect_dma semaphore(%arg21 : memref<!tpu.dma_semaphore, #tpu.memory_space<semaphore_mem>>) src(%arg16 : memref<32x128xf32, #tpu.memory_space<vmem>>) dst(%dma_wait3A_320 : memref<10248x128xf32, #tpu.memory_space<vmem_shared>>)
    }
    %scan3A_91 = arith.constant 40 : i32
    %barrier3A_92 = arith.constant 0 : index
    tpu.barrier barrier_id(%barrier3A_92)
    %mul3A_93 = arith.constant 640 : i32
    %mul3A_94 = arith.muli %arg1, %mul3A_93 : i32
    %mul3A_95 = arith.constant 640 : i32
    %mul3A_96 = arith.muli %arg1, %mul3A_95 : i32
    "tpu.region"() ({
      %run_scoped3A = tpu.sem_alloc : memref<!tpu.dma_semaphore, #tpu.memory_space<semaphore_mem>>
      %dma_start3A_97 = arith.constant 0 : i32
      %dma_start3A_98 = tpu.memref_slice %arg6[%arg0, %mul3A_96, %dma_start3A_97] : memref<2x10240x128xf32, #tpu.memory_space<hbm>> -> memref<1x640x128xf32, #tpu.memory_space<hbm>>
      %dma_start3A_99 = tpu.memref_squeeze %dma_start3A_98 : memref<1x640x128xf32, #tpu.memory_space<hbm>> -> memref<640x128xf32, #tpu.memory_space<hbm>>
      %dma_start3A_100 = arith.constant 0 : i32
      %dma_start3A_101 = tpu.memref_slice %arg17[%mul3A_94, %dma_start3A_100] : memref<10248x128xf32, #tpu.memory_space<vmem_shared>> -> memref<640x128xf32, #tpu.memory_space<vmem_shared>>
      tpu.enqueue_dma source(%dma_start3A_101 : memref<640x128xf32, #tpu.memory_space<vmem_shared>>) target(%dma_start3A_99 : memref<640x128xf32, #tpu.memory_space<hbm>>) target_semaphore(%run_scoped3A : memref<!tpu.dma_semaphore, #tpu.memory_space<semaphore_mem>>)
      %dma_wait3A_102 = arith.constant 0 : i32
      %dma_wait3A_103 = tpu.memref_slice %arg6[%arg0, %mul3A_96, %dma_wait3A_102] : memref<2x10240x128xf32, #tpu.memory_space<hbm>> -> memref<1x640x128xf32, #tpu.memory_space<hbm>>
      %dma_wait3A_104 = tpu.memref_squeeze %dma_wait3A_103 : memref<1x640x128xf32, #tpu.memory_space<hbm>> -> memref<640x128xf32, #tpu.memory_space<hbm>>
      %dma_wait3A_105 = arith.constant 0 : i32
      %dma_wait3A_106 = tpu.memref_slice %arg17[%mul3A_94, %dma_wait3A_105] : memref<10248x128xf32, #tpu.memory_space<vmem_shared>> -> memref<640x128xf32, #tpu.memory_space<vmem_shared>>
      tpu.wait_dma2 semaphore(%run_scoped3A : memref<!tpu.dma_semaphore, #tpu.memory_space<semaphore_mem>>) src(%dma_wait3A_106 : memref<640x128xf32, #tpu.memory_space<vmem_shared>>) dst(%dma_wait3A_104 : memref<640x128xf32, #tpu.memory_space<hbm>>)
      tpu.yield
    }) : () -> ()
    return
  }
}

#map = affine_map<(d0, d1) -> (0, 0, 0)>
#map1 = affine_map<(d0, d1) -> (0)>
#map2 = affine_map<(d0, d1) -> (0, 0)>
module attributes {stable_mosaic.version = 14 : i64} {
  func.func @_deg_kernel(%arg0: i32, %arg1: i32, %arg2: memref<32x216x48xi32, #tpu.memory_space<hbm>>, %arg3: memref<80xi32, #tpu.memory_space<hbm>>, %arg4: memref<80x128xf32, #tpu.memory_space<hbm>>, %arg5: memref<2x80x128xf32, #tpu.memory_space<hbm>>, %arg6: memref<8x48xi32, #tpu.memory_space<vmem>>, %arg7: memref<80x128xf32, #tpu.memory_space<vmem>>, %arg8: memref<80xi32, #tpu.memory_space<vmem>>, %arg9: memref<80x128xf32, #tpu.memory_space<vmem_shared>>) attributes {dimension_semantics = [#tpu.dimension_semantics<core_parallel>, #tpu.dimension_semantics<subcore_parallel>], iteration_bounds = array<i64: 2, 16>, scalar_prefetch = 0 : i64, scratch_operands = 4 : i64, tpu.core_type = #tpu.core_type<sc_vector_subcore>, window_params = [{transform_indices = #map}, {transform_indices = #map1}, {transform_indices = #map2}, {transform_indices = #map}]} {
    %mul3A = arith.constant 16 : i32
    %mul3A_0 = arith.muli %arg0, %mul3A : i32
    %add3A = arith.addi %mul3A_0, %arg1 : i32
    "tpu.region"() ({
      %run_scoped3A = tpu.sem_alloc : memref<!tpu.dma_semaphore, #tpu.memory_space<semaphore_mem>>
      tpu.enqueue_dma source(%arg3 : memref<80xi32, #tpu.memory_space<hbm>>) target(%arg8 : memref<80xi32, #tpu.memory_space<vmem>>) target_semaphore(%run_scoped3A : memref<!tpu.dma_semaphore, #tpu.memory_space<semaphore_mem>>)
      tpu.wait_dma2 semaphore(%run_scoped3A : memref<!tpu.dma_semaphore, #tpu.memory_space<semaphore_mem>>) src(%arg3 : memref<80xi32, #tpu.memory_space<hbm>>) dst(%arg8 : memref<80xi32, #tpu.memory_space<vmem>>)
      tpu.yield
    }) : () -> ()
    "tpu.region"() ({
      %run_scoped3A = tpu.sem_alloc : memref<!tpu.dma_semaphore, #tpu.memory_space<semaphore_mem>>
      tpu.enqueue_dma source(%arg4 : memref<80x128xf32, #tpu.memory_space<hbm>>) target(%arg7 : memref<80x128xf32, #tpu.memory_space<vmem>>) target_semaphore(%run_scoped3A : memref<!tpu.dma_semaphore, #tpu.memory_space<semaphore_mem>>)
      tpu.wait_dma2 semaphore(%run_scoped3A : memref<!tpu.dma_semaphore, #tpu.memory_space<semaphore_mem>>) src(%arg4 : memref<80x128xf32, #tpu.memory_space<hbm>>) dst(%arg7 : memref<80x128xf32, #tpu.memory_space<vmem>>)
      tpu.yield
    }) : () -> ()
    %eq3A = arith.constant 0 : i32
    %eq3A_1 = arith.cmpi eq, %arg1, %eq3A : i32
    %convert_element_type3A = arith.extui %eq3A_1 : i1 to i32
    %cond3A = arith.constant 0 : i32
    %cond3A_2 = arith.cmpi ne, %convert_element_type3A, %cond3A : i32
    scf.if %cond3A_2 {
      "tpu.region"() ({
        %run_scoped3A = tpu.sem_alloc : memref<!tpu.dma_semaphore, #tpu.memory_space<semaphore_mem>>
        tpu.enqueue_dma source(%arg4 : memref<80x128xf32, #tpu.memory_space<hbm>>) target(%arg9 : memref<80x128xf32, #tpu.memory_space<vmem_shared>>) target_semaphore(%run_scoped3A : memref<!tpu.dma_semaphore, #tpu.memory_space<semaphore_mem>>)
        tpu.wait_dma2 semaphore(%run_scoped3A : memref<!tpu.dma_semaphore, #tpu.memory_space<semaphore_mem>>) src(%arg4 : memref<80x128xf32, #tpu.memory_space<hbm>>) dst(%arg9 : memref<80x128xf32, #tpu.memory_space<vmem_shared>>)
        tpu.yield
      }) : () -> ()
    } else {
    }
    %broadcast_in_dim3A = arith.constant 1.000000e+00 : f32
    %broadcast_in_dim3A_3 = vector.broadcast %broadcast_in_dim3A : f32 to vector<16xf32>
    %scan3A = arith.constant 0 : i32
    %scan3A_4 = arith.constant 0 : i32
    %scan3A_5 = arith.constant 27 : i32
    %scan3A_6 = arith.addi %scan3A_4, %scan3A_5 : i32
    %scan3A_7 = arith.constant 1 : i32
    scf.for %scan3A_15 = %scan3A_4 to %scan3A_6 step %scan3A_7  : i32 {
      %mul3A_16 = arith.constant 8 : i32
      %mul3A_17 = arith.muli %scan3A_15, %mul3A_16 : i32
      "tpu.region"() ({
        %run_scoped3A = tpu.sem_alloc : memref<!tpu.dma_semaphore, #tpu.memory_space<semaphore_mem>>
        %dma_start3A = arith.constant 0 : i32
        %dma_start3A_255 = tpu.memref_slice %arg2[%add3A, %mul3A_17, %dma_start3A] : memref<32x216x48xi32, #tpu.memory_space<hbm>> -> memref<1x8x48xi32, #tpu.memory_space<hbm>>
        %dma_start3A_256 = tpu.memref_squeeze %dma_start3A_255 : memref<1x8x48xi32, #tpu.memory_space<hbm>> -> memref<8x48xi32, #tpu.memory_space<hbm>>
        %dma_start3A_257 = arith.constant 0 : i32
        %dma_start3A_258 = tpu.memref_slice %arg2[%add3A, %mul3A_17, %dma_start3A_257] : memref<32x216x48xi32, #tpu.memory_space<hbm>> -> memref<1x8x48xi32, #tpu.memory_space<hbm>>
        %dma_start3A_259 = tpu.memref_squeeze %dma_start3A_258 : memref<1x8x48xi32, #tpu.memory_space<hbm>> -> memref<8x48xi32, #tpu.memory_space<hbm>>
        tpu.enqueue_dma source(%dma_start3A_259 : memref<8x48xi32, #tpu.memory_space<hbm>>) target(%arg6 : memref<8x48xi32, #tpu.memory_space<vmem>>) target_semaphore(%run_scoped3A : memref<!tpu.dma_semaphore, #tpu.memory_space<semaphore_mem>>)
        %dma_wait3A = arith.constant 0 : i32
        %dma_wait3A_260 = tpu.memref_slice %arg2[%add3A, %mul3A_17, %dma_wait3A] : memref<32x216x48xi32, #tpu.memory_space<hbm>> -> memref<1x8x48xi32, #tpu.memory_space<hbm>>
        %dma_wait3A_261 = tpu.memref_squeeze %dma_wait3A_260 : memref<1x8x48xi32, #tpu.memory_space<hbm>> -> memref<8x48xi32, #tpu.memory_space<hbm>>
        %dma_wait3A_262 = arith.constant 0 : i32
        %dma_wait3A_263 = tpu.memref_slice %arg2[%add3A, %mul3A_17, %dma_wait3A_262] : memref<32x216x48xi32, #tpu.memory_space<hbm>> -> memref<1x8x48xi32, #tpu.memory_space<hbm>>
        %dma_wait3A_264 = tpu.memref_squeeze %dma_wait3A_263 : memref<1x8x48xi32, #tpu.memory_space<hbm>> -> memref<8x48xi32, #tpu.memory_space<hbm>>
        tpu.wait_dma2 semaphore(%run_scoped3A : memref<!tpu.dma_semaphore, #tpu.memory_space<semaphore_mem>>) src(%dma_wait3A_264 : memref<8x48xi32, #tpu.memory_space<hbm>>) dst(%arg6 : memref<8x48xi32, #tpu.memory_space<vmem>>)
        tpu.yield
      }) : () -> ()
      %get3A = arith.constant 0 : i32
      %get3A_18 = arith.index_cast %get3A : i32 to index
      %get3A_19 = arith.constant 0 : index
      %get3A_20 = tpu.vector_load %arg6[%get3A_18, %get3A_19] {strides = array<i32>} : memref<8x48xi32, #tpu.memory_space<vmem>>, vector<16xi32>,
      %shift_right_arithmetic3A = arith.constant 7 : i32
      %shift_right_arithmetic3A_21 = vector.broadcast %shift_right_arithmetic3A : i32 to vector<16xi32>
      %shift_right_arithmetic3A_22 = arith.shrsi %get3A_20, %shift_right_arithmetic3A_21 : vector<16xi32>
      %and3A = arith.constant 127 : i32
      %and3A_23 = vector.broadcast %and3A : i32 to vector<16xi32>
      %and3A_24 = arith.andi %get3A_20, %and3A_23 : vector<16xi32>
      tpu.vector_store_idx %arg7[%shift_right_arithmetic3A_22, %and3A_24], %broadcast_in_dim3A_3 {add = true} : memref<80x128xf32, #tpu.memory_space<vmem>>[vector<16xi32>, vector<16xi32>], vector<16xf32>,
      %get3A_25 = arith.constant 0 : i32
      %get3A_26 = arith.index_cast %get3A_25 : i32 to index
      %get3A_27 = arith.constant 16 : index
      %get3A_28 = tpu.vector_load %arg6[%get3A_26, %get3A_27] {strides = array<i32>} : memref<8x48xi32, #tpu.memory_space<vmem>>, vector<16xi32>,
      %shift_right_arithmetic3A_29 = arith.constant 7 : i32
      %shift_right_arithmetic3A_30 = vector.broadcast %shift_right_arithmetic3A_29 : i32 to vector<16xi32>
      %shift_right_arithmetic3A_31 = arith.shrsi %get3A_28, %shift_right_arithmetic3A_30 : vector<16xi32>
      %and3A_32 = arith.constant 127 : i32
      %and3A_33 = vector.broadcast %and3A_32 : i32 to vector<16xi32>
      %and3A_34 = arith.andi %get3A_28, %and3A_33 : vector<16xi32>
      tpu.vector_store_idx %arg7[%shift_right_arithmetic3A_31, %and3A_34], %broadcast_in_dim3A_3 {add = true} : memref<80x128xf32, #tpu.memory_space<vmem>>[vector<16xi32>, vector<16xi32>], vector<16xf32>,
      %get3A_35 = arith.constant 0 : i32
      %get3A_36 = arith.index_cast %get3A_35 : i32 to index
      %get3A_37 = arith.constant 32 : index
      %get3A_38 = tpu.vector_load %arg6[%get3A_36, %get3A_37] {strides = array<i32>} : memref<8x48xi32, #tpu.memory_space<vmem>>, vector<16xi32>,
      %shift_right_arithmetic3A_39 = arith.constant 7 : i32
      %shift_right_arithmetic3A_40 = vector.broadcast %shift_right_arithmetic3A_39 : i32 to vector<16xi32>
      %shift_right_arithmetic3A_41 = arith.shrsi %get3A_38, %shift_right_arithmetic3A_40 : vector<16xi32>
      %and3A_42 = arith.constant 127 : i32
      %and3A_43 = vector.broadcast %and3A_42 : i32 to vector<16xi32>
      %and3A_44 = arith.andi %get3A_38, %and3A_43 : vector<16xi32>
      tpu.vector_store_idx %arg7[%shift_right_arithmetic3A_41, %and3A_44], %broadcast_in_dim3A_3 {add = true} : memref<80x128xf32, #tpu.memory_space<vmem>>[vector<16xi32>, vector<16xi32>], vector<16xf32>,
      %get3A_45 = arith.constant 1 : i32
      %get3A_46 = arith.index_cast %get3A_45 : i32 to index
      %get3A_47 = arith.constant 0 : index
      %get3A_48 = tpu.vector_load %arg6[%get3A_46, %get3A_47] {strides = array<i32>} : memref<8x48xi32, #tpu.memory_space<vmem>>, vector<16xi32>,
      %shift_right_arithmetic3A_49 = arith.constant 7 : i32
      %shift_right_arithmetic3A_50 = vector.broadcast %shift_right_arithmetic3A_49 : i32 to vector<16xi32>
      %shift_right_arithmetic3A_51 = arith.shrsi %get3A_48, %shift_right_arithmetic3A_50 : vector<16xi32>
      %and3A_52 = arith.constant 127 : i32
      %and3A_53 = vector.broadcast %and3A_52 : i32 to vector<16xi32>
      %and3A_54 = arith.andi %get3A_48, %and3A_53 : vector<16xi32>
      tpu.vector_store_idx %arg7[%shift_right_arithmetic3A_51, %and3A_54], %broadcast_in_dim3A_3 {add = true} : memref<80x128xf32, #tpu.memory_space<vmem>>[vector<16xi32>, vector<16xi32>], vector<16xf32>,
      %get3A_55 = arith.constant 1 : i32
      %get3A_56 = arith.index_cast %get3A_55 : i32 to index
      %get3A_57 = arith.constant 16 : index
      %get3A_58 = tpu.vector_load %arg6[%get3A_56, %get3A_57] {strides = array<i32>} : memref<8x48xi32, #tpu.memory_space<vmem>>, vector<16xi32>,
      %shift_right_arithmetic3A_59 = arith.constant 7 : i32
      %shift_right_arithmetic3A_60 = vector.broadcast %shift_right_arithmetic3A_59 : i32 to vector<16xi32>
      %shift_right_arithmetic3A_61 = arith.shrsi %get3A_58, %shift_right_arithmetic3A_60 : vector<16xi32>
      %and3A_62 = arith.constant 127 : i32
      %and3A_63 = vector.broadcast %and3A_62 : i32 to vector<16xi32>
      %and3A_64 = arith.andi %get3A_58, %and3A_63 : vector<16xi32>
      tpu.vector_store_idx %arg7[%shift_right_arithmetic3A_61, %and3A_64], %broadcast_in_dim3A_3 {add = true} : memref<80x128xf32, #tpu.memory_space<vmem>>[vector<16xi32>, vector<16xi32>], vector<16xf32>,
      %get3A_65 = arith.constant 1 : i32
      %get3A_66 = arith.index_cast %get3A_65 : i32 to index
      %get3A_67 = arith.constant 32 : index
      %get3A_68 = tpu.vector_load %arg6[%get3A_66, %get3A_67] {strides = array<i32>} : memref<8x48xi32, #tpu.memory_space<vmem>>, vector<16xi32>,
      %shift_right_arithmetic3A_69 = arith.constant 7 : i32
      %shift_right_arithmetic3A_70 = vector.broadcast %shift_right_arithmetic3A_69 : i32 to vector<16xi32>
      %shift_right_arithmetic3A_71 = arith.shrsi %get3A_68, %shift_right_arithmetic3A_70 : vector<16xi32>
      %and3A_72 = arith.constant 127 : i32
      %and3A_73 = vector.broadcast %and3A_72 : i32 to vector<16xi32>
      %and3A_74 = arith.andi %get3A_68, %and3A_73 : vector<16xi32>
      tpu.vector_store_idx %arg7[%shift_right_arithmetic3A_71, %and3A_74], %broadcast_in_dim3A_3 {add = true} : memref<80x128xf32, #tpu.memory_space<vmem>>[vector<16xi32>, vector<16xi32>], vector<16xf32>,
      %get3A_75 = arith.constant 2 : i32
      %get3A_76 = arith.index_cast %get3A_75 : i32 to index
      %get3A_77 = arith.constant 0 : index
      %get3A_78 = tpu.vector_load %arg6[%get3A_76, %get3A_77] {strides = array<i32>} : memref<8x48xi32, #tpu.memory_space<vmem>>, vector<16xi32>,
      %shift_right_arithmetic3A_79 = arith.constant 7 : i32
      %shift_right_arithmetic3A_80 = vector.broadcast %shift_right_arithmetic3A_79 : i32 to vector<16xi32>
      %shift_right_arithmetic3A_81 = arith.shrsi %get3A_78, %shift_right_arithmetic3A_80 : vector<16xi32>
      %and3A_82 = arith.constant 127 : i32
      %and3A_83 = vector.broadcast %and3A_82 : i32 to vector<16xi32>
      %and3A_84 = arith.andi %get3A_78, %and3A_83 : vector<16xi32>
      tpu.vector_store_idx %arg7[%shift_right_arithmetic3A_81, %and3A_84], %broadcast_in_dim3A_3 {add = true} : memref<80x128xf32, #tpu.memory_space<vmem>>[vector<16xi32>, vector<16xi32>], vector<16xf32>,
      %get3A_85 = arith.constant 2 : i32
      %get3A_86 = arith.index_cast %get3A_85 : i32 to index
      %get3A_87 = arith.constant 16 : index
      %get3A_88 = tpu.vector_load %arg6[%get3A_86, %get3A_87] {strides = array<i32>} : memref<8x48xi32, #tpu.memory_space<vmem>>, vector<16xi32>,
      %shift_right_arithmetic3A_89 = arith.constant 7 : i32
      %shift_right_arithmetic3A_90 = vector.broadcast %shift_right_arithmetic3A_89 : i32 to vector<16xi32>
      %shift_right_arithmetic3A_91 = arith.shrsi %get3A_88, %shift_right_arithmetic3A_90 : vector<16xi32>
      %and3A_92 = arith.constant 127 : i32
      %and3A_93 = vector.broadcast %and3A_92 : i32 to vector<16xi32>
      %and3A_94 = arith.andi %get3A_88, %and3A_93 : vector<16xi32>
      tpu.vector_store_idx %arg7[%shift_right_arithmetic3A_91, %and3A_94], %broadcast_in_dim3A_3 {add = true} : memref<80x128xf32, #tpu.memory_space<vmem>>[vector<16xi32>, vector<16xi32>], vector<16xf32>,
      %get3A_95 = arith.constant 2 : i32
      %get3A_96 = arith.index_cast %get3A_95 : i32 to index
      %get3A_97 = arith.constant 32 : index
      %get3A_98 = tpu.vector_load %arg6[%get3A_96, %get3A_97] {strides = array<i32>} : memref<8x48xi32, #tpu.memory_space<vmem>>, vector<16xi32>,
      %shift_right_arithmetic3A_99 = arith.constant 7 : i32
      %shift_right_arithmetic3A_100 = vector.broadcast %shift_right_arithmetic3A_99 : i32 to vector<16xi32>
      %shift_right_arithmetic3A_101 = arith.shrsi %get3A_98, %shift_right_arithmetic3A_100 : vector<16xi32>
      %and3A_102 = arith.constant 127 : i32
      %and3A_103 = vector.broadcast %and3A_102 : i32 to vector<16xi32>
      %and3A_104 = arith.andi %get3A_98, %and3A_103 : vector<16xi32>
      tpu.vector_store_idx %arg7[%shift_right_arithmetic3A_101, %and3A_104], %broadcast_in_dim3A_3 {add = true} : memref<80x128xf32, #tpu.memory_space<vmem>>[vector<16xi32>, vector<16xi32>], vector<16xf32>,
      %get3A_105 = arith.constant 3 : i32
      %get3A_106 = arith.index_cast %get3A_105 : i32 to index
      %get3A_107 = arith.constant 0 : index
      %get3A_108 = tpu.vector_load %arg6[%get3A_106, %get3A_107] {strides = array<i32>} : memref<8x48xi32, #tpu.memory_space<vmem>>, vector<16xi32>,
      %shift_right_arithmetic3A_109 = arith.constant 7 : i32
      %shift_right_arithmetic3A_110 = vector.broadcast %shift_right_arithmetic3A_109 : i32 to vector<16xi32>
      %shift_right_arithmetic3A_111 = arith.shrsi %get3A_108, %shift_right_arithmetic3A_110 : vector<16xi32>
      %and3A_112 = arith.constant 127 : i32
      %and3A_113 = vector.broadcast %and3A_112 : i32 to vector<16xi32>
      %and3A_114 = arith.andi %get3A_108, %and3A_113 : vector<16xi32>
      tpu.vector_store_idx %arg7[%shift_right_arithmetic3A_111, %and3A_114], %broadcast_in_dim3A_3 {add = true} : memref<80x128xf32, #tpu.memory_space<vmem>>[vector<16xi32>, vector<16xi32>], vector<16xf32>,
      %get3A_115 = arith.constant 3 : i32
      %get3A_116 = arith.index_cast %get3A_115 : i32 to index
      %get3A_117 = arith.constant 16 : index
      %get3A_118 = tpu.vector_load %arg6[%get3A_116, %get3A_117] {strides = array<i32>} : memref<8x48xi32, #tpu.memory_space<vmem>>, vector<16xi32>,
      %shift_right_arithmetic3A_119 = arith.constant 7 : i32
      %shift_right_arithmetic3A_120 = vector.broadcast %shift_right_arithmetic3A_119 : i32 to vector<16xi32>
      %shift_right_arithmetic3A_121 = arith.shrsi %get3A_118, %shift_right_arithmetic3A_120 : vector<16xi32>
      %and3A_122 = arith.constant 127 : i32
      %and3A_123 = vector.broadcast %and3A_122 : i32 to vector<16xi32>
      %and3A_124 = arith.andi %get3A_118, %and3A_123 : vector<16xi32>
      tpu.vector_store_idx %arg7[%shift_right_arithmetic3A_121, %and3A_124], %broadcast_in_dim3A_3 {add = true} : memref<80x128xf32, #tpu.memory_space<vmem>>[vector<16xi32>, vector<16xi32>], vector<16xf32>,
      %get3A_125 = arith.constant 3 : i32
      %get3A_126 = arith.index_cast %get3A_125 : i32 to index
      %get3A_127 = arith.constant 32 : index
      %get3A_128 = tpu.vector_load %arg6[%get3A_126, %get3A_127] {strides = array<i32>} : memref<8x48xi32, #tpu.memory_space<vmem>>, vector<16xi32>,
      %shift_right_arithmetic3A_129 = arith.constant 7 : i32
      %shift_right_arithmetic3A_130 = vector.broadcast %shift_right_arithmetic3A_129 : i32 to vector<16xi32>
      %shift_right_arithmetic3A_131 = arith.shrsi %get3A_128, %shift_right_arithmetic3A_130 : vector<16xi32>
      %and3A_132 = arith.constant 127 : i32
      %and3A_133 = vector.broadcast %and3A_132 : i32 to vector<16xi32>
      %and3A_134 = arith.andi %get3A_128, %and3A_133 : vector<16xi32>
      tpu.vector_store_idx %arg7[%shift_right_arithmetic3A_131, %and3A_134], %broadcast_in_dim3A_3 {add = true} : memref<80x128xf32, #tpu.memory_space<vmem>>[vector<16xi32>, vector<16xi32>], vector<16xf32>,
      %get3A_135 = arith.constant 4 : i32
      %get3A_136 = arith.index_cast %get3A_135 : i32 to index
      %get3A_137 = arith.constant 0 : index
      %get3A_138 = tpu.vector_load %arg6[%get3A_136, %get3A_137] {strides = array<i32>} : memref<8x48xi32, #tpu.memory_space<vmem>>, vector<16xi32>,
      %shift_right_arithmetic3A_139 = arith.constant 7 : i32
      %shift_right_arithmetic3A_140 = vector.broadcast %shift_right_arithmetic3A_139 : i32 to vector<16xi32>
      %shift_right_arithmetic3A_141 = arith.shrsi %get3A_138, %shift_right_arithmetic3A_140 : vector<16xi32>
      %and3A_142 = arith.constant 127 : i32
      %and3A_143 = vector.broadcast %and3A_142 : i32 to vector<16xi32>
      %and3A_144 = arith.andi %get3A_138, %and3A_143 : vector<16xi32>
      tpu.vector_store_idx %arg7[%shift_right_arithmetic3A_141, %and3A_144], %broadcast_in_dim3A_3 {add = true} : memref<80x128xf32, #tpu.memory_space<vmem>>[vector<16xi32>, vector<16xi32>], vector<16xf32>,
      %get3A_145 = arith.constant 4 : i32
      %get3A_146 = arith.index_cast %get3A_145 : i32 to index
      %get3A_147 = arith.constant 16 : index
      %get3A_148 = tpu.vector_load %arg6[%get3A_146, %get3A_147] {strides = array<i32>} : memref<8x48xi32, #tpu.memory_space<vmem>>, vector<16xi32>,
      %shift_right_arithmetic3A_149 = arith.constant 7 : i32
      %shift_right_arithmetic3A_150 = vector.broadcast %shift_right_arithmetic3A_149 : i32 to vector<16xi32>
      %shift_right_arithmetic3A_151 = arith.shrsi %get3A_148, %shift_right_arithmetic3A_150 : vector<16xi32>
      %and3A_152 = arith.constant 127 : i32
      %and3A_153 = vector.broadcast %and3A_152 : i32 to vector<16xi32>
      %and3A_154 = arith.andi %get3A_148, %and3A_153 : vector<16xi32>
      tpu.vector_store_idx %arg7[%shift_right_arithmetic3A_151, %and3A_154], %broadcast_in_dim3A_3 {add = true} : memref<80x128xf32, #tpu.memory_space<vmem>>[vector<16xi32>, vector<16xi32>], vector<16xf32>,
      %get3A_155 = arith.constant 4 : i32
      %get3A_156 = arith.index_cast %get3A_155 : i32 to index
      %get3A_157 = arith.constant 32 : index
      %get3A_158 = tpu.vector_load %arg6[%get3A_156, %get3A_157] {strides = array<i32>} : memref<8x48xi32, #tpu.memory_space<vmem>>, vector<16xi32>,
      %shift_right_arithmetic3A_159 = arith.constant 7 : i32
      %shift_right_arithmetic3A_160 = vector.broadcast %shift_right_arithmetic3A_159 : i32 to vector<16xi32>
      %shift_right_arithmetic3A_161 = arith.shrsi %get3A_158, %shift_right_arithmetic3A_160 : vector<16xi32>
      %and3A_162 = arith.constant 127 : i32
      %and3A_163 = vector.broadcast %and3A_162 : i32 to vector<16xi32>
      %and3A_164 = arith.andi %get3A_158, %and3A_163 : vector<16xi32>
      tpu.vector_store_idx %arg7[%shift_right_arithmetic3A_161, %and3A_164], %broadcast_in_dim3A_3 {add = true} : memref<80x128xf32, #tpu.memory_space<vmem>>[vector<16xi32>, vector<16xi32>], vector<16xf32>,
      %get3A_165 = arith.constant 5 : i32
      %get3A_166 = arith.index_cast %get3A_165 : i32 to index
      %get3A_167 = arith.constant 0 : index
      %get3A_168 = tpu.vector_load %arg6[%get3A_166, %get3A_167] {strides = array<i32>} : memref<8x48xi32, #tpu.memory_space<vmem>>, vector<16xi32>,
      %shift_right_arithmetic3A_169 = arith.constant 7 : i32
      %shift_right_arithmetic3A_170 = vector.broadcast %shift_right_arithmetic3A_169 : i32 to vector<16xi32>
      %shift_right_arithmetic3A_171 = arith.shrsi %get3A_168, %shift_right_arithmetic3A_170 : vector<16xi32>
      %and3A_172 = arith.constant 127 : i32
      %and3A_173 = vector.broadcast %and3A_172 : i32 to vector<16xi32>
      %and3A_174 = arith.andi %get3A_168, %and3A_173 : vector<16xi32>
      tpu.vector_store_idx %arg7[%shift_right_arithmetic3A_171, %and3A_174], %broadcast_in_dim3A_3 {add = true} : memref<80x128xf32, #tpu.memory_space<vmem>>[vector<16xi32>, vector<16xi32>], vector<16xf32>,
      %get3A_175 = arith.constant 5 : i32
      %get3A_176 = arith.index_cast %get3A_175 : i32 to index
      %get3A_177 = arith.constant 16 : index
      %get3A_178 = tpu.vector_load %arg6[%get3A_176, %get3A_177] {strides = array<i32>} : memref<8x48xi32, #tpu.memory_space<vmem>>, vector<16xi32>,
      %shift_right_arithmetic3A_179 = arith.constant 7 : i32
      %shift_right_arithmetic3A_180 = vector.broadcast %shift_right_arithmetic3A_179 : i32 to vector<16xi32>
      %shift_right_arithmetic3A_181 = arith.shrsi %get3A_178, %shift_right_arithmetic3A_180 : vector<16xi32>
      %and3A_182 = arith.constant 127 : i32
      %and3A_183 = vector.broadcast %and3A_182 : i32 to vector<16xi32>
      %and3A_184 = arith.andi %get3A_178, %and3A_183 : vector<16xi32>
      tpu.vector_store_idx %arg7[%shift_right_arithmetic3A_181, %and3A_184], %broadcast_in_dim3A_3 {add = true} : memref<80x128xf32, #tpu.memory_space<vmem>>[vector<16xi32>, vector<16xi32>], vector<16xf32>,
      %get3A_185 = arith.constant 5 : i32
      %get3A_186 = arith.index_cast %get3A_185 : i32 to index
      %get3A_187 = arith.constant 32 : index
      %get3A_188 = tpu.vector_load %arg6[%get3A_186, %get3A_187] {strides = array<i32>} : memref<8x48xi32, #tpu.memory_space<vmem>>, vector<16xi32>,
      %shift_right_arithmetic3A_189 = arith.constant 7 : i32
      %shift_right_arithmetic3A_190 = vector.broadcast %shift_right_arithmetic3A_189 : i32 to vector<16xi32>
      %shift_right_arithmetic3A_191 = arith.shrsi %get3A_188, %shift_right_arithmetic3A_190 : vector<16xi32>
      %and3A_192 = arith.constant 127 : i32
      %and3A_193 = vector.broadcast %and3A_192 : i32 to vector<16xi32>
      %and3A_194 = arith.andi %get3A_188, %and3A_193 : vector<16xi32>
      tpu.vector_store_idx %arg7[%shift_right_arithmetic3A_191, %and3A_194], %broadcast_in_dim3A_3 {add = true} : memref<80x128xf32, #tpu.memory_space<vmem>>[vector<16xi32>, vector<16xi32>], vector<16xf32>,
      %get3A_195 = arith.constant 6 : i32
      %get3A_196 = arith.index_cast %get3A_195 : i32 to index
      %get3A_197 = arith.constant 0 : index
      %get3A_198 = tpu.vector_load %arg6[%get3A_196, %get3A_197] {strides = array<i32>} : memref<8x48xi32, #tpu.memory_space<vmem>>, vector<16xi32>,
      %shift_right_arithmetic3A_199 = arith.constant 7 : i32
      %shift_right_arithmetic3A_200 = vector.broadcast %shift_right_arithmetic3A_199 : i32 to vector<16xi32>
      %shift_right_arithmetic3A_201 = arith.shrsi %get3A_198, %shift_right_arithmetic3A_200 : vector<16xi32>
      %and3A_202 = arith.constant 127 : i32
      %and3A_203 = vector.broadcast %and3A_202 : i32 to vector<16xi32>
      %and3A_204 = arith.andi %get3A_198, %and3A_203 : vector<16xi32>
      tpu.vector_store_idx %arg7[%shift_right_arithmetic3A_201, %and3A_204], %broadcast_in_dim3A_3 {add = true} : memref<80x128xf32, #tpu.memory_space<vmem>>[vector<16xi32>, vector<16xi32>], vector<16xf32>,
      %get3A_205 = arith.constant 6 : i32
      %get3A_206 = arith.index_cast %get3A_205 : i32 to index
      %get3A_207 = arith.constant 16 : index
      %get3A_208 = tpu.vector_load %arg6[%get3A_206, %get3A_207] {strides = array<i32>} : memref<8x48xi32, #tpu.memory_space<vmem>>, vector<16xi32>,
      %shift_right_arithmetic3A_209 = arith.constant 7 : i32
      %shift_right_arithmetic3A_210 = vector.broadcast %shift_right_arithmetic3A_209 : i32 to vector<16xi32>
      %shift_right_arithmetic3A_211 = arith.shrsi %get3A_208, %shift_right_arithmetic3A_210 : vector<16xi32>
      %and3A_212 = arith.constant 127 : i32
      %and3A_213 = vector.broadcast %and3A_212 : i32 to vector<16xi32>
      %and3A_214 = arith.andi %get3A_208, %and3A_213 : vector<16xi32>
      tpu.vector_store_idx %arg7[%shift_right_arithmetic3A_211, %and3A_214], %broadcast_in_dim3A_3 {add = true} : memref<80x128xf32, #tpu.memory_space<vmem>>[vector<16xi32>, vector<16xi32>], vector<16xf32>,
      %get3A_215 = arith.constant 6 : i32
      %get3A_216 = arith.index_cast %get3A_215 : i32 to index
      %get3A_217 = arith.constant 32 : index
      %get3A_218 = tpu.vector_load %arg6[%get3A_216, %get3A_217] {strides = array<i32>} : memref<8x48xi32, #tpu.memory_space<vmem>>, vector<16xi32>,
      %shift_right_arithmetic3A_219 = arith.constant 7 : i32
      %shift_right_arithmetic3A_220 = vector.broadcast %shift_right_arithmetic3A_219 : i32 to vector<16xi32>
      %shift_right_arithmetic3A_221 = arith.shrsi %get3A_218, %shift_right_arithmetic3A_220 : vector<16xi32>
      %and3A_222 = arith.constant 127 : i32
      %and3A_223 = vector.broadcast %and3A_222 : i32 to vector<16xi32>
      %and3A_224 = arith.andi %get3A_218, %and3A_223 : vector<16xi32>
      tpu.vector_store_idx %arg7[%shift_right_arithmetic3A_221, %and3A_224], %broadcast_in_dim3A_3 {add = true} : memref<80x128xf32, #tpu.memory_space<vmem>>[vector<16xi32>, vector<16xi32>], vector<16xf32>,
      %get3A_225 = arith.constant 7 : i32
      %get3A_226 = arith.index_cast %get3A_225 : i32 to index
      %get3A_227 = arith.constant 0 : index
      %get3A_228 = tpu.vector_load %arg6[%get3A_226, %get3A_227] {strides = array<i32>} : memref<8x48xi32, #tpu.memory_space<vmem>>, vector<16xi32>,
      %shift_right_arithmetic3A_229 = arith.constant 7 : i32
      %shift_right_arithmetic3A_230 = vector.broadcast %shift_right_arithmetic3A_229 : i32 to vector<16xi32>
      %shift_right_arithmetic3A_231 = arith.shrsi %get3A_228, %shift_right_arithmetic3A_230 : vector<16xi32>
      %and3A_232 = arith.constant 127 : i32
      %and3A_233 = vector.broadcast %and3A_232 : i32 to vector<16xi32>
      %and3A_234 = arith.andi %get3A_228, %and3A_233 : vector<16xi32>
      tpu.vector_store_idx %arg7[%shift_right_arithmetic3A_231, %and3A_234], %broadcast_in_dim3A_3 {add = true} : memref<80x128xf32, #tpu.memory_space<vmem>>[vector<16xi32>, vector<16xi32>], vector<16xf32>,
      %get3A_235 = arith.constant 7 : i32
      %get3A_236 = arith.index_cast %get3A_235 : i32 to index
      %get3A_237 = arith.constant 16 : index
      %get3A_238 = tpu.vector_load %arg6[%get3A_236, %get3A_237] {strides = array<i32>} : memref<8x48xi32, #tpu.memory_space<vmem>>, vector<16xi32>,
      %shift_right_arithmetic3A_239 = arith.constant 7 : i32
      %shift_right_arithmetic3A_240 = vector.broadcast %shift_right_arithmetic3A_239 : i32 to vector<16xi32>
      %shift_right_arithmetic3A_241 = arith.shrsi %get3A_238, %shift_right_arithmetic3A_240 : vector<16xi32>
      %and3A_242 = arith.constant 127 : i32
      %and3A_243 = vector.broadcast %and3A_242 : i32 to vector<16xi32>
      %and3A_244 = arith.andi %get3A_238, %and3A_243 : vector<16xi32>
      tpu.vector_store_idx %arg7[%shift_right_arithmetic3A_241, %and3A_244], %broadcast_in_dim3A_3 {add = true} : memref<80x128xf32, #tpu.memory_space<vmem>>[vector<16xi32>, vector<16xi32>], vector<16xf32>,
      %get3A_245 = arith.constant 7 : i32
      %get3A_246 = arith.index_cast %get3A_245 : i32 to index
      %get3A_247 = arith.constant 32 : index
      %get3A_248 = tpu.vector_load %arg6[%get3A_246, %get3A_247] {strides = array<i32>} : memref<8x48xi32, #tpu.memory_space<vmem>>, vector<16xi32>,
      %shift_right_arithmetic3A_249 = arith.constant 7 : i32
      %shift_right_arithmetic3A_250 = vector.broadcast %shift_right_arithmetic3A_249 : i32 to vector<16xi32>
      %shift_right_arithmetic3A_251 = arith.shrsi %get3A_248, %shift_right_arithmetic3A_250 : vector<16xi32>
      %and3A_252 = arith.constant 127 : i32
      %and3A_253 = vector.broadcast %and3A_252 : i32 to vector<16xi32>
      %and3A_254 = arith.andi %get3A_248, %and3A_253 : vector<16xi32>
      tpu.vector_store_idx %arg7[%shift_right_arithmetic3A_251, %and3A_254], %broadcast_in_dim3A_3 {add = true} : memref<80x128xf32, #tpu.memory_space<vmem>>[vector<16xi32>, vector<16xi32>], vector<16xf32>,
    }
    %scan3A_8 = arith.constant 27 : i32
    %barrier3A = arith.constant 0 : index
    tpu.barrier barrier_id(%barrier3A)
    "tpu.region"() ({
      %run_scoped3A = tpu.sem_alloc : memref<!tpu.dma_semaphore, #tpu.memory_space<semaphore_mem>>
      %dma_start3A = arith.constant 0 : i32
      %dma_start3A_15 = arith.constant 0 : i32
      %dma_start3A_16 = tpu.memref_slice %arg9[%dma_start3A, %dma_start3A_15] : memref<80x128xf32, #tpu.memory_space<vmem_shared>> -> memref<80x128xf32, #tpu.memory_space<vmem_shared>>
      tpu.enqueue_indirect_dma source(%arg7 : memref<80x128xf32, #tpu.memory_space<vmem>>) target(%dma_start3A_16 : memref<80x128xf32, #tpu.memory_space<vmem_shared>>) offsets(%arg8 : memref<80xi32, #tpu.memory_space<vmem>>) semaphore(%run_scoped3A : memref<!tpu.dma_semaphore, #tpu.memory_space<semaphore_mem>>) {add = true}
      %dma_wait3A = arith.constant 0 : i32
      %dma_wait3A_17 = arith.constant 0 : i32
      %dma_wait3A_18 = tpu.memref_slice %arg9[%dma_wait3A, %dma_wait3A_17] : memref<80x128xf32, #tpu.memory_space<vmem_shared>> -> memref<80x128xf32, #tpu.memory_space<vmem_shared>>
      tpu.wait_indirect_dma semaphore(%run_scoped3A : memref<!tpu.dma_semaphore, #tpu.memory_space<semaphore_mem>>) src(%arg7 : memref<80x128xf32, #tpu.memory_space<vmem>>) dst(%dma_wait3A_18 : memref<80x128xf32, #tpu.memory_space<vmem_shared>>)
      tpu.yield
    }) : () -> ()
    %barrier3A_9 = arith.constant 0 : index
    tpu.barrier barrier_id(%barrier3A_9)
    %eq3A_10 = arith.constant 0 : i32
    %eq3A_11 = arith.cmpi eq, %arg1, %eq3A_10 : i32
    %convert_element_type3A_12 = arith.extui %eq3A_11 : i1 to i32
    %cond3A_13 = arith.constant 0 : i32
    %cond3A_14 = arith.cmpi ne, %convert_element_type3A_12, %cond3A_13 : i32
    scf.if %cond3A_14 {
      "tpu.region"() ({
        %run_scoped3A = tpu.sem_alloc : memref<!tpu.dma_semaphore, #tpu.memory_space<semaphore_mem>>
        %dma_start3A = arith.constant 0 : i32
        %dma_start3A_15 = arith.constant 0 : i32
        %dma_start3A_16 = tpu.memref_slice %arg5[%arg0, %dma_start3A, %dma_start3A_15] : memref<2x80x128xf32, #tpu.memory_space<hbm>> -> memref<1x80x128xf32, #tpu.memory_space<hbm>>
        %dma_start3A_17 = tpu.memref_squeeze %dma_start3A_16 : memref<1x80x128xf32, #tpu.memory_space<hbm>> -> memref<80x128xf32, #tpu.memory_space<hbm>>
        tpu.enqueue_dma source(%arg9 : memref<80x128xf32, #tpu.memory_space<vmem_shared>>) target(%dma_start3A_17 : memref<80x128xf32, #tpu.memory_space<hbm>>) target_semaphore(%run_scoped3A : memref<!tpu.dma_semaphore, #tpu.memory_space<semaphore_mem>>)
        %dma_wait3A = arith.constant 0 : i32
        %dma_wait3A_18 = arith.constant 0 : i32
        %dma_wait3A_19 = tpu.memref_slice %arg5[%arg0, %dma_wait3A, %dma_wait3A_18] : memref<2x80x128xf32, #tpu.memory_space<hbm>> -> memref<1x80x128xf32, #tpu.memory_space<hbm>>
        %dma_wait3A_20 = tpu.memref_squeeze %dma_wait3A_19 : memref<1x80x128xf32, #tpu.memory_space<hbm>> -> memref<80x128xf32, #tpu.memory_space<hbm>>
        tpu.wait_dma2 semaphore(%run_scoped3A : memref<!tpu.dma_semaphore, #tpu.memory_space<semaphore_mem>>) src(%arg9 : memref<80x128xf32, #tpu.memory_space<vmem_shared>>) dst(%dma_wait3A_20 : memref<80x128xf32, #tpu.memory_space<hbm>>)
        tpu.yield
      }) : () -> ()
    } else {
    }
    return
  }
}

#map = affine_map<(d0, d1) -> (0, 0)>
#map1 = affine_map<(d0, d1) -> (0, 0, 0)>
module attributes {stable_mosaic.version = 14 : i64} {
  func.func @_apply_kernel(%arg0: i32, %arg1: i32, %arg2: memref<10000x128xf32, #tpu.memory_space<hbm>>, %arg3: memref<32x320x32xi32, #tpu.memory_space<hbm>>, %arg4: memref<32x320x32xi32, #tpu.memory_space<hbm>>, %arg5: memref<10240x128xf32, #tpu.memory_space<hbm>>, %arg6: memref<2x10240x128xf32, #tpu.memory_space<hbm>>, %arg7: memref<16x32xi32, #tpu.memory_space<vmem>>, %arg8: memref<16x32xi32, #tpu.memory_space<vmem>>, %arg9: memref<32x128xf32, #tpu.memory_space<vmem>>, %arg10: memref<32x128xf32, #tpu.memory_space<vmem>>, %arg11: memref<32x128xf32, #tpu.memory_space<vmem>>, %arg12: memref<32x128xf32, #tpu.memory_space<vmem>>, %arg13: memref<32x128xf32, #tpu.memory_space<vmem>>, %arg14: memref<32x128xf32, #tpu.memory_space<vmem>>, %arg15: memref<32x128xf32, #tpu.memory_space<vmem>>, %arg16: memref<32x128xf32, #tpu.memory_space<vmem>>, %arg17: memref<10248x128xf32, #tpu.memory_space<vmem_shared>>, %arg18: memref<!tpu.dma_semaphore, #tpu.memory_space<semaphore_mem>>, %arg19: memref<!tpu.dma_semaphore, #tpu.memory_space<semaphore_mem>>, %arg20: memref<!tpu.dma_semaphore, #tpu.memory_space<semaphore_mem>>, %arg21: memref<!tpu.dma_semaphore, #tpu.memory_space<semaphore_mem>>, %arg22: memref<!tpu.dma_semaphore, #tpu.memory_space<semaphore_mem>>) attributes {dimension_semantics = [#tpu.dimension_semantics<core_parallel>, #tpu.dimension_semantics<subcore_parallel>], iteration_bounds = array<i64: 2, 16>, scalar_prefetch = 0 : i64, scratch_operands = 16 : i64, tpu.core_type = #tpu.core_type<sc_vector_subcore>, window_params = [{transform_indices = #map}, {transform_indices = #map1}, {transform_indices = #map1}, {transform_indices = #map}, {transform_indices = #map1}]} {
    %mul3A = arith.constant 16 : i32
    %mul3A_0 = arith.muli %arg0, %mul3A : i32
    %add3A = arith.addi %mul3A_0, %arg1 : i32
    %mul3A_1 = arith.constant 640 : i32
    %mul3A_2 = arith.muli %arg1, %mul3A_1 : i32
    %mul3A_3 = arith.constant 640 : i32
    %mul3A_4 = arith.muli %arg1, %mul3A_3 : i32
    "tpu.region"() ({
      %run_scoped3A = tpu.sem_alloc : memref<!tpu.dma_semaphore, #tpu.memory_space<semaphore_mem>>
      %dma_start3A_97 = arith.constant 0 : i32
      %dma_start3A_98 = tpu.memref_slice %arg17[%mul3A_4, %dma_start3A_97] : memref<10248x128xf32, #tpu.memory_space<vmem_shared>> -> memref<640x128xf32, #tpu.memory_space<vmem_shared>>
      %dma_start3A_99 = arith.constant 0 : i32
      %dma_start3A_100 = tpu.memref_slice %arg5[%mul3A_2, %dma_start3A_99] : memref<10240x128xf32, #tpu.memory_space<hbm>> -> memref<640x128xf32, #tpu.memory_space<hbm>>
      tpu.enqueue_dma source(%dma_start3A_100 : memref<640x128xf32, #tpu.memory_space<hbm>>) target(%dma_start3A_98 : memref<640x128xf32, #tpu.memory_space<vmem_shared>>) target_semaphore(%run_scoped3A : memref<!tpu.dma_semaphore, #tpu.memory_space<semaphore_mem>>)
      %dma_wait3A_101 = arith.constant 0 : i32
      %dma_wait3A_102 = tpu.memref_slice %arg17[%mul3A_4, %dma_wait3A_101] : memref<10248x128xf32, #tpu.memory_space<vmem_shared>> -> memref<640x128xf32, #tpu.memory_space<vmem_shared>>
      %dma_wait3A_103 = arith.constant 0 : i32
      %dma_wait3A_104 = tpu.memref_slice %arg5[%mul3A_2, %dma_wait3A_103] : memref<10240x128xf32, #tpu.memory_space<hbm>> -> memref<640x128xf32, #tpu.memory_space<hbm>>
      tpu.wait_dma2 semaphore(%run_scoped3A : memref<!tpu.dma_semaphore, #tpu.memory_space<semaphore_mem>>) src(%dma_wait3A_104 : memref<640x128xf32, #tpu.memory_space<hbm>>) dst(%dma_wait3A_102 : memref<640x128xf32, #tpu.memory_space<vmem_shared>>)
      tpu.yield
    }) : () -> ()
    %dma_start3A = arith.constant 0 : i32
    %dma_start3A_5 = arith.constant 0 : i32
    %dma_start3A_6 = tpu.memref_slice %arg7[%dma_start3A, %dma_start3A_5] : memref<16x32xi32, #tpu.memory_space<vmem>> -> memref<8x32xi32, #tpu.memory_space<vmem>>
    %dma_start3A_7 = arith.constant 0 : i32
    %dma_start3A_8 = arith.constant 0 : i32
    %dma_start3A_9 = tpu.memref_slice %arg3[%add3A, %dma_start3A_7, %dma_start3A_8] : memref<32x320x32xi32, #tpu.memory_space<hbm>> -> memref<1x8x32xi32, #tpu.memory_space<hbm>>
    %dma_start3A_10 = tpu.memref_squeeze %dma_start3A_9 : memref<1x8x32xi32, #tpu.memory_space<hbm>> -> memref<8x32xi32, #tpu.memory_space<hbm>>
    %dma_start3A_11 = arith.constant 0 : i32
    %dma_start3A_12 = arith.constant 0 : i32
    %dma_start3A_13 = tpu.memref_slice %arg7[%dma_start3A_11, %dma_start3A_12] : memref<16x32xi32, #tpu.memory_space<vmem>> -> memref<8x32xi32, #tpu.memory_space<vmem>>
    %dma_start3A_14 = arith.constant 0 : i32
    %dma_start3A_15 = arith.constant 0 : i32
    %dma_start3A_16 = tpu.memref_slice %arg3[%add3A, %dma_start3A_14, %dma_start3A_15] : memref<32x320x32xi32, #tpu.memory_space<hbm>> -> memref<1x8x32xi32, #tpu.memory_space<hbm>>
    %dma_start3A_17 = tpu.memref_squeeze %dma_start3A_16 : memref<1x8x32xi32, #tpu.memory_space<hbm>> -> memref<8x32xi32, #tpu.memory_space<hbm>>
    tpu.enqueue_dma source(%dma_start3A_17 : memref<8x32xi32, #tpu.memory_space<hbm>>) target(%dma_start3A_13 : memref<8x32xi32, #tpu.memory_space<vmem>>) target_semaphore(%arg22 : memref<!tpu.dma_semaphore, #tpu.memory_space<semaphore_mem>>)
    %dma_wait3A = arith.constant 0 : i32
    %dma_wait3A_18 = arith.constant 0 : i32
    %dma_wait3A_19 = tpu.memref_slice %arg7[%dma_wait3A, %dma_wait3A_18] : memref<16x32xi32, #tpu.memory_space<vmem>> -> memref<8x32xi32, #tpu.memory_space<vmem>>
    %dma_wait3A_20 = arith.constant 0 : i32
    %dma_wait3A_21 = arith.constant 0 : i32
    %dma_wait3A_22 = tpu.memref_slice %arg3[%add3A, %dma_wait3A_20, %dma_wait3A_21] : memref<32x320x32xi32, #tpu.memory_space<hbm>> -> memref<1x8x32xi32, #tpu.memory_space<hbm>>
    %dma_wait3A_23 = tpu.memref_squeeze %dma_wait3A_22 : memref<1x8x32xi32, #tpu.memory_space<hbm>> -> memref<8x32xi32, #tpu.memory_space<hbm>>
    %dma_wait3A_24 = arith.constant 0 : i32
    %dma_wait3A_25 = arith.constant 0 : i32
    %dma_wait3A_26 = tpu.memref_slice %arg7[%dma_wait3A_24, %dma_wait3A_25] : memref<16x32xi32, #tpu.memory_space<vmem>> -> memref<8x32xi32, #tpu.memory_space<vmem>>
    %dma_wait3A_27 = arith.constant 0 : i32
    %dma_wait3A_28 = arith.constant 0 : i32
    %dma_wait3A_29 = tpu.memref_slice %arg3[%add3A, %dma_wait3A_27, %dma_wait3A_28] : memref<32x320x32xi32, #tpu.memory_space<hbm>> -> memref<1x8x32xi32, #tpu.memory_space<hbm>>
    %dma_wait3A_30 = tpu.memref_squeeze %dma_wait3A_29 : memref<1x8x32xi32, #tpu.memory_space<hbm>> -> memref<8x32xi32, #tpu.memory_space<hbm>>
    tpu.wait_dma2 semaphore(%arg22 : memref<!tpu.dma_semaphore, #tpu.memory_space<semaphore_mem>>) src(%dma_wait3A_30 : memref<8x32xi32, #tpu.memory_space<hbm>>) dst(%dma_wait3A_26 : memref<8x32xi32, #tpu.memory_space<vmem>>)
    %dma_start3A_31 = arith.constant 0 : i32
    %dma_start3A_32 = arith.constant 0 : i32
    %dma_start3A_33 = tpu.memref_slice %arg8[%dma_start3A_31, %dma_start3A_32] : memref<16x32xi32, #tpu.memory_space<vmem>> -> memref<8x32xi32, #tpu.memory_space<vmem>>
    %dma_start3A_34 = arith.constant 0 : i32
    %dma_start3A_35 = arith.constant 0 : i32
    %dma_start3A_36 = tpu.memref_slice %arg4[%add3A, %dma_start3A_34, %dma_start3A_35] : memref<32x320x32xi32, #tpu.memory_space<hbm>> -> memref<1x8x32xi32, #tpu.memory_space<hbm>>
    %dma_start3A_37 = tpu.memref_squeeze %dma_start3A_36 : memref<1x8x32xi32, #tpu.memory_space<hbm>> -> memref<8x32xi32, #tpu.memory_space<hbm>>
    %dma_start3A_38 = arith.constant 0 : i32
    %dma_start3A_39 = arith.constant 0 : i32
    %dma_start3A_40 = tpu.memref_slice %arg8[%dma_start3A_38, %dma_start3A_39] : memref<16x32xi32, #tpu.memory_space<vmem>> -> memref<8x32xi32, #tpu.memory_space<vmem>>
    %dma_start3A_41 = arith.constant 0 : i32
    %dma_start3A_42 = arith.constant 0 : i32
    %dma_start3A_43 = tpu.memref_slice %arg4[%add3A, %dma_start3A_41, %dma_start3A_42] : memref<32x320x32xi32, #tpu.memory_space<hbm>> -> memref<1x8x32xi32, #tpu.memory_space<hbm>>
    %dma_start3A_44 = tpu.memref_squeeze %dma_start3A_43 : memref<1x8x32xi32, #tpu.memory_space<hbm>> -> memref<8x32xi32, #tpu.memory_space<hbm>>
    tpu.enqueue_dma source(%dma_start3A_44 : memref<8x32xi32, #tpu.memory_space<hbm>>) target(%dma_start3A_40 : memref<8x32xi32, #tpu.memory_space<vmem>>) target_semaphore(%arg22 : memref<!tpu.dma_semaphore, #tpu.memory_space<semaphore_mem>>)
    %dma_wait3A_45 = arith.constant 0 : i32
    %dma_wait3A_46 = arith.constant 0 : i32
    %dma_wait3A_47 = tpu.memref_slice %arg8[%dma_wait3A_45, %dma_wait3A_46] : memref<16x32xi32, #tpu.memory_space<vmem>> -> memref<8x32xi32, #tpu.memory_space<vmem>>
    %dma_wait3A_48 = arith.constant 0 : i32
    %dma_wait3A_49 = arith.constant 0 : i32
    %dma_wait3A_50 = tpu.memref_slice %arg4[%add3A, %dma_wait3A_48, %dma_wait3A_49] : memref<32x320x32xi32, #tpu.memory_space<hbm>> -> memref<1x8x32xi32, #tpu.memory_space<hbm>>
    %dma_wait3A_51 = tpu.memref_squeeze %dma_wait3A_50 : memref<1x8x32xi32, #tpu.memory_space<hbm>> -> memref<8x32xi32, #tpu.memory_space<hbm>>
    %dma_wait3A_52 = arith.constant 0 : i32
    %dma_wait3A_53 = arith.constant 0 : i32
    %dma_wait3A_54 = tpu.memref_slice %arg8[%dma_wait3A_52, %dma_wait3A_53] : memref<16x32xi32, #tpu.memory_space<vmem>> -> memref<8x32xi32, #tpu.memory_space<vmem>>
    %dma_wait3A_55 = arith.constant 0 : i32
    %dma_wait3A_56 = arith.constant 0 : i32
    %dma_wait3A_57 = tpu.memref_slice %arg4[%add3A, %dma_wait3A_55, %dma_wait3A_56] : memref<32x320x32xi32, #tpu.memory_space<hbm>> -> memref<1x8x32xi32, #tpu.memory_space<hbm>>
    %dma_wait3A_58 = tpu.memref_squeeze %dma_wait3A_57 : memref<1x8x32xi32, #tpu.memory_space<hbm>> -> memref<8x32xi32, #tpu.memory_space<hbm>>
    tpu.wait_dma2 semaphore(%arg22 : memref<!tpu.dma_semaphore, #tpu.memory_space<semaphore_mem>>) src(%dma_wait3A_58 : memref<8x32xi32, #tpu.memory_space<hbm>>) dst(%dma_wait3A_54 : memref<8x32xi32, #tpu.memory_space<vmem>>)
    %barrier3A = arith.constant 0 : index
    tpu.barrier barrier_id(%barrier3A)
    %dma_start3A_59 = arith.constant 0 : i32
    %dma_start3A_60 = arith.constant 0 : i32
    %dma_start3A_61 = tpu.memref_slice %arg7[%dma_start3A_59, %dma_start3A_60] : memref<16x32xi32, #tpu.memory_space<vmem>> -> memref<1x32xi32, #tpu.memory_space<vmem>>
    %dma_start3A_62 = tpu.memref_squeeze %dma_start3A_61 : memref<1x32xi32, #tpu.memory_space<vmem>> -> memref<32xi32, #tpu.memory_space<vmem>>
    %dma_start3A_63 = arith.constant 0 : i32
    %dma_start3A_64 = arith.constant 0 : i32
    %dma_start3A_65 = tpu.memref_slice %arg2[%dma_start3A_63, %dma_start3A_64] : memref<10000x128xf32, #tpu.memory_space<hbm>> -> memref<10000x128xf32, #tpu.memory_space<hbm>>
    tpu.enqueue_indirect_dma source(%dma_start3A_65 : memref<10000x128xf32, #tpu.memory_space<hbm>>) target(%arg9 : memref<32x128xf32, #tpu.memory_space<vmem>>) offsets(%dma_start3A_62 : memref<32xi32, #tpu.memory_space<vmem>>) semaphore(%arg18 : memref<!tpu.dma_semaphore, #tpu.memory_space<semaphore_mem>>)
    %dma_start3A_66 = arith.constant 1 : i32
    %dma_start3A_67 = arith.constant 0 : i32
    %dma_start3A_68 = tpu.memref_slice %arg7[%dma_start3A_66, %dma_start3A_67] : memref<16x32xi32, #tpu.memory_space<vmem>> -> memref<1x32xi32, #tpu.memory_space<vmem>>
    %dma_start3A_69 = tpu.memref_squeeze %dma_start3A_68 : memref<1x32xi32, #tpu.memory_space<vmem>> -> memref<32xi32, #tpu.memory_space<vmem>>
    %dma_start3A_70 = arith.constant 0 : i32
    %dma_start3A_71 = arith.constant 0 : i32
    %dma_start3A_72 = tpu.memref_slice %arg2[%dma_start3A_70, %dma_start3A_71] : memref<10000x128xf32, #tpu.memory_space<hbm>> -> memref<10000x128xf32, #tpu.memory_space<hbm>>
    tpu.enqueue_indirect_dma source(%dma_start3A_72 : memref<10000x128xf32, #tpu.memory_space<hbm>>) target(%arg10 : memref<32x128xf32, #tpu.memory_space<vmem>>) offsets(%dma_start3A_69 : memref<32xi32, #tpu.memory_space<vmem>>) semaphore(%arg18 : memref<!tpu.dma_semaphore, #tpu.memory_space<semaphore_mem>>)
    %dma_start3A_73 = arith.constant 2 : i32
    %dma_start3A_74 = arith.constant 0 : i32
    %dma_start3A_75 = tpu.memref_slice %arg7[%dma_start3A_73, %dma_start3A_74] : memref<16x32xi32, #tpu.memory_space<vmem>> -> memref<1x32xi32, #tpu.memory_space<vmem>>
    %dma_start3A_76 = tpu.memref_squeeze %dma_start3A_75 : memref<1x32xi32, #tpu.memory_space<vmem>> -> memref<32xi32, #tpu.memory_space<vmem>>
    %dma_start3A_77 = arith.constant 0 : i32
    %dma_start3A_78 = arith.constant 0 : i32
    %dma_start3A_79 = tpu.memref_slice %arg2[%dma_start3A_77, %dma_start3A_78] : memref<10000x128xf32, #tpu.memory_space<hbm>> -> memref<10000x128xf32, #tpu.memory_space<hbm>>
    tpu.enqueue_indirect_dma source(%dma_start3A_79 : memref<10000x128xf32, #tpu.memory_space<hbm>>) target(%arg11 : memref<32x128xf32, #tpu.memory_space<vmem>>) offsets(%dma_start3A_76 : memref<32xi32, #tpu.memory_space<vmem>>) semaphore(%arg18 : memref<!tpu.dma_semaphore, #tpu.memory_space<semaphore_mem>>)
    %dma_start3A_80 = arith.constant 3 : i32
    %dma_start3A_81 = arith.constant 0 : i32
    %dma_start3A_82 = tpu.memref_slice %arg7[%dma_start3A_80, %dma_start3A_81] : memref<16x32xi32, #tpu.memory_space<vmem>> -> memref<1x32xi32, #tpu.memory_space<vmem>>
    %dma_start3A_83 = tpu.memref_squeeze %dma_start3A_82 : memref<1x32xi32, #tpu.memory_space<vmem>> -> memref<32xi32, #tpu.memory_space<vmem>>
    %dma_start3A_84 = arith.constant 0 : i32
    %dma_start3A_85 = arith.constant 0 : i32
    %dma_start3A_86 = tpu.memref_slice %arg2[%dma_start3A_84, %dma_start3A_85] : memref<10000x128xf32, #tpu.memory_space<hbm>> -> memref<10000x128xf32, #tpu.memory_space<hbm>>
    tpu.enqueue_indirect_dma source(%dma_start3A_86 : memref<10000x128xf32, #tpu.memory_space<hbm>>) target(%arg12 : memref<32x128xf32, #tpu.memory_space<vmem>>) offsets(%dma_start3A_83 : memref<32xi32, #tpu.memory_space<vmem>>) semaphore(%arg18 : memref<!tpu.dma_semaphore, #tpu.memory_space<semaphore_mem>>)
    %scan3A = arith.constant 0 : i32
    %scan3A_87 = arith.constant 0 : i32
    %scan3A_88 = arith.constant 40 : i32
    %scan3A_89 = arith.addi %scan3A_87, %scan3A_88 : i32
    %scan3A_90 = arith.constant 1 : i32
    scf.for %scan3A_97 = %scan3A_87 to %scan3A_89 step %scan3A_90  : i32 {
      %and3A = arith.constant 1 : i32
      %and3A_98 = arith.andi %scan3A_97, %and3A : i32
      %mul3A_99 = arith.constant 8 : i32
      %mul3A_100 = arith.muli %and3A_98, %mul3A_99 : i32
      %sub3A = arith.constant 8 : i32
      %sub3A_101 = arith.subi %sub3A, %mul3A_100 : i32
      %gt3A = arith.constant 0 : i32
      %gt3A_102 = arith.cmpi sgt, %scan3A_97, %gt3A : i32
      %convert_element_type3A = arith.extui %gt3A_102 : i1 to i32
      %cond3A = arith.constant 0 : i32
      %cond3A_103 = arith.cmpi ne, %convert_element_type3A, %cond3A : i32
      scf.if %cond3A_103 {
        %mul3A_321 = arith.constant 8 : i32
        %mul3A_322 = arith.muli %scan3A_97, %mul3A_321 : i32
        %mul3A_323 = arith.constant 8 : i32
        %mul3A_324 = arith.muli %scan3A_97, %mul3A_323 : i32
        %dma_wait3A_325 = arith.constant 0 : i32
        %dma_wait3A_326 = tpu.memref_slice %arg7[%mul3A_100, %dma_wait3A_325] : memref<16x32xi32, #tpu.memory_space<vmem>> -> memref<8x32xi32, #tpu.memory_space<vmem>>
        %dma_wait3A_327 = arith.constant 0 : i32
        %dma_wait3A_328 = tpu.memref_slice %arg3[%add3A, %mul3A_322, %dma_wait3A_327] : memref<32x320x32xi32, #tpu.memory_space<hbm>> -> memref<1x8x32xi32, #tpu.memory_space<hbm>>
        %dma_wait3A_329 = tpu.memref_squeeze %dma_wait3A_328 : memref<1x8x32xi32, #tpu.memory_space<hbm>> -> memref<8x32xi32, #tpu.memory_space<hbm>>
        %dma_wait3A_330 = arith.constant 0 : i32
        %dma_wait3A_331 = tpu.memref_slice %arg7[%mul3A_100, %dma_wait3A_330] : memref<16x32xi32, #tpu.memory_space<vmem>> -> memref<8x32xi32, #tpu.memory_space<vmem>>
        %dma_wait3A_332 = arith.constant 0 : i32
        %dma_wait3A_333 = tpu.memref_slice %arg3[%add3A, %mul3A_322, %dma_wait3A_332] : memref<32x320x32xi32, #tpu.memory_space<hbm>> -> memref<1x8x32xi32, #tpu.memory_space<hbm>>
        %dma_wait3A_334 = tpu.memref_squeeze %dma_wait3A_333 : memref<1x8x32xi32, #tpu.memory_space<hbm>> -> memref<8x32xi32, #tpu.memory_space<hbm>>
        tpu.wait_dma2 semaphore(%arg22 : memref<!tpu.dma_semaphore, #tpu.memory_space<semaphore_mem>>) src(%dma_wait3A_334 : memref<8x32xi32, #tpu.memory_space<hbm>>) dst(%dma_wait3A_331 : memref<8x32xi32, #tpu.memory_space<vmem>>)
        %dma_wait3A_335 = arith.constant 0 : i32
        %dma_wait3A_336 = tpu.memref_slice %arg8[%mul3A_100, %dma_wait3A_335] : memref<16x32xi32, #tpu.memory_space<vmem>> -> memref<8x32xi32, #tpu.memory_space<vmem>>
        %dma_wait3A_337 = arith.constant 0 : i32
        %dma_wait3A_338 = tpu.memref_slice %arg4[%add3A, %mul3A_324, %dma_wait3A_337] : memref<32x320x32xi32, #tpu.memory_space<hbm>> -> memref<1x8x32xi32, #tpu.memory_space<hbm>>
        %dma_wait3A_339 = tpu.memref_squeeze %dma_wait3A_338 : memref<1x8x32xi32, #tpu.memory_space<hbm>> -> memref<8x32xi32, #tpu.memory_space<hbm>>
        %dma_wait3A_340 = arith.constant 0 : i32
        %dma_wait3A_341 = tpu.memref_slice %arg8[%mul3A_100, %dma_wait3A_340] : memref<16x32xi32, #tpu.memory_space<vmem>> -> memref<8x32xi32, #tpu.memory_space<vmem>>
        %dma_wait3A_342 = arith.constant 0 : i32
        %dma_wait3A_343 = tpu.memref_slice %arg4[%add3A, %mul3A_324, %dma_wait3A_342] : memref<32x320x32xi32, #tpu.memory_space<hbm>> -> memref<1x8x32xi32, #tpu.memory_space<hbm>>
        %dma_wait3A_344 = tpu.memref_squeeze %dma_wait3A_343 : memref<1x8x32xi32, #tpu.memory_space<hbm>> -> memref<8x32xi32, #tpu.memory_space<hbm>>
        tpu.wait_dma2 semaphore(%arg22 : memref<!tpu.dma_semaphore, #tpu.memory_space<semaphore_mem>>) src(%dma_wait3A_344 : memref<8x32xi32, #tpu.memory_space<hbm>>) dst(%dma_wait3A_341 : memref<8x32xi32, #tpu.memory_space<vmem>>)
      } else {
      }
      %add3A_104 = arith.constant 4 : i32
      %add3A_105 = arith.addi %mul3A_100, %add3A_104 : i32
      %add3A_106 = arith.constant 0 : i32
      %add3A_107 = arith.addi %add3A_105, %add3A_106 : i32
      %dma_start3A_108 = arith.constant 0 : i32
      %dma_start3A_109 = tpu.memref_slice %arg7[%add3A_107, %dma_start3A_108] : memref<16x32xi32, #tpu.memory_space<vmem>> -> memref<1x32xi32, #tpu.memory_space<vmem>>
      %dma_start3A_110 = tpu.memref_squeeze %dma_start3A_109 : memref<1x32xi32, #tpu.memory_space<vmem>> -> memref<32xi32, #tpu.memory_space<vmem>>
      %dma_start3A_111 = arith.constant 0 : i32
      %dma_start3A_112 = arith.constant 0 : i32
      %dma_start3A_113 = tpu.memref_slice %arg2[%dma_start3A_111, %dma_start3A_112] : memref<10000x128xf32, #tpu.memory_space<hbm>> -> memref<10000x128xf32, #tpu.memory_space<hbm>>
      tpu.enqueue_indirect_dma source(%dma_start3A_113 : memref<10000x128xf32, #tpu.memory_space<hbm>>) target(%arg13 : memref<32x128xf32, #tpu.memory_space<vmem>>) offsets(%dma_start3A_110 : memref<32xi32, #tpu.memory_space<vmem>>) semaphore(%arg19 : memref<!tpu.dma_semaphore, #tpu.memory_space<semaphore_mem>>)
      %add3A_114 = arith.constant 1 : i32
      %add3A_115 = arith.addi %add3A_105, %add3A_114 : i32
      %dma_start3A_116 = arith.constant 0 : i32
      %dma_start3A_117 = tpu.memref_slice %arg7[%add3A_115, %dma_start3A_116] : memref<16x32xi32, #tpu.memory_space<vmem>> -> memref<1x32xi32, #tpu.memory_space<vmem>>
      %dma_start3A_118 = tpu.memref_squeeze %dma_start3A_117 : memref<1x32xi32, #tpu.memory_space<vmem>> -> memref<32xi32, #tpu.memory_space<vmem>>
      %dma_start3A_119 = arith.constant 0 : i32
      %dma_start3A_120 = arith.constant 0 : i32
      %dma_start3A_121 = tpu.memref_slice %arg2[%dma_start3A_119, %dma_start3A_120] : memref<10000x128xf32, #tpu.memory_space<hbm>> -> memref<10000x128xf32, #tpu.memory_space<hbm>>
      tpu.enqueue_indirect_dma source(%dma_start3A_121 : memref<10000x128xf32, #tpu.memory_space<hbm>>) target(%arg14 : memref<32x128xf32, #tpu.memory_space<vmem>>) offsets(%dma_start3A_118 : memref<32xi32, #tpu.memory_space<vmem>>) semaphore(%arg19 : memref<!tpu.dma_semaphore, #tpu.memory_space<semaphore_mem>>)
      %add3A_122 = arith.constant 2 : i32
      %add3A_123 = arith.addi %add3A_105, %add3A_122 : i32
      %dma_start3A_124 = arith.constant 0 : i32
      %dma_start3A_125 = tpu.memref_slice %arg7[%add3A_123, %dma_start3A_124] : memref<16x32xi32, #tpu.memory_space<vmem>> -> memref<1x32xi32, #tpu.memory_space<vmem>>
      %dma_start3A_126 = tpu.memref_squeeze %dma_start3A_125 : memref<1x32xi32, #tpu.memory_space<vmem>> -> memref<32xi32, #tpu.memory_space<vmem>>
      %dma_start3A_127 = arith.constant 0 : i32
      %dma_start3A_128 = arith.constant 0 : i32
      %dma_start3A_129 = tpu.memref_slice %arg2[%dma_start3A_127, %dma_start3A_128] : memref<10000x128xf32, #tpu.memory_space<hbm>> -> memref<10000x128xf32, #tpu.memory_space<hbm>>
      tpu.enqueue_indirect_dma source(%dma_start3A_129 : memref<10000x128xf32, #tpu.memory_space<hbm>>) target(%arg15 : memref<32x128xf32, #tpu.memory_space<vmem>>) offsets(%dma_start3A_126 : memref<32xi32, #tpu.memory_space<vmem>>) semaphore(%arg19 : memref<!tpu.dma_semaphore, #tpu.memory_space<semaphore_mem>>)
      %add3A_130 = arith.constant 3 : i32
      %add3A_131 = arith.addi %add3A_105, %add3A_130 : i32
      %dma_start3A_132 = arith.constant 0 : i32
      %dma_start3A_133 = tpu.memref_slice %arg7[%add3A_131, %dma_start3A_132] : memref<16x32xi32, #tpu.memory_space<vmem>> -> memref<1x32xi32, #tpu.memory_space<vmem>>
      %dma_start3A_134 = tpu.memref_squeeze %dma_start3A_133 : memref<1x32xi32, #tpu.memory_space<vmem>> -> memref<32xi32, #tpu.memory_space<vmem>>
      %dma_start3A_135 = arith.constant 0 : i32
      %dma_start3A_136 = arith.constant 0 : i32
      %dma_start3A_137 = tpu.memref_slice %arg2[%dma_start3A_135, %dma_start3A_136] : memref<10000x128xf32, #tpu.memory_space<hbm>> -> memref<10000x128xf32, #tpu.memory_space<hbm>>
      tpu.enqueue_indirect_dma source(%dma_start3A_137 : memref<10000x128xf32, #tpu.memory_space<hbm>>) target(%arg16 : memref<32x128xf32, #tpu.memory_space<vmem>>) offsets(%dma_start3A_134 : memref<32xi32, #tpu.memory_space<vmem>>) semaphore(%arg19 : memref<!tpu.dma_semaphore, #tpu.memory_space<semaphore_mem>>)
      %add3A_138 = arith.constant 1 : i32
      %add3A_139 = arith.addi %scan3A_97, %add3A_138 : i32
      %lt3A = arith.constant 40 : i32
      %lt3A_140 = arith.cmpi slt, %add3A_139, %lt3A : i32
      %convert_element_type3A_141 = arith.extui %lt3A_140 : i1 to i32
      %cond3A_142 = arith.constant 0 : i32
      %cond3A_143 = arith.cmpi ne, %convert_element_type3A_141, %cond3A_142 : i32
      scf.if %cond3A_143 {
        %add3A_321 = arith.constant 1 : i32
        %add3A_322 = arith.addi %scan3A_97, %add3A_321 : i32
        %mul3A_323 = arith.constant 8 : i32
        %mul3A_324 = arith.muli %add3A_322, %mul3A_323 : i32
        %mul3A_325 = arith.constant 8 : i32
        %mul3A_326 = arith.muli %add3A_322, %mul3A_325 : i32
        %dma_start3A_327 = arith.constant 0 : i32
        %dma_start3A_328 = tpu.memref_slice %arg7[%sub3A_101, %dma_start3A_327] : memref<16x32xi32, #tpu.memory_space<vmem>> -> memref<8x32xi32, #tpu.memory_space<vmem>>
        %dma_start3A_329 = arith.constant 0 : i32
        %dma_start3A_330 = tpu.memref_slice %arg3[%add3A, %mul3A_324, %dma_start3A_329] : memref<32x320x32xi32, #tpu.memory_space<hbm>> -> memref<1x8x32xi32, #tpu.memory_space<hbm>>
        %dma_start3A_331 = tpu.memref_squeeze %dma_start3A_330 : memref<1x8x32xi32, #tpu.memory_space<hbm>> -> memref<8x32xi32, #tpu.memory_space<hbm>>
        %dma_start3A_332 = arith.constant 0 : i32
        %dma_start3A_333 = tpu.memref_slice %arg7[%sub3A_101, %dma_start3A_332] : memref<16x32xi32, #tpu.memory_space<vmem>> -> memref<8x32xi32, #tpu.memory_space<vmem>>
        %dma_start3A_334 = arith.constant 0 : i32
        %dma_start3A_335 = tpu.memref_slice %arg3[%add3A, %mul3A_324, %dma_start3A_334] : memref<32x320x32xi32, #tpu.memory_space<hbm>> -> memref<1x8x32xi32, #tpu.memory_space<hbm>>
        %dma_start3A_336 = tpu.memref_squeeze %dma_start3A_335 : memref<1x8x32xi32, #tpu.memory_space<hbm>> -> memref<8x32xi32, #tpu.memory_space<hbm>>
        tpu.enqueue_dma source(%dma_start3A_336 : memref<8x32xi32, #tpu.memory_space<hbm>>) target(%dma_start3A_333 : memref<8x32xi32, #tpu.memory_space<vmem>>) target_semaphore(%arg22 : memref<!tpu.dma_semaphore, #tpu.memory_space<semaphore_mem>>)
        %dma_start3A_337 = arith.constant 0 : i32
        %dma_start3A_338 = tpu.memref_slice %arg8[%sub3A_101, %dma_start3A_337] : memref<16x32xi32, #tpu.memory_space<vmem>> -> memref<8x32xi32, #tpu.memory_space<vmem>>
        %dma_start3A_339 = arith.constant 0 : i32
        %dma_start3A_340 = tpu.memref_slice %arg4[%add3A, %mul3A_326, %dma_start3A_339] : memref<32x320x32xi32, #tpu.memory_space<hbm>> -> memref<1x8x32xi32, #tpu.memory_space<hbm>>
        %dma_start3A_341 = tpu.memref_squeeze %dma_start3A_340 : memref<1x8x32xi32, #tpu.memory_space<hbm>> -> memref<8x32xi32, #tpu.memory_space<hbm>>
        %dma_start3A_342 = arith.constant 0 : i32
        %dma_start3A_343 = tpu.memref_slice %arg8[%sub3A_101, %dma_start3A_342] : memref<16x32xi32, #tpu.memory_space<vmem>> -> memref<8x32xi32, #tpu.memory_space<vmem>>
        %dma_start3A_344 = arith.constant 0 : i32
        %dma_start3A_345 = tpu.memref_slice %arg4[%add3A, %mul3A_326, %dma_start3A_344] : memref<32x320x32xi32, #tpu.memory_space<hbm>> -> memref<1x8x32xi32, #tpu.memory_space<hbm>>
        %dma_start3A_346 = tpu.memref_squeeze %dma_start3A_345 : memref<1x8x32xi32, #tpu.memory_space<hbm>> -> memref<8x32xi32, #tpu.memory_space<hbm>>
        tpu.enqueue_dma source(%dma_start3A_346 : memref<8x32xi32, #tpu.memory_space<hbm>>) target(%dma_start3A_343 : memref<8x32xi32, #tpu.memory_space<vmem>>) target_semaphore(%arg22 : memref<!tpu.dma_semaphore, #tpu.memory_space<semaphore_mem>>)
      } else {
      }
      %add3A_144 = arith.constant 0 : i32
      %add3A_145 = arith.addi %mul3A_100, %add3A_144 : i32
      %dma_wait3A_146 = arith.constant 0 : i32
      %dma_wait3A_147 = tpu.memref_slice %arg7[%add3A_145, %dma_wait3A_146] : memref<16x32xi32, #tpu.memory_space<vmem>> -> memref<1x32xi32, #tpu.memory_space<vmem>>
      %dma_wait3A_148 = tpu.memref_squeeze %dma_wait3A_147 : memref<1x32xi32, #tpu.memory_space<vmem>> -> memref<32xi32, #tpu.memory_space<vmem>>
      %dma_wait3A_149 = arith.constant 0 : i32
      %dma_wait3A_150 = arith.constant 0 : i32
      %dma_wait3A_151 = tpu.memref_slice %arg2[%dma_wait3A_149, %dma_wait3A_150] : memref<10000x128xf32, #tpu.memory_space<hbm>> -> memref<10000x128xf32, #tpu.memory_space<hbm>>
      tpu.wait_indirect_dma semaphore(%arg18 : memref<!tpu.dma_semaphore, #tpu.memory_space<semaphore_mem>>) src(%dma_wait3A_151 : memref<10000x128xf32, #tpu.memory_space<hbm>>) dst(%arg9 : memref<32x128xf32, #tpu.memory_space<vmem>>)
      %add3A_152 = arith.constant 1 : i32
      %add3A_153 = arith.addi %mul3A_100, %add3A_152 : i32
      %dma_wait3A_154 = arith.constant 0 : i32
      %dma_wait3A_155 = tpu.memref_slice %arg7[%add3A_153, %dma_wait3A_154] : memref<16x32xi32, #tpu.memory_space<vmem>> -> memref<1x32xi32, #tpu.memory_space<vmem>>
      %dma_wait3A_156 = tpu.memref_squeeze %dma_wait3A_155 : memref<1x32xi32, #tpu.memory_space<vmem>> -> memref<32xi32, #tpu.memory_space<vmem>>
      %dma_wait3A_157 = arith.constant 0 : i32
      %dma_wait3A_158 = arith.constant 0 : i32
      %dma_wait3A_159 = tpu.memref_slice %arg2[%dma_wait3A_157, %dma_wait3A_158] : memref<10000x128xf32, #tpu.memory_space<hbm>> -> memref<10000x128xf32, #tpu.memory_space<hbm>>
      tpu.wait_indirect_dma semaphore(%arg18 : memref<!tpu.dma_semaphore, #tpu.memory_space<semaphore_mem>>) src(%dma_wait3A_159 : memref<10000x128xf32, #tpu.memory_space<hbm>>) dst(%arg10 : memref<32x128xf32, #tpu.memory_space<vmem>>)
      %add3A_160 = arith.constant 2 : i32
      %add3A_161 = arith.addi %mul3A_100, %add3A_160 : i32
      %dma_wait3A_162 = arith.constant 0 : i32
      %dma_wait3A_163 = tpu.memref_slice %arg7[%add3A_161, %dma_wait3A_162] : memref<16x32xi32, #tpu.memory_space<vmem>> -> memref<1x32xi32, #tpu.memory_space<vmem>>
      %dma_wait3A_164 = tpu.memref_squeeze %dma_wait3A_163 : memref<1x32xi32, #tpu.memory_space<vmem>> -> memref<32xi32, #tpu.memory_space<vmem>>
      %dma_wait3A_165 = arith.constant 0 : i32
      %dma_wait3A_166 = arith.constant 0 : i32
      %dma_wait3A_167 = tpu.memref_slice %arg2[%dma_wait3A_165, %dma_wait3A_166] : memref<10000x128xf32, #tpu.memory_space<hbm>> -> memref<10000x128xf32, #tpu.memory_space<hbm>>
      tpu.wait_indirect_dma semaphore(%arg18 : memref<!tpu.dma_semaphore, #tpu.memory_space<semaphore_mem>>) src(%dma_wait3A_167 : memref<10000x128xf32, #tpu.memory_space<hbm>>) dst(%arg11 : memref<32x128xf32, #tpu.memory_space<vmem>>)
      %add3A_168 = arith.constant 3 : i32
      %add3A_169 = arith.addi %mul3A_100, %add3A_168 : i32
      %dma_wait3A_170 = arith.constant 0 : i32
      %dma_wait3A_171 = tpu.memref_slice %arg7[%add3A_169, %dma_wait3A_170] : memref<16x32xi32, #tpu.memory_space<vmem>> -> memref<1x32xi32, #tpu.memory_space<vmem>>
      %dma_wait3A_172 = tpu.memref_squeeze %dma_wait3A_171 : memref<1x32xi32, #tpu.memory_space<vmem>> -> memref<32xi32, #tpu.memory_space<vmem>>
      %dma_wait3A_173 = arith.constant 0 : i32
      %dma_wait3A_174 = arith.constant 0 : i32
      %dma_wait3A_175 = tpu.memref_slice %arg2[%dma_wait3A_173, %dma_wait3A_174] : memref<10000x128xf32, #tpu.memory_space<hbm>> -> memref<10000x128xf32, #tpu.memory_space<hbm>>
      tpu.wait_indirect_dma semaphore(%arg18 : memref<!tpu.dma_semaphore, #tpu.memory_space<semaphore_mem>>) src(%dma_wait3A_175 : memref<10000x128xf32, #tpu.memory_space<hbm>>) dst(%arg12 : memref<32x128xf32, #tpu.memory_space<vmem>>)
      %add3A_176 = arith.constant 0 : i32
      %add3A_177 = arith.addi %mul3A_100, %add3A_176 : i32
      %dma_start3A_178 = arith.constant 0 : i32
      %dma_start3A_179 = tpu.memref_slice %arg8[%add3A_177, %dma_start3A_178] : memref<16x32xi32, #tpu.memory_space<vmem>> -> memref<1x32xi32, #tpu.memory_space<vmem>>
      %dma_start3A_180 = tpu.memref_squeeze %dma_start3A_179 : memref<1x32xi32, #tpu.memory_space<vmem>> -> memref<32xi32, #tpu.memory_space<vmem>>
      %dma_start3A_181 = arith.constant 0 : i32
      %dma_start3A_182 = arith.constant 0 : i32
      %dma_start3A_183 = tpu.memref_slice %arg17[%dma_start3A_181, %dma_start3A_182] : memref<10248x128xf32, #tpu.memory_space<vmem_shared>> -> memref<10248x128xf32, #tpu.memory_space<vmem_shared>>
      tpu.enqueue_indirect_dma source(%arg9 : memref<32x128xf32, #tpu.memory_space<vmem>>) target(%dma_start3A_183 : memref<10248x128xf32, #tpu.memory_space<vmem_shared>>) offsets(%dma_start3A_180 : memref<32xi32, #tpu.memory_space<vmem>>) semaphore(%arg20 : memref<!tpu.dma_semaphore, #tpu.memory_space<semaphore_mem>>) {add = true}
      %add3A_184 = arith.constant 1 : i32
      %add3A_185 = arith.addi %mul3A_100, %add3A_184 : i32
      %dma_start3A_186 = arith.constant 0 : i32
      %dma_start3A_187 = tpu.memref_slice %arg8[%add3A_185, %dma_start3A_186] : memref<16x32xi32, #tpu.memory_space<vmem>> -> memref<1x32xi32, #tpu.memory_space<vmem>>
      %dma_start3A_188 = tpu.memref_squeeze %dma_start3A_187 : memref<1x32xi32, #tpu.memory_space<vmem>> -> memref<32xi32, #tpu.memory_space<vmem>>
      %dma_start3A_189 = arith.constant 0 : i32
      %dma_start3A_190 = arith.constant 0 : i32
      %dma_start3A_191 = tpu.memref_slice %arg17[%dma_start3A_189, %dma_start3A_190] : memref<10248x128xf32, #tpu.memory_space<vmem_shared>> -> memref<10248x128xf32, #tpu.memory_space<vmem_shared>>
      tpu.enqueue_indirect_dma source(%arg10 : memref<32x128xf32, #tpu.memory_space<vmem>>) target(%dma_start3A_191 : memref<10248x128xf32, #tpu.memory_space<vmem_shared>>) offsets(%dma_start3A_188 : memref<32xi32, #tpu.memory_space<vmem>>) semaphore(%arg20 : memref<!tpu.dma_semaphore, #tpu.memory_space<semaphore_mem>>) {add = true}
      %add3A_192 = arith.constant 2 : i32
      %add3A_193 = arith.addi %mul3A_100, %add3A_192 : i32
      %dma_start3A_194 = arith.constant 0 : i32
      %dma_start3A_195 = tpu.memref_slice %arg8[%add3A_193, %dma_start3A_194] : memref<16x32xi32, #tpu.memory_space<vmem>> -> memref<1x32xi32, #tpu.memory_space<vmem>>
      %dma_start3A_196 = tpu.memref_squeeze %dma_start3A_195 : memref<1x32xi32, #tpu.memory_space<vmem>> -> memref<32xi32, #tpu.memory_space<vmem>>
      %dma_start3A_197 = arith.constant 0 : i32
      %dma_start3A_198 = arith.constant 0 : i32
      %dma_start3A_199 = tpu.memref_slice %arg17[%dma_start3A_197, %dma_start3A_198] : memref<10248x128xf32, #tpu.memory_space<vmem_shared>> -> memref<10248x128xf32, #tpu.memory_space<vmem_shared>>
      tpu.enqueue_indirect_dma source(%arg11 : memref<32x128xf32, #tpu.memory_space<vmem>>) target(%dma_start3A_199 : memref<10248x128xf32, #tpu.memory_space<vmem_shared>>) offsets(%dma_start3A_196 : memref<32xi32, #tpu.memory_space<vmem>>) semaphore(%arg20 : memref<!tpu.dma_semaphore, #tpu.memory_space<semaphore_mem>>) {add = true}
      %add3A_200 = arith.constant 3 : i32
      %add3A_201 = arith.addi %mul3A_100, %add3A_200 : i32
      %dma_start3A_202 = arith.constant 0 : i32
      %dma_start3A_203 = tpu.memref_slice %arg8[%add3A_201, %dma_start3A_202] : memref<16x32xi32, #tpu.memory_space<vmem>> -> memref<1x32xi32, #tpu.memory_space<vmem>>
      %dma_start3A_204 = tpu.memref_squeeze %dma_start3A_203 : memref<1x32xi32, #tpu.memory_space<vmem>> -> memref<32xi32, #tpu.memory_space<vmem>>
      %dma_start3A_205 = arith.constant 0 : i32
      %dma_start3A_206 = arith.constant 0 : i32
      %dma_start3A_207 = tpu.memref_slice %arg17[%dma_start3A_205, %dma_start3A_206] : memref<10248x128xf32, #tpu.memory_space<vmem_shared>> -> memref<10248x128xf32, #tpu.memory_space<vmem_shared>>
      tpu.enqueue_indirect_dma source(%arg12 : memref<32x128xf32, #tpu.memory_space<vmem>>) target(%dma_start3A_207 : memref<10248x128xf32, #tpu.memory_space<vmem_shared>>) offsets(%dma_start3A_204 : memref<32xi32, #tpu.memory_space<vmem>>) semaphore(%arg20 : memref<!tpu.dma_semaphore, #tpu.memory_space<semaphore_mem>>) {add = true}
      %dma_wait3A_208 = arith.constant 0 : i32
      %dma_wait3A_209 = tpu.memref_slice %arg7[%add3A_107, %dma_wait3A_208] : memref<16x32xi32, #tpu.memory_space<vmem>> -> memref<1x32xi32, #tpu.memory_space<vmem>>
      %dma_wait3A_210 = tpu.memref_squeeze %dma_wait3A_209 : memref<1x32xi32, #tpu.memory_space<vmem>> -> memref<32xi32, #tpu.memory_space<vmem>>
      %dma_wait3A_211 = arith.constant 0 : i32
      %dma_wait3A_212 = arith.constant 0 : i32
      %dma_wait3A_213 = tpu.memref_slice %arg2[%dma_wait3A_211, %dma_wait3A_212] : memref<10000x128xf32, #tpu.memory_space<hbm>> -> memref<10000x128xf32, #tpu.memory_space<hbm>>
      tpu.wait_indirect_dma semaphore(%arg19 : memref<!tpu.dma_semaphore, #tpu.memory_space<semaphore_mem>>) src(%dma_wait3A_213 : memref<10000x128xf32, #tpu.memory_space<hbm>>) dst(%arg13 : memref<32x128xf32, #tpu.memory_space<vmem>>)
      %dma_wait3A_214 = arith.constant 0 : i32
      %dma_wait3A_215 = tpu.memref_slice %arg7[%add3A_115, %dma_wait3A_214] : memref<16x32xi32, #tpu.memory_space<vmem>> -> memref<1x32xi32, #tpu.memory_space<vmem>>
      %dma_wait3A_216 = tpu.memref_squeeze %dma_wait3A_215 : memref<1x32xi32, #tpu.memory_space<vmem>> -> memref<32xi32, #tpu.memory_space<vmem>>
      %dma_wait3A_217 = arith.constant 0 : i32
      %dma_wait3A_218 = arith.constant 0 : i32
      %dma_wait3A_219 = tpu.memref_slice %arg2[%dma_wait3A_217, %dma_wait3A_218] : memref<10000x128xf32, #tpu.memory_space<hbm>> -> memref<10000x128xf32, #tpu.memory_space<hbm>>
      tpu.wait_indirect_dma semaphore(%arg19 : memref<!tpu.dma_semaphore, #tpu.memory_space<semaphore_mem>>) src(%dma_wait3A_219 : memref<10000x128xf32, #tpu.memory_space<hbm>>) dst(%arg14 : memref<32x128xf32, #tpu.memory_space<vmem>>)
      %dma_wait3A_220 = arith.constant 0 : i32
      %dma_wait3A_221 = tpu.memref_slice %arg7[%add3A_123, %dma_wait3A_220] : memref<16x32xi32, #tpu.memory_space<vmem>> -> memref<1x32xi32, #tpu.memory_space<vmem>>
      %dma_wait3A_222 = tpu.memref_squeeze %dma_wait3A_221 : memref<1x32xi32, #tpu.memory_space<vmem>> -> memref<32xi32, #tpu.memory_space<vmem>>
      %dma_wait3A_223 = arith.constant 0 : i32
      %dma_wait3A_224 = arith.constant 0 : i32
      %dma_wait3A_225 = tpu.memref_slice %arg2[%dma_wait3A_223, %dma_wait3A_224] : memref<10000x128xf32, #tpu.memory_space<hbm>> -> memref<10000x128xf32, #tpu.memory_space<hbm>>
      tpu.wait_indirect_dma semaphore(%arg19 : memref<!tpu.dma_semaphore, #tpu.memory_space<semaphore_mem>>) src(%dma_wait3A_225 : memref<10000x128xf32, #tpu.memory_space<hbm>>) dst(%arg15 : memref<32x128xf32, #tpu.memory_space<vmem>>)
      %dma_wait3A_226 = arith.constant 0 : i32
      %dma_wait3A_227 = tpu.memref_slice %arg7[%add3A_131, %dma_wait3A_226] : memref<16x32xi32, #tpu.memory_space<vmem>> -> memref<1x32xi32, #tpu.memory_space<vmem>>
      %dma_wait3A_228 = tpu.memref_squeeze %dma_wait3A_227 : memref<1x32xi32, #tpu.memory_space<vmem>> -> memref<32xi32, #tpu.memory_space<vmem>>
      %dma_wait3A_229 = arith.constant 0 : i32
      %dma_wait3A_230 = arith.constant 0 : i32
      %dma_wait3A_231 = tpu.memref_slice %arg2[%dma_wait3A_229, %dma_wait3A_230] : memref<10000x128xf32, #tpu.memory_space<hbm>> -> memref<10000x128xf32, #tpu.memory_space<hbm>>
      tpu.wait_indirect_dma semaphore(%arg19 : memref<!tpu.dma_semaphore, #tpu.memory_space<semaphore_mem>>) src(%dma_wait3A_231 : memref<10000x128xf32, #tpu.memory_space<hbm>>) dst(%arg16 : memref<32x128xf32, #tpu.memory_space<vmem>>)
      %add3A_232 = arith.constant 4 : i32
      %add3A_233 = arith.addi %mul3A_100, %add3A_232 : i32
      %add3A_234 = arith.constant 0 : i32
      %add3A_235 = arith.addi %add3A_233, %add3A_234 : i32
      %dma_start3A_236 = arith.constant 0 : i32
      %dma_start3A_237 = tpu.memref_slice %arg8[%add3A_235, %dma_start3A_236] : memref<16x32xi32, #tpu.memory_space<vmem>> -> memref<1x32xi32, #tpu.memory_space<vmem>>
      %dma_start3A_238 = tpu.memref_squeeze %dma_start3A_237 : memref<1x32xi32, #tpu.memory_space<vmem>> -> memref<32xi32, #tpu.memory_space<vmem>>
      %dma_start3A_239 = arith.constant 0 : i32
      %dma_start3A_240 = arith.constant 0 : i32
      %dma_start3A_241 = tpu.memref_slice %arg17[%dma_start3A_239, %dma_start3A_240] : memref<10248x128xf32, #tpu.memory_space<vmem_shared>> -> memref<10248x128xf32, #tpu.memory_space<vmem_shared>>
      tpu.enqueue_indirect_dma source(%arg13 : memref<32x128xf32, #tpu.memory_space<vmem>>) target(%dma_start3A_241 : memref<10248x128xf32, #tpu.memory_space<vmem_shared>>) offsets(%dma_start3A_238 : memref<32xi32, #tpu.memory_space<vmem>>) semaphore(%arg21 : memref<!tpu.dma_semaphore, #tpu.memory_space<semaphore_mem>>) {add = true}
      %add3A_242 = arith.constant 1 : i32
      %add3A_243 = arith.addi %add3A_233, %add3A_242 : i32
      %dma_start3A_244 = arith.constant 0 : i32
      %dma_start3A_245 = tpu.memref_slice %arg8[%add3A_243, %dma_start3A_244] : memref<16x32xi32, #tpu.memory_space<vmem>> -> memref<1x32xi32, #tpu.memory_space<vmem>>
      %dma_start3A_246 = tpu.memref_squeeze %dma_start3A_245 : memref<1x32xi32, #tpu.memory_space<vmem>> -> memref<32xi32, #tpu.memory_space<vmem>>
      %dma_start3A_247 = arith.constant 0 : i32
      %dma_start3A_248 = arith.constant 0 : i32
      %dma_start3A_249 = tpu.memref_slice %arg17[%dma_start3A_247, %dma_start3A_248] : memref<10248x128xf32, #tpu.memory_space<vmem_shared>> -> memref<10248x128xf32, #tpu.memory_space<vmem_shared>>
      tpu.enqueue_indirect_dma source(%arg14 : memref<32x128xf32, #tpu.memory_space<vmem>>) target(%dma_start3A_249 : memref<10248x128xf32, #tpu.memory_space<vmem_shared>>) offsets(%dma_start3A_246 : memref<32xi32, #tpu.memory_space<vmem>>) semaphore(%arg21 : memref<!tpu.dma_semaphore, #tpu.memory_space<semaphore_mem>>) {add = true}
      %add3A_250 = arith.constant 2 : i32
      %add3A_251 = arith.addi %add3A_233, %add3A_250 : i32
      %dma_start3A_252 = arith.constant 0 : i32
      %dma_start3A_253 = tpu.memref_slice %arg8[%add3A_251, %dma_start3A_252] : memref<16x32xi32, #tpu.memory_space<vmem>> -> memref<1x32xi32, #tpu.memory_space<vmem>>
      %dma_start3A_254 = tpu.memref_squeeze %dma_start3A_253 : memref<1x32xi32, #tpu.memory_space<vmem>> -> memref<32xi32, #tpu.memory_space<vmem>>
      %dma_start3A_255 = arith.constant 0 : i32
      %dma_start3A_256 = arith.constant 0 : i32
      %dma_start3A_257 = tpu.memref_slice %arg17[%dma_start3A_255, %dma_start3A_256] : memref<10248x128xf32, #tpu.memory_space<vmem_shared>> -> memref<10248x128xf32, #tpu.memory_space<vmem_shared>>
      tpu.enqueue_indirect_dma source(%arg15 : memref<32x128xf32, #tpu.memory_space<vmem>>) target(%dma_start3A_257 : memref<10248x128xf32, #tpu.memory_space<vmem_shared>>) offsets(%dma_start3A_254 : memref<32xi32, #tpu.memory_space<vmem>>) semaphore(%arg21 : memref<!tpu.dma_semaphore, #tpu.memory_space<semaphore_mem>>) {add = true}
      %add3A_258 = arith.constant 3 : i32
      %add3A_259 = arith.addi %add3A_233, %add3A_258 : i32
      %dma_start3A_260 = arith.constant 0 : i32
      %dma_start3A_261 = tpu.memref_slice %arg8[%add3A_259, %dma_start3A_260] : memref<16x32xi32, #tpu.memory_space<vmem>> -> memref<1x32xi32, #tpu.memory_space<vmem>>
      %dma_start3A_262 = tpu.memref_squeeze %dma_start3A_261 : memref<1x32xi32, #tpu.memory_space<vmem>> -> memref<32xi32, #tpu.memory_space<vmem>>
      %dma_start3A_263 = arith.constant 0 : i32
      %dma_start3A_264 = arith.constant 0 : i32
      %dma_start3A_265 = tpu.memref_slice %arg17[%dma_start3A_263, %dma_start3A_264] : memref<10248x128xf32, #tpu.memory_space<vmem_shared>> -> memref<10248x128xf32, #tpu.memory_space<vmem_shared>>
      tpu.enqueue_indirect_dma source(%arg16 : memref<32x128xf32, #tpu.memory_space<vmem>>) target(%dma_start3A_265 : memref<10248x128xf32, #tpu.memory_space<vmem_shared>>) offsets(%dma_start3A_262 : memref<32xi32, #tpu.memory_space<vmem>>) semaphore(%arg21 : memref<!tpu.dma_semaphore, #tpu.memory_space<semaphore_mem>>) {add = true}
      %dma_wait3A_266 = arith.constant 0 : i32
      %dma_wait3A_267 = tpu.memref_slice %arg8[%add3A_177, %dma_wait3A_266] : memref<16x32xi32, #tpu.memory_space<vmem>> -> memref<1x32xi32, #tpu.memory_space<vmem>>
      %dma_wait3A_268 = tpu.memref_squeeze %dma_wait3A_267 : memref<1x32xi32, #tpu.memory_space<vmem>> -> memref<32xi32, #tpu.memory_space<vmem>>
      %dma_wait3A_269 = arith.constant 0 : i32
      %dma_wait3A_270 = arith.constant 0 : i32
      %dma_wait3A_271 = tpu.memref_slice %arg17[%dma_wait3A_269, %dma_wait3A_270] : memref<10248x128xf32, #tpu.memory_space<vmem_shared>> -> memref<10248x128xf32, #tpu.memory_space<vmem_shared>>
      tpu.wait_indirect_dma semaphore(%arg20 : memref<!tpu.dma_semaphore, #tpu.memory_space<semaphore_mem>>) src(%arg9 : memref<32x128xf32, #tpu.memory_space<vmem>>) dst(%dma_wait3A_271 : memref<10248x128xf32, #tpu.memory_space<vmem_shared>>)
      %dma_wait3A_272 = arith.constant 0 : i32
      %dma_wait3A_273 = tpu.memref_slice %arg8[%add3A_185, %dma_wait3A_272] : memref<16x32xi32, #tpu.memory_space<vmem>> -> memref<1x32xi32, #tpu.memory_space<vmem>>
      %dma_wait3A_274 = tpu.memref_squeeze %dma_wait3A_273 : memref<1x32xi32, #tpu.memory_space<vmem>> -> memref<32xi32, #tpu.memory_space<vmem>>
      %dma_wait3A_275 = arith.constant 0 : i32
      %dma_wait3A_276 = arith.constant 0 : i32
      %dma_wait3A_277 = tpu.memref_slice %arg17[%dma_wait3A_275, %dma_wait3A_276] : memref<10248x128xf32, #tpu.memory_space<vmem_shared>> -> memref<10248x128xf32, #tpu.memory_space<vmem_shared>>
      tpu.wait_indirect_dma semaphore(%arg20 : memref<!tpu.dma_semaphore, #tpu.memory_space<semaphore_mem>>) src(%arg10 : memref<32x128xf32, #tpu.memory_space<vmem>>) dst(%dma_wait3A_277 : memref<10248x128xf32, #tpu.memory_space<vmem_shared>>)
      %dma_wait3A_278 = arith.constant 0 : i32
      %dma_wait3A_279 = tpu.memref_slice %arg8[%add3A_193, %dma_wait3A_278] : memref<16x32xi32, #tpu.memory_space<vmem>> -> memref<1x32xi32, #tpu.memory_space<vmem>>
      %dma_wait3A_280 = tpu.memref_squeeze %dma_wait3A_279 : memref<1x32xi32, #tpu.memory_space<vmem>> -> memref<32xi32, #tpu.memory_space<vmem>>
      %dma_wait3A_281 = arith.constant 0 : i32
      %dma_wait3A_282 = arith.constant 0 : i32
      %dma_wait3A_283 = tpu.memref_slice %arg17[%dma_wait3A_281, %dma_wait3A_282] : memref<10248x128xf32, #tpu.memory_space<vmem_shared>> -> memref<10248x128xf32, #tpu.memory_space<vmem_shared>>
      tpu.wait_indirect_dma semaphore(%arg20 : memref<!tpu.dma_semaphore, #tpu.memory_space<semaphore_mem>>) src(%arg11 : memref<32x128xf32, #tpu.memory_space<vmem>>) dst(%dma_wait3A_283 : memref<10248x128xf32, #tpu.memory_space<vmem_shared>>)
      %dma_wait3A_284 = arith.constant 0 : i32
      %dma_wait3A_285 = tpu.memref_slice %arg8[%add3A_201, %dma_wait3A_284] : memref<16x32xi32, #tpu.memory_space<vmem>> -> memref<1x32xi32, #tpu.memory_space<vmem>>
      %dma_wait3A_286 = tpu.memref_squeeze %dma_wait3A_285 : memref<1x32xi32, #tpu.memory_space<vmem>> -> memref<32xi32, #tpu.memory_space<vmem>>
      %dma_wait3A_287 = arith.constant 0 : i32
      %dma_wait3A_288 = arith.constant 0 : i32
      %dma_wait3A_289 = tpu.memref_slice %arg17[%dma_wait3A_287, %dma_wait3A_288] : memref<10248x128xf32, #tpu.memory_space<vmem_shared>> -> memref<10248x128xf32, #tpu.memory_space<vmem_shared>>
      tpu.wait_indirect_dma semaphore(%arg20 : memref<!tpu.dma_semaphore, #tpu.memory_space<semaphore_mem>>) src(%arg12 : memref<32x128xf32, #tpu.memory_space<vmem>>) dst(%dma_wait3A_289 : memref<10248x128xf32, #tpu.memory_space<vmem_shared>>)
      %add3A_290 = arith.constant 1 : i32
      %add3A_291 = arith.addi %scan3A_97, %add3A_290 : i32
      %lt3A_292 = arith.constant 40 : i32
      %lt3A_293 = arith.cmpi slt, %add3A_291, %lt3A_292 : i32
      %convert_element_type3A_294 = arith.extui %lt3A_293 : i1 to i32
      %cond3A_295 = arith.constant 0 : i32
      %cond3A_296 = arith.cmpi ne, %convert_element_type3A_294, %cond3A_295 : i32
      scf.if %cond3A_296 {
        %add3A_321 = arith.constant 0 : i32
        %add3A_322 = arith.addi %sub3A_101, %add3A_321 : i32
        %dma_start3A_323 = arith.constant 0 : i32
        %dma_start3A_324 = tpu.memref_slice %arg7[%add3A_322, %dma_start3A_323] : memref<16x32xi32, #tpu.memory_space<vmem>> -> memref<1x32xi32, #tpu.memory_space<vmem>>
        %dma_start3A_325 = tpu.memref_squeeze %dma_start3A_324 : memref<1x32xi32, #tpu.memory_space<vmem>> -> memref<32xi32, #tpu.memory_space<vmem>>
        %dma_start3A_326 = arith.constant 0 : i32
        %dma_start3A_327 = arith.constant 0 : i32
        %dma_start3A_328 = tpu.memref_slice %arg2[%dma_start3A_326, %dma_start3A_327] : memref<10000x128xf32, #tpu.memory_space<hbm>> -> memref<10000x128xf32, #tpu.memory_space<hbm>>
        tpu.enqueue_indirect_dma source(%dma_start3A_328 : memref<10000x128xf32, #tpu.memory_space<hbm>>) target(%arg9 : memref<32x128xf32, #tpu.memory_space<vmem>>) offsets(%dma_start3A_325 : memref<32xi32, #tpu.memory_space<vmem>>) semaphore(%arg18 : memref<!tpu.dma_semaphore, #tpu.memory_space<semaphore_mem>>)
        %add3A_329 = arith.constant 1 : i32
        %add3A_330 = arith.addi %sub3A_101, %add3A_329 : i32
        %dma_start3A_331 = arith.constant 0 : i32
        %dma_start3A_332 = tpu.memref_slice %arg7[%add3A_330, %dma_start3A_331] : memref<16x32xi32, #tpu.memory_space<vmem>> -> memref<1x32xi32, #tpu.memory_space<vmem>>
        %dma_start3A_333 = tpu.memref_squeeze %dma_start3A_332 : memref<1x32xi32, #tpu.memory_space<vmem>> -> memref<32xi32, #tpu.memory_space<vmem>>
        %dma_start3A_334 = arith.constant 0 : i32
        %dma_start3A_335 = arith.constant 0 : i32
        %dma_start3A_336 = tpu.memref_slice %arg2[%dma_start3A_334, %dma_start3A_335] : memref<10000x128xf32, #tpu.memory_space<hbm>> -> memref<10000x128xf32, #tpu.memory_space<hbm>>
        tpu.enqueue_indirect_dma source(%dma_start3A_336 : memref<10000x128xf32, #tpu.memory_space<hbm>>) target(%arg10 : memref<32x128xf32, #tpu.memory_space<vmem>>) offsets(%dma_start3A_333 : memref<32xi32, #tpu.memory_space<vmem>>) semaphore(%arg18 : memref<!tpu.dma_semaphore, #tpu.memory_space<semaphore_mem>>)
        %add3A_337 = arith.constant 2 : i32
        %add3A_338 = arith.addi %sub3A_101, %add3A_337 : i32
        %dma_start3A_339 = arith.constant 0 : i32
        %dma_start3A_340 = tpu.memref_slice %arg7[%add3A_338, %dma_start3A_339] : memref<16x32xi32, #tpu.memory_space<vmem>> -> memref<1x32xi32, #tpu.memory_space<vmem>>
        %dma_start3A_341 = tpu.memref_squeeze %dma_start3A_340 : memref<1x32xi32, #tpu.memory_space<vmem>> -> memref<32xi32, #tpu.memory_space<vmem>>
        %dma_start3A_342 = arith.constant 0 : i32
        %dma_start3A_343 = arith.constant 0 : i32
        %dma_start3A_344 = tpu.memref_slice %arg2[%dma_start3A_342, %dma_start3A_343] : memref<10000x128xf32, #tpu.memory_space<hbm>> -> memref<10000x128xf32, #tpu.memory_space<hbm>>
        tpu.enqueue_indirect_dma source(%dma_start3A_344 : memref<10000x128xf32, #tpu.memory_space<hbm>>) target(%arg11 : memref<32x128xf32, #tpu.memory_space<vmem>>) offsets(%dma_start3A_341 : memref<32xi32, #tpu.memory_space<vmem>>) semaphore(%arg18 : memref<!tpu.dma_semaphore, #tpu.memory_space<semaphore_mem>>)
        %add3A_345 = arith.constant 3 : i32
        %add3A_346 = arith.addi %sub3A_101, %add3A_345 : i32
        %dma_start3A_347 = arith.constant 0 : i32
        %dma_start3A_348 = tpu.memref_slice %arg7[%add3A_346, %dma_start3A_347] : memref<16x32xi32, #tpu.memory_space<vmem>> -> memref<1x32xi32, #tpu.memory_space<vmem>>
        %dma_start3A_349 = tpu.memref_squeeze %dma_start3A_348 : memref<1x32xi32, #tpu.memory_space<vmem>> -> memref<32xi32, #tpu.memory_space<vmem>>
        %dma_start3A_350 = arith.constant 0 : i32
        %dma_start3A_351 = arith.constant 0 : i32
        %dma_start3A_352 = tpu.memref_slice %arg2[%dma_start3A_350, %dma_start3A_351] : memref<10000x128xf32, #tpu.memory_space<hbm>> -> memref<10000x128xf32, #tpu.memory_space<hbm>>
        tpu.enqueue_indirect_dma source(%dma_start3A_352 : memref<10000x128xf32, #tpu.memory_space<hbm>>) target(%arg12 : memref<32x128xf32, #tpu.memory_space<vmem>>) offsets(%dma_start3A_349 : memref<32xi32, #tpu.memory_space<vmem>>) semaphore(%arg18 : memref<!tpu.dma_semaphore, #tpu.memory_space<semaphore_mem>>)
      } else {
      }
      %dma_wait3A_297 = arith.constant 0 : i32
      %dma_wait3A_298 = tpu.memref_slice %arg8[%add3A_235, %dma_wait3A_297] : memref<16x32xi32, #tpu.memory_space<vmem>> -> memref<1x32xi32, #tpu.memory_space<vmem>>
      %dma_wait3A_299 = tpu.memref_squeeze %dma_wait3A_298 : memref<1x32xi32, #tpu.memory_space<vmem>> -> memref<32xi32, #tpu.memory_space<vmem>>
      %dma_wait3A_300 = arith.constant 0 : i32
      %dma_wait3A_301 = arith.constant 0 : i32
      %dma_wait3A_302 = tpu.memref_slice %arg17[%dma_wait3A_300, %dma_wait3A_301] : memref<10248x128xf32, #tpu.memory_space<vmem_shared>> -> memref<10248x128xf32, #tpu.memory_space<vmem_shared>>
      tpu.wait_indirect_dma semaphore(%arg21 : memref<!tpu.dma_semaphore, #tpu.memory_space<semaphore_mem>>) src(%arg13 : memref<32x128xf32, #tpu.memory_space<vmem>>) dst(%dma_wait3A_302 : memref<10248x128xf32, #tpu.memory_space<vmem_shared>>)
      %dma_wait3A_303 = arith.constant 0 : i32
      %dma_wait3A_304 = tpu.memref_slice %arg8[%add3A_243, %dma_wait3A_303] : memref<16x32xi32, #tpu.memory_space<vmem>> -> memref<1x32xi32, #tpu.memory_space<vmem>>
      %dma_wait3A_305 = tpu.memref_squeeze %dma_wait3A_304 : memref<1x32xi32, #tpu.memory_space<vmem>> -> memref<32xi32, #tpu.memory_space<vmem>>
      %dma_wait3A_306 = arith.constant 0 : i32
      %dma_wait3A_307 = arith.constant 0 : i32
      %dma_wait3A_308 = tpu.memref_slice %arg17[%dma_wait3A_306, %dma_wait3A_307] : memref<10248x128xf32, #tpu.memory_space<vmem_shared>> -> memref<10248x128xf32, #tpu.memory_space<vmem_shared>>
      tpu.wait_indirect_dma semaphore(%arg21 : memref<!tpu.dma_semaphore, #tpu.memory_space<semaphore_mem>>) src(%arg14 : memref<32x128xf32, #tpu.memory_space<vmem>>) dst(%dma_wait3A_308 : memref<10248x128xf32, #tpu.memory_space<vmem_shared>>)
      %dma_wait3A_309 = arith.constant 0 : i32
      %dma_wait3A_310 = tpu.memref_slice %arg8[%add3A_251, %dma_wait3A_309] : memref<16x32xi32, #tpu.memory_space<vmem>> -> memref<1x32xi32, #tpu.memory_space<vmem>>
      %dma_wait3A_311 = tpu.memref_squeeze %dma_wait3A_310 : memref<1x32xi32, #tpu.memory_space<vmem>> -> memref<32xi32, #tpu.memory_space<vmem>>
      %dma_wait3A_312 = arith.constant 0 : i32
      %dma_wait3A_313 = arith.constant 0 : i32
      %dma_wait3A_314 = tpu.memref_slice %arg17[%dma_wait3A_312, %dma_wait3A_313] : memref<10248x128xf32, #tpu.memory_space<vmem_shared>> -> memref<10248x128xf32, #tpu.memory_space<vmem_shared>>
      tpu.wait_indirect_dma semaphore(%arg21 : memref<!tpu.dma_semaphore, #tpu.memory_space<semaphore_mem>>) src(%arg15 : memref<32x128xf32, #tpu.memory_space<vmem>>) dst(%dma_wait3A_314 : memref<10248x128xf32, #tpu.memory_space<vmem_shared>>)
      %dma_wait3A_315 = arith.constant 0 : i32
      %dma_wait3A_316 = tpu.memref_slice %arg8[%add3A_259, %dma_wait3A_315] : memref<16x32xi32, #tpu.memory_space<vmem>> -> memref<1x32xi32, #tpu.memory_space<vmem>>
      %dma_wait3A_317 = tpu.memref_squeeze %dma_wait3A_316 : memref<1x32xi32, #tpu.memory_space<vmem>> -> memref<32xi32, #tpu.memory_space<vmem>>
      %dma_wait3A_318 = arith.constant 0 : i32
      %dma_wait3A_319 = arith.constant 0 : i32
      %dma_wait3A_320 = tpu.memref_slice %arg17[%dma_wait3A_318, %dma_wait3A_319] : memref<10248x128xf32, #tpu.memory_space<vmem_shared>> -> memref<10248x128xf32, #tpu.memory_space<vmem_shared>>
      tpu.wait_indirect_dma semaphore(%arg21 : memref<!tpu.dma_semaphore, #tpu.memory_space<semaphore_mem>>) src(%arg16 : memref<32x128xf32, #tpu.memory_space<vmem>>) dst(%dma_wait3A_320 : memref<10248x128xf32, #tpu.memory_space<vmem_shared>>)
    }
    %scan3A_91 = arith.constant 40 : i32
    %barrier3A_92 = arith.constant 0 : index
    tpu.barrier barrier_id(%barrier3A_92)
    %mul3A_93 = arith.constant 640 : i32
    %mul3A_94 = arith.muli %arg1, %mul3A_93 : i32
    %mul3A_95 = arith.constant 640 : i32
    %mul3A_96 = arith.muli %arg1, %mul3A_95 : i32
    "tpu.region"() ({
      %run_scoped3A = tpu.sem_alloc : memref<!tpu.dma_semaphore, #tpu.memory_space<semaphore_mem>>
      %dma_start3A_97 = arith.constant 0 : i32
      %dma_start3A_98 = tpu.memref_slice %arg6[%arg0, %mul3A_96, %dma_start3A_97] : memref<2x10240x128xf32, #tpu.memory_space<hbm>> -> memref<1x640x128xf32, #tpu.memory_space<hbm>>
      %dma_start3A_99 = tpu.memref_squeeze %dma_start3A_98 : memref<1x640x128xf32, #tpu.memory_space<hbm>> -> memref<640x128xf32, #tpu.memory_space<hbm>>
      %dma_start3A_100 = arith.constant 0 : i32
      %dma_start3A_101 = tpu.memref_slice %arg17[%mul3A_94, %dma_start3A_100] : memref<10248x128xf32, #tpu.memory_space<vmem_shared>> -> memref<640x128xf32, #tpu.memory_space<vmem_shared>>
      tpu.enqueue_dma source(%dma_start3A_101 : memref<640x128xf32, #tpu.memory_space<vmem_shared>>) target(%dma_start3A_99 : memref<640x128xf32, #tpu.memory_space<hbm>>) target_semaphore(%run_scoped3A : memref<!tpu.dma_semaphore, #tpu.memory_space<semaphore_mem>>)
      %dma_wait3A_102 = arith.constant 0 : i32
      %dma_wait3A_103 = tpu.memref_slice %arg6[%arg0, %mul3A_96, %dma_wait3A_102] : memref<2x10240x128xf32, #tpu.memory_space<hbm>> -> memref<1x640x128xf32, #tpu.memory_space<hbm>>
      %dma_wait3A_104 = tpu.memref_squeeze %dma_wait3A_103 : memref<1x640x128xf32, #tpu.memory_space<hbm>> -> memref<640x128xf32, #tpu.memory_space<hbm>>
      %dma_wait3A_105 = arith.constant 0 : i32
      %dma_wait3A_106 = tpu.memref_slice %arg17[%mul3A_94, %dma_wait3A_105] : memref<10248x128xf32, #tpu.memory_space<vmem_shared>> -> memref<640x128xf32, #tpu.memory_space<vmem_shared>>
      tpu.wait_dma2 semaphore(%run_scoped3A : memref<!tpu.dma_semaphore, #tpu.memory_space<semaphore_mem>>) src(%dma_wait3A_106 : memref<640x128xf32, #tpu.memory_space<vmem_shared>>) dst(%dma_wait3A_104 : memref<640x128xf32, #tpu.memory_space<hbm>>)
      tpu.yield
    }) : () -> ()
    return
  }
}

module attributes {stable_mosaic.version = 14 : i64} {
  func.func @_tc1_body(%arg0: i32, %arg1: memref<2x1280xf32, #tpu.memory_space<vmem>>, %arg2: memref<1280x128xf32, #tpu.memory_space<vmem>>, %arg3: memref<128x128xf32, #tpu.memory_space<vmem>>, %arg4: memref<1280x128xf32, #tpu.memory_space<vmem>>) attributes {dimension_semantics = [#tpu.dimension_semantics<arbitrary>], iteration_bounds = array<i64: 8>, scalar_prefetch = 0 : i64, scratch_operands = 0 : i64, tpu.core_type = #tpu.core_type<tc>, window_params = [{transform_indices = @transform_0, window_bounds = array<i64: 2, 1280>}, {transform_indices = @transform_1, window_bounds = array<i64: 1280, 128>}, {pipeline_mode = #tpu.pipeline_mode<synchronous>, transform_indices = @transform_2, window_bounds = array<i64: 128, 128>}, {transform_indices = @transform_3, window_bounds = array<i64: 1280, 128>}]} {
    %get3A = arith.constant 0 : index
    %get3A_0 = arith.constant 0 : index
    %get3A_1 = vector.load %arg1[%get3A, %get3A_0] : memref<2x1280xf32, #tpu.memory_space<vmem>>, vector<2x1280xf32>
    %slice3A = vector.extract_strided_slice %get3A_1 {offsets = [0, 0], sizes = [1, 1280], strides = [1, 1]} : vector<2x1280xf32> to vector<1x1280xf32>
    %squeeze3A = vector.shape_cast %slice3A : vector<1x1280xf32> to vector<1280xf32>
    %slice3A_2 = vector.extract_strided_slice %get3A_1 {offsets = [1, 0], sizes = [1, 1280], strides = [1, 1]} : vector<2x1280xf32> to vector<1x1280xf32>
    %squeeze3A_3 = vector.shape_cast %slice3A_2 : vector<1x1280xf32> to vector<1280xf32>
    %add3A = arith.addf %squeeze3A, %squeeze3A_3 : vector<1280xf32>
    %gt3A = arith.constant 0.000000e+00 : f32
    %gt3A_4 = vector.broadcast %gt3A : f32 to vector<1280xf32>
    %gt3A_5 = arith.cmpf ogt, %add3A, %gt3A_4 : vector<1280xf32>
    %rsqrt3A = math.rsqrt %add3A : vector<1280xf32>
    %jit3A = arith.constant 0.000000e+00 : f32
    %broadcast_in_dim3A = vector.broadcast %jit3A : f32 to vector<1280xf32>
    %select_n3A = arith.select %gt3A_5, %rsqrt3A, %broadcast_in_dim3A : vector<1280xi1>, vector<1280xf32>
    %get3A_6 = arith.constant 0 : index
    %get3A_7 = arith.constant 0 : index
    %get3A_8 = vector.load %arg2[%get3A_6, %get3A_7] : memref<1280x128xf32, #tpu.memory_space<vmem>>, vector<1280x128xf32>
    %broadcast_in_dim3A_9 = vector.shape_cast %select_n3A : vector<1280xf32> to vector<1280x1xf32>
    %mul3A = vector.broadcast %broadcast_in_dim3A_9 : vector<1280x1xf32> to vector<1280x128xf32>
    %mul3A_10 = arith.mulf %get3A_8, %mul3A : vector<1280x128xf32>
    %get3A_11 = arith.constant 0 : index
    %get3A_12 = arith.constant 0 : index
    %get3A_13 = vector.load %arg3[%get3A_11, %get3A_12] : memref<128x128xf32, #tpu.memory_space<vmem>>, vector<128x128xf32>
    %dot_general3A = arith.constant dense<0.000000e+00> : vector<1280x128xf32>
    %dot_general3A_14 = tpu.matmul %mul3A_10, %get3A_13, %dot_general3A {dimension_numbers = #tpu.dot_dimension_numbers<[1], [1], [0], [0], [0, 0, 1, 0], [], []>, transpose_lhs_hint = false} : vector<1280x128xf32>, vector<128x128xf32>, vector<1280x128xf32> -> vector<1280x128xf32>
    %swap3A = arith.constant 0 : index
    %swap3A_15 = arith.constant 0 : index
    %swap3A_16 = vector.load %arg4[%swap3A, %swap3A_15] : memref<1280x128xf32, #tpu.memory_space<vmem>>, vector<1280x128xf32>
    tpu.vector_store %arg4[%swap3A, %swap3A_15], %dot_general3A_14 {strides = array<i32>} : memref<1280x128xf32, #tpu.memory_space<vmem>>, vector<1280x128xf32>,
    return
  }
  func.func @transform_0(%arg0: i32) -> (i32, i32) {
    %c0_i32 = arith.constant 0 : i32
    %c0_i32_0 = arith.constant 0 : i32
    return %c0_i32, %arg0 : i32, i32
  }
  func.func @transform_1(%arg0: i32) -> (i32, i32) {
    %c0_i32 = arith.constant 0 : i32
    %c0_i32_0 = arith.constant 0 : i32
    return %arg0, %c0_i32 : i32, i32
  }
  func.func @transform_2(%arg0: i32) -> (i32, i32) {
    %c0_i32 = arith.constant 0 : i32
    %c0_i32_0 = arith.constant 0 : i32
    %c0_i32_1 = arith.constant 0 : i32
    return %c0_i32, %c0_i32_0 : i32, i32
  }
  func.func @transform_3(%arg0: i32) -> (i32, i32) {
    %c0_i32 = arith.constant 0 : i32
    %c0_i32_0 = arith.constant 0 : i32
    return %arg0, %c0_i32 : i32, i32
  }
}

module attributes {stable_mosaic.version = 14 : i64} {
  func.func @_tc2_body(%arg0: i32, %arg1: memref<2x1280xf32, #tpu.memory_space<vmem>>, %arg2: memref<2x1280x128xf32, #tpu.memory_space<vmem>>, %arg3: memref<1x128xf32, #tpu.memory_space<vmem>>, %arg4: memref<128x128xf32, #tpu.memory_space<vmem>>, %arg5: memref<1280x128xf32, #tpu.memory_space<vmem>>) attributes {dimension_semantics = [#tpu.dimension_semantics<arbitrary>], iteration_bounds = array<i64: 8>, scalar_prefetch = 0 : i64, scratch_operands = 0 : i64, tpu.core_type = #tpu.core_type<tc>, window_params = [{transform_indices = @transform_0, window_bounds = array<i64: 2, 1280>}, {transform_indices = @transform_1, window_bounds = array<i64: 2, 1280, 128>}, {pipeline_mode = #tpu.pipeline_mode<synchronous>, transform_indices = @transform_2, window_bounds = array<i64: 1, 128>}, {pipeline_mode = #tpu.pipeline_mode<synchronous>, transform_indices = @transform_3, window_bounds = array<i64: 128, 128>}, {transform_indices = @transform_4, window_bounds = array<i64: 1280, 128>}]} {
    %get3A = arith.constant 0 : index
    %get3A_0 = arith.constant 0 : index
    %get3A_1 = vector.load %arg1[%get3A, %get3A_0] : memref<2x1280xf32, #tpu.memory_space<vmem>>, vector<2x1280xf32>
    %slice3A = vector.extract_strided_slice %get3A_1 {offsets = [0, 0], sizes = [1, 1280], strides = [1, 1]} : vector<2x1280xf32> to vector<1x1280xf32>
    %squeeze3A = vector.shape_cast %slice3A : vector<1x1280xf32> to vector<1280xf32>
    %slice3A_2 = vector.extract_strided_slice %get3A_1 {offsets = [1, 0], sizes = [1, 1280], strides = [1, 1]} : vector<2x1280xf32> to vector<1x1280xf32>
    %squeeze3A_3 = vector.shape_cast %slice3A_2 : vector<1x1280xf32> to vector<1280xf32>
    %add3A = arith.addf %squeeze3A, %squeeze3A_3 : vector<1280xf32>
    %gt3A = arith.constant 0.000000e+00 : f32
    %gt3A_4 = vector.broadcast %gt3A : f32 to vector<1280xf32>
    %gt3A_5 = arith.cmpf ogt, %add3A, %gt3A_4 : vector<1280xf32>
    %rsqrt3A = math.rsqrt %add3A : vector<1280xf32>
    %jit3A = arith.constant 0.000000e+00 : f32
    %broadcast_in_dim3A = vector.broadcast %jit3A : f32 to vector<1280xf32>
    %select_n3A = arith.select %gt3A_5, %rsqrt3A, %broadcast_in_dim3A : vector<1280xi1>, vector<1280xf32>
    %get3A_6 = arith.constant 0 : index
    %get3A_7 = arith.constant 0 : index
    %get3A_8 = arith.constant 0 : index
    %get3A_9 = vector.load %arg2[%get3A_6, %get3A_7, %get3A_8] : memref<2x1280x128xf32, #tpu.memory_space<vmem>>, vector<2x1280x128xf32>
    %slice3A_10 = vector.extract_strided_slice %get3A_9 {offsets = [0, 0, 0], sizes = [1, 1280, 128], strides = [1, 1, 1]} : vector<2x1280x128xf32> to vector<1x1280x128xf32>
    %squeeze3A_11 = vector.shape_cast %slice3A_10 : vector<1x1280x128xf32> to vector<1280x128xf32>
    %slice3A_12 = vector.extract_strided_slice %get3A_9 {offsets = [1, 0, 0], sizes = [1, 1280, 128], strides = [1, 1, 1]} : vector<2x1280x128xf32> to vector<1x1280x128xf32>
    %squeeze3A_13 = vector.shape_cast %slice3A_12 : vector<1x1280x128xf32> to vector<1280x128xf32>
    %add3A_14 = arith.addf %squeeze3A_11, %squeeze3A_13 : vector<1280x128xf32>
    %broadcast_in_dim3A_15 = vector.shape_cast %select_n3A : vector<1280xf32> to vector<1280x1xf32>
    %mul3A = vector.broadcast %broadcast_in_dim3A_15 : vector<1280x1xf32> to vector<1280x128xf32>
    %mul3A_16 = arith.mulf %add3A_14, %mul3A : vector<1280x128xf32>
    %get3A_17 = arith.constant 0 : index
    %get3A_18 = arith.constant 0 : index
    %get3A_19 = vector.load %arg3[%get3A_17, %get3A_18] : memref<1x128xf32, #tpu.memory_space<vmem>>, vector<1x128xf32>
    %add3A_20 = vector.broadcast %get3A_19 : vector<1x128xf32> to vector<1280x128xf32>
    %add3A_21 = arith.addf %mul3A_16, %add3A_20 : vector<1280x128xf32>
    %max3A = arith.constant 0.000000e+00 : f32
    %max3A_22 = vector.broadcast %max3A : f32 to vector<1280x128xf32>
    %max3A_23 = arith.maximumf %add3A_21, %max3A_22 : vector<1280x128xf32>
    %get3A_24 = arith.constant 0 : index
    %get3A_25 = arith.constant 0 : index
    %get3A_26 = vector.load %arg4[%get3A_24, %get3A_25] : memref<128x128xf32, #tpu.memory_space<vmem>>, vector<128x128xf32>
    %dot_general3A = arith.constant dense<0.000000e+00> : vector<1280x128xf32>
    %dot_general3A_27 = tpu.matmul %max3A_23, %get3A_26, %dot_general3A {dimension_numbers = #tpu.dot_dimension_numbers<[1], [1], [0], [0], [0, 0, 1, 0], [], []>, transpose_lhs_hint = false} : vector<1280x128xf32>, vector<128x128xf32>, vector<1280x128xf32> -> vector<1280x128xf32>
    %broadcast_in_dim3A_28 = vector.shape_cast %select_n3A : vector<1280xf32> to vector<1280x1xf32>
    %mul3A_29 = vector.broadcast %broadcast_in_dim3A_28 : vector<1280x1xf32> to vector<1280x128xf32>
    %mul3A_30 = arith.mulf %dot_general3A_27, %mul3A_29 : vector<1280x128xf32>
    %swap3A = arith.constant 0 : index
    %swap3A_31 = arith.constant 0 : index
    %swap3A_32 = vector.load %arg5[%swap3A, %swap3A_31] : memref<1280x128xf32, #tpu.memory_space<vmem>>, vector<1280x128xf32>
    tpu.vector_store %arg5[%swap3A, %swap3A_31], %mul3A_30 {strides = array<i32>} : memref<1280x128xf32, #tpu.memory_space<vmem>>, vector<1280x128xf32>,
    return
  }
  func.func @transform_0(%arg0: i32) -> (i32, i32) {
    %c0_i32 = arith.constant 0 : i32
    %c0_i32_0 = arith.constant 0 : i32
    return %c0_i32, %arg0 : i32, i32
  }
  func.func @transform_1(%arg0: i32) -> (i32, i32, i32) {
    %c0_i32 = arith.constant 0 : i32
    %c0_i32_0 = arith.constant 0 : i32
    %c0_i32_1 = arith.constant 0 : i32
    return %c0_i32, %arg0, %c0_i32_0 : i32, i32, i32
  }
  func.func @transform_2(%arg0: i32) -> (i32, i32) {
    %c0_i32 = arith.constant 0 : i32
    %c0_i32_0 = arith.constant 0 : i32
    %c0_i32_1 = arith.constant 0 : i32
    return %c0_i32, %c0_i32_0 : i32, i32
  }
  func.func @transform_3(%arg0: i32) -> (i32, i32) {
    %c0_i32 = arith.constant 0 : i32
    %c0_i32_0 = arith.constant 0 : i32
    %c0_i32_1 = arith.constant 0 : i32
    return %c0_i32, %c0_i32_0 : i32, i32
  }
  func.func @transform_4(%arg0: i32) -> (i32, i32) {
    %c0_i32 = arith.constant 0 : i32
    %c0_i32_0 = arith.constant 0 : i32
    return %arg0, %c0_i32 : i32, i32
  }
}

module attributes {stable_mosaic.version = 14 : i64} {
  func.func @_tc3_body(%arg0: i32, %arg1: memref<2x1280xf32, #tpu.memory_space<vmem>>, %arg2: memref<2x1280x128xf32, #tpu.memory_space<vmem>>, %arg3: memref<1x128xf32, #tpu.memory_space<vmem>>, %arg4: memref<1280x128xf32, #tpu.memory_space<vmem>>) attributes {dimension_semantics = [#tpu.dimension_semantics<arbitrary>], iteration_bounds = array<i64: 8>, scalar_prefetch = 0 : i64, scratch_operands = 0 : i64, tpu.core_type = #tpu.core_type<tc>, window_params = [{transform_indices = @transform_0, window_bounds = array<i64: 2, 1280>}, {transform_indices = @transform_1, window_bounds = array<i64: 2, 1280, 128>}, {pipeline_mode = #tpu.pipeline_mode<synchronous>, transform_indices = @transform_2, window_bounds = array<i64: 1, 128>}, {transform_indices = @transform_3, window_bounds = array<i64: 1280, 128>}]} {
    %get3A = arith.constant 0 : index
    %get3A_0 = arith.constant 0 : index
    %get3A_1 = vector.load %arg1[%get3A, %get3A_0] : memref<2x1280xf32, #tpu.memory_space<vmem>>, vector<2x1280xf32>
    %slice3A = vector.extract_strided_slice %get3A_1 {offsets = [0, 0], sizes = [1, 1280], strides = [1, 1]} : vector<2x1280xf32> to vector<1x1280xf32>
    %squeeze3A = vector.shape_cast %slice3A : vector<1x1280xf32> to vector<1280xf32>
    %slice3A_2 = vector.extract_strided_slice %get3A_1 {offsets = [1, 0], sizes = [1, 1280], strides = [1, 1]} : vector<2x1280xf32> to vector<1x1280xf32>
    %squeeze3A_3 = vector.shape_cast %slice3A_2 : vector<1x1280xf32> to vector<1280xf32>
    %add3A = arith.addf %squeeze3A, %squeeze3A_3 : vector<1280xf32>
    %gt3A = arith.constant 0.000000e+00 : f32
    %gt3A_4 = vector.broadcast %gt3A : f32 to vector<1280xf32>
    %gt3A_5 = arith.cmpf ogt, %add3A, %gt3A_4 : vector<1280xf32>
    %rsqrt3A = math.rsqrt %add3A : vector<1280xf32>
    %jit3A = arith.constant 0.000000e+00 : f32
    %broadcast_in_dim3A = vector.broadcast %jit3A : f32 to vector<1280xf32>
    %select_n3A = arith.select %gt3A_5, %rsqrt3A, %broadcast_in_dim3A : vector<1280xi1>, vector<1280xf32>
    %get3A_6 = arith.constant 0 : index
    %get3A_7 = arith.constant 0 : index
    %get3A_8 = arith.constant 0 : index
    %get3A_9 = vector.load %arg2[%get3A_6, %get3A_7, %get3A_8] : memref<2x1280x128xf32, #tpu.memory_space<vmem>>, vector<2x1280x128xf32>
    %slice3A_10 = vector.extract_strided_slice %get3A_9 {offsets = [0, 0, 0], sizes = [1, 1280, 128], strides = [1, 1, 1]} : vector<2x1280x128xf32> to vector<1x1280x128xf32>
    %squeeze3A_11 = vector.shape_cast %slice3A_10 : vector<1x1280x128xf32> to vector<1280x128xf32>
    %slice3A_12 = vector.extract_strided_slice %get3A_9 {offsets = [1, 0, 0], sizes = [1, 1280, 128], strides = [1, 1, 1]} : vector<2x1280x128xf32> to vector<1x1280x128xf32>
    %squeeze3A_13 = vector.shape_cast %slice3A_12 : vector<1x1280x128xf32> to vector<1280x128xf32>
    %add3A_14 = arith.addf %squeeze3A_11, %squeeze3A_13 : vector<1280x128xf32>
    %broadcast_in_dim3A_15 = vector.shape_cast %select_n3A : vector<1280xf32> to vector<1280x1xf32>
    %mul3A = vector.broadcast %broadcast_in_dim3A_15 : vector<1280x1xf32> to vector<1280x128xf32>
    %mul3A_16 = arith.mulf %add3A_14, %mul3A : vector<1280x128xf32>
    %get3A_17 = arith.constant 0 : index
    %get3A_18 = arith.constant 0 : index
    %get3A_19 = vector.load %arg3[%get3A_17, %get3A_18] : memref<1x128xf32, #tpu.memory_space<vmem>>, vector<1x128xf32>
    %add3A_20 = vector.broadcast %get3A_19 : vector<1x128xf32> to vector<1280x128xf32>
    %add3A_21 = arith.addf %mul3A_16, %add3A_20 : vector<1280x128xf32>
    %swap3A = arith.constant 0 : index
    %swap3A_22 = arith.constant 0 : index
    %swap3A_23 = vector.load %arg4[%swap3A, %swap3A_22] : memref<1280x128xf32, #tpu.memory_space<vmem>>, vector<1280x128xf32>
    tpu.vector_store %arg4[%swap3A, %swap3A_22], %add3A_21 {strides = array<i32>} : memref<1280x128xf32, #tpu.memory_space<vmem>>, vector<1280x128xf32>,
    return
  }
  func.func @transform_0(%arg0: i32) -> (i32, i32) {
    %c0_i32 = arith.constant 0 : i32
    %c0_i32_0 = arith.constant 0 : i32
    return %c0_i32, %arg0 : i32, i32
  }
  func.func @transform_1(%arg0: i32) -> (i32, i32, i32) {
    %c0_i32 = arith.constant 0 : i32
    %c0_i32_0 = arith.constant 0 : i32
    %c0_i32_1 = arith.constant 0 : i32
    return %c0_i32, %arg0, %c0_i32_0 : i32, i32, i32
  }
  func.func @transform_2(%arg0: i32) -> (i32, i32) {
    %c0_i32 = arith.constant 0 : i32
    %c0_i32_0 = arith.constant 0 : i32
    %c0_i32_1 = arith.constant 0 : i32
    return %c0_i32, %c0_i32_0 : i32, i32
  }
  func.func @transform_3(%arg0: i32) -> (i32, i32) {
    %c0_i32 = arith.constant 0 : i32
    %c0_i32_0 = arith.constant 0 : i32
    return %arg0, %c0_i32 : i32, i32
  }
}

</mosaic_0001>

<sc_bundles>
// kernel: kernel.11.cloned.1.call-start
scs
__scs_entry_jumppad:
0x0: {  	(pc) =	sbr.rel $0x88, $3  }
0x1: {  	(tag) =	ssettag $0x0;
	lr =	simm.s32 $0x1  }
0x2: {  	[smem:$0x3F9B] =	sst lr;
	_ =	strace $0xD0000000  }
0x3: {  	_ = 	snop  }
0x4: {  	_ = 	snop  }
0x5: {  	_ = 	snop  }
0x6: {  	_ = 	snop  }
0x7: {  	_ = 	snop  }
__scs_overlays_trampoline_lowered:
0x8: {  	[smem:$0x3FAA] =	sst s0  }
0x9: {  	[smem:$0x3FAB] =	sst s1  }
0xa: {  	[smem:$0x3FAC] =	sst s2  }
0xb: {  	[smem:$0x3FAD] =	sst s3  }
0xc: {  	[smem:$0x3FAE] =	sst s4  }
0xd: {  	[smem:$0x3FAF] =	sst s5  }
0xe: {  	[smem:$0x3FB0] =	sst s6  }
0xf: {  	[smem:$0x3FB1] =	sst s7  }
0x10: {  	[smem:$0x3FB2] =	sst s8  }
0x11: {  	[smem:$0x3FB3] =	sst s9;
	s0 =	simm.s32 @!p0 $0x0  }
0x12: {  	s1 =	sld [smem:$0x3F99];
	s0 =	simm.s32 @p0 $0x1  }
0x13: {  	[smem:$0x3FB4] =	sst s0;
	s0 =	simm.s32 @!p1 $0x0  }
0x14: {  	s2 =	sld [smem:$0x3F98];
	s0 =	simm.s32 @p1 $0x1  }
0x15: {  	[smem:$0x3FB5] =	sst s0;
	s0 =	simm.s32 @!p2 $0x0  }
0x16: {  	s3 =	sld [smem:$0x3FDB];
	s0 =	simm.s32 @p2 $0x1  }
0x17: {  	s4 =	simm.s32 $0x1BF5;
	[smem:$0x3FB7] =	sst s0  }
0x18: {  	s0 =	sld [smem:$0x3F9A];
	_ =	swait.ge [sflag:s4], $0x0  }
0x19: {  	s7 =	sld [smem:$0x3F9B]  }
0x1a: {  	s8 =	sadd.s32 $0xFFFFE003, lr  }
0x1b: {  	s9 =	sadd.s32 $0xFFFFFEF7, lr;
	s5 =	simm.s32 $0xFFFFFFFF;
	p2 =	slt.u32 s8, $0xFFFFF086  }
0x1c: {  	p1 =	slt.u32 s9, $0xF7A;
	s5 =	simm.s32 @!p2 $0x0  }
0x1d: {  	s5 =	simm.s32 @p1 $0x1;
	p0 =	seq.s32 s7, s2  }
0x1e: {  	s7 =	smul.u32 @!p0 $0xF7A, s2;
	p2 =	seq.s32 @!p0 s5, $0x0  }
0x1f: {  	s9 =	smul.u32 $0xF7A, s1;
	s8 =	simm.s32 @!p0 $0x1BF5;
	p2 =	por !p2, p0  }
0x20: {  	[sflag:s8] =	ssyncset.s32 @!p0 $0xFFFFF086;
	s6 =	sadd.s32 @!p0 s3, s7;
	s7 =	simm.s32 @!p0 $0x108  }
0x21: {  	s3 =	sadd.s32 s3, s9;
	s6 =	sadd.s32 @!p0 $0x88, s6;
	s7 =	simm.s32 @p2 $0x1082  }
0x22: {  	[simem:s7], [sflag:s8] =	dma.local @!p0 [hbm:s6], $0xF7A  }
0x23: {  	s9 =	sor.u32 $0xD0000000, s2;
	s6 =	simm.s32 $0x108;
	_ =	swait.ge @!p0 [sflag:s8], $0x0  }
0x24: {  	s3 =	sadd.s32 $0x88, s3;
	s6 =	simm.s32 @!p1 $0x1082;
	[sflag:s4] =	ssyncset.s32 $0xFFFFF086  }
0x25: {  	[simem:s6], [sflag:s4] =	dma.local [hbm:s3], $0xF7A  }
0x26: {  	[smem:$0x3F9B] =	sst s1;
	(tag) =	ssettag s2;
	_ =	strace s9  }
0x27: {  	s1 =	sld [smem:$0x3FAB]  }
0x28: {  	s2 =	sld [smem:$0x3FAC]  }
0x29: {  	s4 =	sld [smem:$0x3FAE]  }
0x2a: {  	p0 =	seq.s32 s5, $0x0;
	s5 =	sld [smem:$0x3FAF]  }
0x2b: {  	s6 =	sld [smem:$0x3FB0]  }
0x2c: {  	s7 =	sld [smem:$0x3FB1]  }
0x2d: {  	s3 =	simm.s32 $0x108;
	s8 =	sld [smem:$0x3FB2]  }
0x2e: {  	s3 =	simm.s32 @!p0 $0x1082;
	s9 =	sld [smem:$0x3FB3]  }
0x2f: {  	lr =	sadd.s32 s0, s3;
	s0 =	sld [smem:$0x3FAA]  }
0x30: {  	s3 =	sld [smem:$0x3FAD]  }
0x31: {  	[smem:$0x3FB6] =	sst s10  }
0x32: {  	s10 =	sld [smem:$0x3FB4];
	_ =	sdelay $0x3  }
0x33: {  	p0 =	seq.s32 s10, $0x1;
	s10 =	sld [smem:$0x3FB6];
	_ =	sdelay $0x3  }
0x34: {  	[smem:$0x3FB6] =	sst s10  }
0x35: {  	s10 =	sld [smem:$0x3FB5];
	_ =	sdelay $0x3  }
0x36: {  	p1 =	seq.s32 s10, $0x1;
	s10 =	sld [smem:$0x3FB6];
	_ =	sdelay $0x3  }
0x37: {  	[smem:$0x3FB6] =	sst s10  }
0x38: {  	s10 =	sld [smem:$0x3FB7]  }
0x39: {  	_ = 	snop;
	(pc) =	sbr.ind lr, $3  }
0x3a: {  	_ = 	snop  }
0x3b: {  	_ = 	snop  }
0x3c: {  	p2 =	seq.s32 s10, $0x1;
	s10 =	sld [smem:$0x3FB6]  }
0x3d: {  	_ =	shalt  }
0x3e: {  	_ =	shalt  }
0x3f: {  	_ =	shalt  }
0x40: {  	_ =	shalt  }
0x41: {  	_ =	shalt  }
0x42: {  	_ =	shalt  }
0x43: {  	_ =	shalt  }
0x44: {  	_ =	shalt  }
0x45: {  	_ =	shalt  }
0x46: {  	_ =	shalt  }
0x47: {  	_ =	shalt  }
0x48: {  	_ =	shalt  }
0x49: {  	_ =	shalt  }
0x4a: {  	_ =	shalt  }
0x4b: {  	_ =	shalt  }
0x4c: {  	_ =	shalt  }
0x4d: {  	_ =	shalt  }
0x4e: {  	_ =	shalt  }
0x4f: {  	_ =	shalt  }
0x50: {  	_ =	shalt  }
0x51: {  	_ =	shalt  }
0x52: {  	_ =	shalt  }
0x53: {  	_ =	shalt  }
0x54: {  	_ =	shalt  }
0x55: {  	_ =	shalt  }
0x56: {  	_ =	shalt  }
0x57: {  	_ =	shalt  }
0x58: {  	_ =	shalt  }
0x59: {  	_ =	shalt  }
0x5a: {  	_ =	shalt  }
0x5b: {  	_ =	shalt  }
0x5c: {  	_ =	shalt  }
0x5d: {  	_ =	shalt  }
0x5e: {  	_ =	shalt  }
0x5f: {  	_ =	shalt  }
0x60: {  	_ =	shalt  }
0x61: {  	_ =	shalt  }
0x62: {  	_ =	shalt  }
0x63: {  	_ =	shalt  }
0x64: {  	_ =	shalt  }
0x65: {  	_ =	shalt  }
0x66: {  	_ =	shalt  }
0x67: {  	_ =	shalt  }
0x68: {  	_ =	shalt  }
0x69: {  	_ =	shalt  }
0x6a: {  	_ =	shalt  }
0x6b: {  	_ =	shalt  }
0x6c: {  	_ =	shalt  }
0x6d: {  	_ =	shalt  }
0x6e: {  	_ =	shalt  }
0x6f: {  	_ =	shalt  }
0x70: {  	_ =	shalt  }
0x71: {  	_ =	shalt  }
0x72: {  	_ =	shalt  }
0x73: {  	_ =	shalt  }
0x74: {  	_ =	shalt  }
0x75: {  	_ =	shalt  }
0x76: {  	_ =	shalt  }
0x77: {  	_ =	shalt  }
0x78: {  	_ =	shalt  }
0x79: {  	_ =	shalt  }
0x7a: {  	_ =	shalt  }
0x7b: {  	_ =	shalt  }
0x7c: {  	_ =	shalt  }
0x7d: {  	_ =	shalt  }
0x7e: {  	_ =	shalt  }
0x7f: {  	_ =	shalt  }
0x80: {  	_ =	shalt  }
0x81: {  	_ =	shalt  }
0x82: {  	_ =	shalt  }
0x83: {  	_ =	shalt  }
0x84: {  	_ =	shalt  }
0x85: {  	_ =	shalt  }
0x86: {  	_ =	shalt  }
0x87: {  	_ =	shalt  }
.Lfunc_end0:
.L_simem_size_0:
called_computation.1_lowered:
.L_overlay_start_0:
0x88: {  	s2 =	sld [smem:$0x3FD9]  }
0x89: {  	s3 =	sld [smem:$0x3FFE];
	_ =	sdelay $0x1  }
0x8a: {  	s1 =	srdreg.scid  }
0x8b: {  	s0 =	sand.u32 $0x1, s1  }
0x8c: {  	s17 =	sshll.u32 s0, $0xA;
	s2 =	sadd.s32 s3, s2  }
0x8d: {  	s2 =	sadd.s32 s2, s17  }
0x8e: {  	[smem:$0x3FC2] =	sst s2  }
0x8f: {  	_ = 	snop  }
0x90: {  	s2 =	sld [smem:$0x3FD0];
	(tm) =	ssettm $0x1  }
0x91: {  	s18 =	sld [smem:$0x3FFB];
	_ =	sdelay $0x3  }
0x92: {  	_ =	strace s18  }
0x93: {  	s3 =	sld [smem:$0x3FFC];
	_ =	sdelay $0x3  }
0x94: {  	_ =	strace s3  }
0x95: {  	s3 =	sld [smem:$0x3FFD];
	_ =	sdelay $0x3  }
0x96: {  	_ =	strace s3  }
0x97: {  	_ =	strace $0x8FFFFFFF  }
0x98: {  	s19 =	sld [smem:$0x3FDB];
	_ =	sdelay $0x1  }
0x99: {  	s4 =	simm.s32 $_scs_section_size  }
0x9a: {  	s5 =	simm.s32 $_size__tile_overlayer_lowered;
	s6 =	simm.s32 $_tile_overlayer_lowered  }
0x9b: {  	s22 =	simm.s32 $0x1BFF;
	s21 =	sshll.u32 s6, $0x1;
	s3 =	sadd.s32 s4, s19  }
0x9c: {  	s7 =	simm.s32 $0x0;
	s20 =	sshll.u32 s5, $0x1;
	s5 =	sadd.s32 s21, s3  }
0x9d: {  	[timem:s7], [sflag:s22] =	dma.local [hbm:s5], s20  }
0x9e: {  	_ =	swait.ge [sflag:s22], s20  }
0x9f: {  	s4 =	ssub.s32 $0x0, s20;
	[sflag:s22] =	ssyncset.done $0x0  }
0xa0: {  	[sflag:s22] =	ssyncadd.s32 s4;
	_ =	sdelay $0x1  }
0xa1: {  	s23 =	simm.s32 $0x1B8B  }
0xa2: {  	_ =	swait.ge [sflag:s23], $0x1  }
0xa3: {  	[sflag:s23] =	ssyncset.done $0x0  }
0xa4: {  	s25 =	simm.s32 $0x1B8E;
	s24 =	sld [smem:$0x3FFE];
	[sflag:s23] =	ssyncadd.s32 $0xFFFFFFFF  }
0xa5: {  	s26 =	simm.s32 $execute0_lowered;
	[smem:$0x3FD2] =	sst s25  }
0xa6: {  	s5 =	sshll.u32 s26, $0x1;
	_ =	strace $0x80000049;
	[dreg:$0x1] =	wrdreg $0xFFFFFFFF  }
0xa7: {  	s28 =	simm.s32 $_size_execute0_lowered;
	s3 =	sadd.s32 s3, s5;
	[dreg:$0x0] =	wrdreg $0x0  }
0xa8: {  	s5 =	sshll.u32 s28, $0x1;
	[dreg:$0x2] =	wrdreg s3  }
0xa9: {  	[dreg:$0x3] =	wrdreg s5  }
0xaa: {  	[dreg:$0x4] =	wrdreg $0xC0  }
0xab: {  	_ =	task [dreg:s7], $0x5FFFF  }
0xac: {  	[dreg:$0x1] =	wrdreg $0xFFFFFFFF  }
0xad: {  	[dreg:$0x0] =	wrdreg $0x60  }
0xae: {  	[dreg:$0x2] =	wrdreg s2  }
0xaf: {  	[dreg:$0x3] =	wrdreg s24  }
0xb0: {  	[dreg:$0x4] =	wrdreg $0x90000  }
0xb1: {  	[dreg:$0x5] =	wrdreg $0x9  }
0xb2: {  	_ =	task.clear_ibuf [dreg:s7], $0x6FFFF;
	_ =	strace $0x90000049  }
0xb3: {  	s29 =	simm.s32 $0x9;
	_ =	strace $0x8000004B  }
0xb4: {  	_ =	swait.ge [sflag:s29], $0x1  }
0xb5: {  	[sflag:s29] =	ssyncadd.s32 $0xFFFFFFFF  }
0xb6: {  	_ =	strace $0x9000004B  }
0xb7: {  	_ =	sfence  }
0xb8: {  	s30 =	sld [smem:$0x0];
	_ =	sdelay $0x2  }
0xb9: {  	s31 =	sshll.u32 s1, $0xD;
	s1 =	sshrl.u32 s1, $0x2  }
0xba: {  	s3 =	sand.u32 $0x4000, s31;
	s1 =	sadd.s32 s1, s30  }
0xbb: {  	s0 =	sor.u32 s3, s0;
	s1 =	sshll.u32 s1, $0x11  }
0xbc: {  	s0 =	sor.u32 s1, s0  }
0xbd: {  	s0 =	sadd.s32 $0x8F2B, s0  }
0xbe: {  	[sflag:s0] =	ssyncadd.remote.s32 $0x1  }
0xbf: {  	_ =	sfence.sel $0xFFFF  }
0xc0: {  	[dreg:$0x0] =	wrdreg $0xFFFFFFFF;
	(pc) =	sbr.abs _section_cstart, $3  }
0xc1: {  	[dreg:$0x1] =	wrdreg $0xFFFFFFFF  }
0xc2: {  	_ =	task.clear_ibuf [dreg:s7], $0x2FFFF;
	_ =	strace $0x9FFFFFFF  }
0xc3: {  	(tm) =	ssettm $0x7FFFFFFF  }
tec
execute0_lowered:
.L_overlay_start_1:
0x0: {  	(tag) =	ssettag $0x1  }
0x1: {  	s1 =	rddreg [dreg:$0x0]  }
0x2: {  	s0 =	rddreg [dreg:$0x1]  }
0x3: {  	s3 =	rddreg [dreg:$0x2];
	s5 =	simm.s32 $0x0;
	s4 =	stileid.u32  }
0x4: {  	s2 =	srdreg.scid;
	s28 =	simm.s32 $0x1;
	s29 =	simm.s32 $0x2  }
0x5: {  	s30 =	simm.s32 $0x3;
	s31 =	simm.s32 $0x4;
	s15 =	smul.u32 $0x14000, s4  }
0x6: {  	[smem:$0x7FF] =	sst s5;
	s2 =	sand.u32 $0x1, s2;
	s16 =	smul.u32 $0x50000, s4  }
0x7: {  	s7 =	sadd.s32 $0x3000, s0;
	s8 =	sadd.s32 $0x2B000, s0;
	s13 =	smul.u32 $0xA000, s4  }
0x8: {  	s22 =	sshll.u32 s4, $0x6;
	_ =	strace $0x8000004A;
	s6 =	smul.u32 $0x140000, s2  }
0x9: {  	s10 =	ssub.s32 $0x2, s2;
	s11 =	smul.u32 $0xA0000, s2;
	s2 =	sshll.u32 s2, $0x4  }
0xa: {  	s9 =	sshrl.u32 s15, $0x3;
	s12 =	sshrl.u32 s10, $0x1;
	s2 =	sor.u32 s4, s2  }
0xb: {  	s4 =	sor.u32 $0x1C06, s22;
	s22 =	simm.s32 $0x4000;
	s9 =	sadd.s32 s9, s0  }
0xc: {  	s5 =	sadd.s32 s15, s6;
	s17 =	ssub.s32 s10, s12;
	s6 =	sshrl.u32 s16, $0x2  }
0xd: {  	s2 =	smul.u32 $0xA000, s2;
	s18 =	sadd.s32 s13, s11;
	s12 =	simm.s32 $0x6  }
0xe: {  	s13 =	simm.s32 $0x5;
	s15 =	simm.s32 $0x20;
	[dreg:$0x7] =	wrdreg s4  }
0xf: {  	s5 =	sshrl.u32 s5, $0x3;
	s19 =	sadd.s32 s6, s3;
	s20 =	sadd.s32 $0x53000, s9  }
0x10: {  	s26 =	smax.u32 s17, $0x1;
	s0 =	sadd.s32 s5, s0;
	[dreg:$0x6] =	wrdreg s20  }
0x11: {  	s2 =	sshrl.u32 s2, $0x3;
	[dreg:$0xb] =	wrdreg s26;
	s5 =	sshrl.u32 s19, $0x3  }
0x12: {  	s21 =	sor.u32 $0x400, s18;
	s23 =	sadd.s32 s7, s2;
	[dreg:$0xc] =	wrdreg s5  }
0x13: {  	s10 =	sshrl.u32 s21, $0x3;
	s2 =	sadd.s32 s8, s2;
	[dreg:$0x8] =	wrdreg s23  }
0x14: {  	s16 =	simm.s32 $0x1000;
	s24 =	sadd.s32 s10, s8;
	[dreg:$0x9] =	wrdreg s2  }
0x15: {  	s18 =	simm.s32 $0x2000;
	s0 =	sadd.s32 $0x7B000, s0;
	[dreg:$0x4] =	wrdreg s24  }
0x16: {  	s20 =	simm.s32 $0x3000;
	s25 =	sadd.s32 s10, s7;
	[dreg:$0xa] =	wrdreg s0  }
0x17: {  	s26 =	simm.s32 $0x8000;
	[dreg:$0x5] =	wrdreg s25;
	s23 =	simm.s32 $0x5000  }
0x18: {  	s24 =	simm.s32 $0x6000;
	s25 =	simm.s32 $0x7000;
	s0 =	simm.s32 $0x0  }
.LBB2_1:
0x19: {  	s2 =	rddreg [dreg:$0x6]  }
0x1a: {  	[spmem:s5], [sflag:s4] =	dma.local [hbm:s2], $0x2800  }
0x1b: {  	_ =	swait.ge [sflag:s12], $0x2800  }
0x1c: {  	[sflag:s12] =	ssyncset.done $0x0  }
0x1d: {  	s9 =	simm.s32 $0x0;
	s10 =	rddreg [dreg:$0x8];
	[sflag:s12] =	ssyncadd.s32 $0xFFFFD800  }
0x1e: {  	[tilespmem:s9], [sflag:$0x5] =	stream.linear.gather [hbm4b:s10+s9], $0x400, $0x38;
	[tilespmem:$0x1D040] =	vst v63  }
0x1f: {  	_ =	swait.ge [sflag:s13], $0x400  }
0x20: {  	[sflag:s13] =	ssyncset.done $0x0  }
0x21: {  	s14 =	simm.s32 $0x800;
	s11 =	rddreg [dreg:$0x9];
	[sflag:s13] =	ssyncadd.s32 $0xFFFFFC00  }
0x22: {  	[tilespmem:s14], [sflag:$0x5] =	stream.linear.gather [hbm4b:s11+s9], $0x400, $0x38;
	[tilespmem:$0x1D040] =	vst v63  }
0x23: {  	_ =	swait.ge [sflag:s13], $0x400  }
0x24: {  	[sflag:s13] =	ssyncset.done $0x0  }
0x25: {  	[sflag:s13] =	ssyncadd.s32 $0xFFFFFC00  }
0x26: {  	[bflag:$0x0] =	sbarrier.arrive $0xFFFF  }
0x27: {  	[tilespmem:s16], [sflag:$0x1] =	stream.indirect.gather [hbm4b:s1+s15], $0x80, s9, s15, $0xb8;
	[tilespmem:$0x1D040] =	vst v63  }
0x28: {  	s17 =	simm.s32 $0x80  }
0x29: {  	[tilespmem:s18], [sflag:$0x1] =	stream.indirect.gather [hbm4b:s1+s15], $0x80, s17, s15, $0xb8;
	[tilespmem:$0x1D040] =	vst v63  }
0x2a: {  	s19 =	simm.s32 $0x100;
	p0 =	por $0x1, $0x1  }
0x2b: {  	[tilespmem:s20], [sflag:$0x1] =	stream.indirect.gather [hbm4b:s1+s15], $0x80, s19, s15, $0xb8;
	[tilespmem:$0x1D040] =	vst v63  }
0x2c: {  	s21 =	simm.s32 $0x180;
	s5 =	simm.s32 @!p0 $0x5  }
0x2d: {  	[tilespmem:s22], [sflag:$0x1] =	stream.indirect.gather [hbm4b:s1+s15], $0x80, s21, s15, $0xb8;
	[tilespmem:$0x1D040] =	vst v63  }
0x2e: {  	_ =	swait.ge @!p0 [sflag:s5], $0x400  }
0x2f: {  	[sflag:s5] =	ssyncset.done @!p0 $0x0  }
0x30: {  	[sflag:s5] =	ssyncadd.s32 @!p0 $0xFFFFFC00  }
0x31: {  	s7 =	sand.u32 $0x8, s9;
	_ =	swait.ge @!p0 [sflag:s5], $0x400  }
0x32: {  	s2 =	sshll.u32 s7, $0x7;
	[sflag:s5] =	ssyncset.done @!p0 $0x0  }
0x33: {  	[sflag:s5] =	ssyncadd.s32 @!p0 $0xFFFFFC00;
	s5 =	sor.u32 $0x200, s2  }
0x34: {  	[tilespmem:s23], [sflag:$0x2] =	stream.indirect.gather [hbm4b:s1+s15], $0x80, s5, s15, $0xb8;
	[tilespmem:$0x1D040] =	vst v63  }
0x35: {  	s8 =	sor.u32 $0x280, s2  }
0x36: {  	[tilespmem:s24], [sflag:$0x2] =	stream.indirect.gather [hbm4b:s1+s15], $0x80, s8, s15, $0xb8;
	[tilespmem:$0x1D040] =	vst v63  }
0x37: {  	s7 =	sxor.u32 $0x8, s7;
	s9 =	sor.u32 $0x300, s2;
	s14 =	rddreg [dreg:$0x5]  }
0x38: {  	[tilespmem:s25], [sflag:$0x2] =	stream.indirect.gather [hbm4b:s1+s15], $0x80, s9, s15, $0xb8;
	[tilespmem:$0x1D040] =	vst v63  }
0x39: {  	s17 =	sor.u32 $0x380, s2;
	s19 =	rddreg [dreg:$0x4];
	p0 =	por $0x0, $0x0  }
0x3a: {  	[tilespmem:s26], [sflag:$0x2] =	stream.indirect.gather [hbm4b:s1+s15], $0x80, s17, s15, $0xb8;
	[tilespmem:$0x1D040] =	vst v63  }
0x3b: {  	s7 =	sshll.u32 @!p0 s7, $0x7;
	s14 =	sadd.s32 @!p0 $0x0, s14;
	s21 =	simm.s32 @!p0 $0x0  }
0x3c: {  	[tilespmem:s7], [sflag:$0x5] =	stream.linear.gather @!p0 [hbm4b:s14+s21], $0x400, $0x38;
	[tilespmem:$0x1D040] =	vst v63  }
0x3d: {  	s19 =	sadd.s32 @!p0 $0x0, s19;
	s14 =	sor.u32 @!p0 $0x800, s7  }
0x3e: {  	[tilespmem:s14], [sflag:$0x5] =	stream.linear.gather @!p0 [hbm4b:s19+s21], $0x400, $0x38;
	[tilespmem:$0x1D040] =	vst v63  }
0x3f: {  	_ =	swait.ge [sflag:s28], $0x1000  }
0x40: {  	[sflag:s28] =	ssyncset.done $0x0  }
0x41: {  	[sflag:s28] =	ssyncadd.s32 $0xFFFFF000  }
0x42: {  	_ =	swait.ge [sflag:s28], $0x1000  }
0x43: {  	[sflag:s28] =	ssyncset.done $0x0  }
0x44: {  	[sflag:s28] =	ssyncadd.s32 $0xFFFFF000  }
0x45: {  	_ =	swait.ge [sflag:s28], $0x1000  }
0x46: {  	[sflag:s28] =	ssyncset.done $0x0  }
0x47: {  	[sflag:s28] =	ssyncadd.s32 $0xFFFFF000  }
0x48: {  	_ =	swait.ge [sflag:s28], $0x1000  }
0x49: {  	[sflag:s28] =	ssyncset.done $0x0  }
0x4a: {  	s4 =	sor.u32 $0x800, s2;
	[sflag:s28] =	ssyncadd.s32 $0xFFFFF000  }
0x4b: {  	[spmem:s3] =	stream.indirect.scatter.add.f32 [tilespmem:s16], [sflag:$0x3], $0x80, s4, s15, $0xb8;
	[tilespmem:$0x1D040] =	vst v63  }
0x4c: {  	s6 =	sadd.s32 $0x880, s2  }
0x4d: {  	[spmem:s3] =	stream.indirect.scatter.add.f32 [tilespmem:s18], [sflag:$0x3], $0x80, s6, s15, $0xb8;
	[tilespmem:$0x1D040] =	vst v63  }
0x4e: {  	s10 =	sadd.s32 $0x900, s2  }
0x4f: {  	[spmem:s3] =	stream.indirect.scatter.add.f32 [tilespmem:s20], [sflag:$0x3], $0x80, s10, s15, $0xb8;
	[tilespmem:$0x1D040] =	vst v63  }
0x50: {  	s11 =	sadd.s32 $0x980, s2  }
0x51: {  	[spmem:s3] =	stream.indirect.scatter.add.f32 [tilespmem:s22], [sflag:$0x3], $0x80, s11, s15, $0xb8;
	[tilespmem:$0x1D040] =	vst v63  }
0x52: {  	_ =	swait.ge [sflag:s29], $0x1000  }
0x53: {  	[sflag:s29] =	ssyncset.done $0x0  }
0x54: {  	[sflag:s29] =	ssyncadd.s32 $0xFFFFF000  }
0x55: {  	_ =	swait.ge [sflag:s29], $0x1000  }
0x56: {  	[sflag:s29] =	ssyncset.done $0x0  }
0x57: {  	[sflag:s29] =	ssyncadd.s32 $0xFFFFF000  }
0x58: {  	_ =	swait.ge [sflag:s29], $0x1000  }
0x59: {  	[sflag:s29] =	ssyncset.done $0x0  }
0x5a: {  	[sflag:s29] =	ssyncadd.s32 $0xFFFFF000  }
0x5b: {  	_ =	swait.ge [sflag:s29], $0x1000  }
0x5c: {  	[sflag:s29] =	ssyncset.done $0x0  }
0x5d: {  	s5 =	sor.u32 $0x800, s5;
	[sflag:s29] =	ssyncadd.s32 $0xFFFFF000  }
0x5e: {  	[spmem:s3] =	stream.indirect.scatter.add.f32 [tilespmem:s23], [sflag:$0x4], $0x80, s5, s15, $0xb8;
	[tilespmem:$0x1D040] =	vst v63  }
0x5f: {  	s14 =	sor.u32 $0x800, s8  }
0x60: {  	[spmem:s3] =	stream.indirect.scatter.add.f32 [tilespmem:s24], [sflag:$0x4], $0x80, s14, s15, $0xb8;
	[tilespmem:$0x1D040] =	vst v63  }
0x61: {  	s19 =	sor.u32 $0x800, s9  }
0x62: {  	[spmem:s3] =	stream.indirect.scatter.add.f32 [tilespmem:s25], [sflag:$0x4], $0x80, s19, s15, $0xb8;
	[tilespmem:$0x1D040] =	vst v63  }
0x63: {  	s21 =	sor.u32 $0x800, s17  }
0x64: {  	[spmem:s3] =	stream.indirect.scatter.add.f32 [tilespmem:s26], [sflag:$0x4], $0x80, s21, s15, $0xb8;
	[tilespmem:$0x1D040] =	vst v63  }
0x65: {  	_ =	swait.ge [sflag:s30], $0x1000  }
0x66: {  	[sflag:s30] =	ssyncset.done $0x0  }
0x67: {  	[sflag:s30] =	ssyncadd.s32 $0xFFFFF000  }
0x68: {  	_ =	swait.ge [sflag:s30], $0x1000  }
0x69: {  	[sflag:s30] =	ssyncset.done $0x0  }
0x6a: {  	[sflag:s30] =	ssyncadd.s32 $0xFFFFF000  }
0x6b: {  	_ =	swait.ge [sflag:s30], $0x1000  }
0x6c: {  	[sflag:s30] =	ssyncset.done $0x0  }
0x6d: {  	[sflag:s30] =	ssyncadd.s32 $0xFFFFF000  }
0x6e: {  	_ =	swait.ge [sflag:s30], $0x1000  }
0x6f: {  	[sflag:s30] =	ssyncset.done $0x0  }
0x70: {  	s8 =	simm.s32 @!p0 $0x1000;
	s5 =	simm.s32 @!p0 $0x20;
	[sflag:s30] =	ssyncadd.s32 $0xFFFFF000  }
0x71: {  	[tilespmem:s8], [sflag:$0x1] =	stream.indirect.gather @!p0 [hbm4b:s1+s5], $0x80, s7, s5, $0xb8;
	[tilespmem:$0x1D040] =	vst v63  }
0x72: {  	s7 =	ssub.s32 @!p0 $0x480, s2;
	s8 =	simm.s32 @!p0 $0x2000  }
0x73: {  	[tilespmem:s8], [sflag:$0x1] =	stream.indirect.gather @!p0 [hbm4b:s1+s5], $0x80, s7, s5, $0xb8;
	[tilespmem:$0x1D040] =	vst v63  }
0x74: {  	s7 =	ssub.s32 @!p0 $0x500, s2;
	s8 =	simm.s32 @!p0 $0x3000  }
0x75: {  	[tilespmem:s8], [sflag:$0x1] =	stream.indirect.gather @!p0 [hbm4b:s1+s5], $0x80, s7, s5, $0xb8;
	[tilespmem:$0x1D040] =	vst v63  }
0x76: {  	s2 =	ssub.s32 @!p0 $0x580, s2;
	s7 =	simm.s32 @!p0 $0x4000  }
0x77: {  	[tilespmem:s7], [sflag:$0x1] =	stream.indirect.gather @!p0 [hbm4b:s1+s5], $0x80, s2, s5, $0xb8;
	[tilespmem:$0x1D040] =	vst v63  }
0x78: {  	_ =	swait.ge [sflag:s31], $0x1000  }
0x79: {  	[sflag:s31] =	ssyncset.done $0x0  }
0x7a: {  	[sflag:s31] =	ssyncadd.s32 $0xFFFFF000  }
0x7b: {  	_ =	swait.ge [sflag:s31], $0x1000  }
0x7c: {  	[sflag:s31] =	ssyncset.done $0x0  }
0x7d: {  	[sflag:s31] =	ssyncadd.s32 $0xFFFFF000  }
0x7e: {  	_ =	swait.ge [sflag:s31], $0x1000  }
0x7f: {  	[sflag:s31] =	ssyncset.done $0x0  }
0x80: {  	[sflag:s31] =	ssyncadd.s32 $0xFFFFF000  }
0x81: {  	p1 =	por $0x0, $0x0;
	s17 =	simm.s32 $0x100;
	_ =	swait.ge [sflag:s31], $0x1000  }
0x82: {  	s14 =	simm.s32 $0x8;
	s2 =	simm.s32 $0x80;
	[sflag:s31] =	ssyncset.done $0x0  }
.LBB2_2:
0x83: {  	s5 =	simm.s32 @!p1 $0x5;
	[sflag:s31] =	ssyncadd.s32 $0xFFFFF000  }
0x84: {  	_ =	swait.ge @!p1 [sflag:s5], $0x400  }
0x85: {  	[sflag:s5] =	ssyncset.done @!p1 $0x0  }
0x86: {  	[sflag:s5] =	ssyncadd.s32 @!p1 $0xFFFFFC00  }
0x87: {  	s7 =	sand.u32 $0x8, s14;
	_ =	swait.ge @!p1 [sflag:s5], $0x400  }
0x88: {  	s19 =	sshll.u32 s7, $0x7;
	[sflag:s5] =	ssyncset.done @!p1 $0x0  }
0x89: {  	[sflag:s5] =	ssyncadd.s32 @!p1 $0xFFFFFC00;
	s5 =	sor.u32 $0x200, s19  }
0x8a: {  	[tilespmem:s23], [sflag:$0x2] =	stream.indirect.gather [hbm4b:s1+s15], $0x80, s5, s15, $0xb8;
	[tilespmem:$0x1D040] =	vst v63  }
0x8b: {  	s21 =	sxor.u32 $0x8, s7;
	s7 =	sor.u32 $0x280, s19  }
0x8c: {  	[tilespmem:s24], [sflag:$0x2] =	stream.indirect.gather [hbm4b:s1+s15], $0x80, s7, s15, $0xb8;
	[tilespmem:$0x1D040] =	vst v63  }
0x8d: {  	s8 =	sor.u32 $0x300, s19;
	s4 =	rddreg [dreg:$0x5]  }
0x8e: {  	[tilespmem:s25], [sflag:$0x2] =	stream.indirect.gather [hbm4b:s1+s15], $0x80, s8, s15, $0xb8;
	[tilespmem:$0x1D040] =	vst v63  }
0x8f: {  	s9 =	sor.u32 $0x380, s19;
	s6 =	rddreg [dreg:$0x4];
	p1 =	seq.s32 s2, $0x1380  }
0x90: {  	[tilespmem:s26], [sflag:$0x2] =	stream.indirect.gather [hbm4b:s1+s15], $0x80, s9, s15, $0xb8;
	[tilespmem:$0x1D040] =	vst v63  }
0x91: {  	s21 =	sshll.u32 @!p1 s21, $0x7;
	s4 =	sadd.s32 @!p1 s2, s4;
	s11 =	simm.s32 @!p1 $0x0  }
0x92: {  	[tilespmem:s21], [sflag:$0x5] =	stream.linear.gather @!p1 [hbm4b:s4+s11], $0x400, $0x38;
	[tilespmem:$0x1D040] =	vst v63  }
0x93: {  	s6 =	sadd.s32 @!p1 s2, s6;
	s4 =	sor.u32 @!p1 $0x800, s21  }
0x94: {  	[tilespmem:s4], [sflag:$0x5] =	stream.linear.gather @!p1 [hbm4b:s6+s11], $0x400, $0x38;
	[tilespmem:$0x1D040] =	vst v63  }
0x95: {  	_ =	swait.ge [sflag:s28], $0x1000  }
0x96: {  	[sflag:s28] =	ssyncset.done $0x0  }
0x97: {  	[sflag:s28] =	ssyncadd.s32 $0xFFFFF000  }
0x98: {  	_ =	swait.ge [sflag:s28], $0x1000  }
0x99: {  	[sflag:s28] =	ssyncset.done $0x0  }
0x9a: {  	[sflag:s28] =	ssyncadd.s32 $0xFFFFF000  }
0x9b: {  	_ =	swait.ge [sflag:s28], $0x1000  }
0x9c: {  	[sflag:s28] =	ssyncset.done $0x0  }
0x9d: {  	[sflag:s28] =	ssyncadd.s32 $0xFFFFF000  }
0x9e: {  	_ =	swait.ge [sflag:s28], $0x1000  }
0x9f: {  	[sflag:s28] =	ssyncset.done $0x0  }
0xa0: {  	s11 =	sor.u32 $0x800, s19;
	[sflag:s28] =	ssyncadd.s32 $0xFFFFF000  }
0xa1: {  	[spmem:s3] =	stream.indirect.scatter.add.f32 [tilespmem:s16], [sflag:$0x3], $0x80, s11, s15, $0xb8;
	[tilespmem:$0x1D040] =	vst v63  }
0xa2: {  	s10 =	smov.u32 s17;
	s6 =	sadd.s32 $0x880, s19  }
0xa3: {  	[spmem:s3] =	stream.indirect.scatter.add.f32 [tilespmem:s18], [sflag:$0x3], $0x80, s6, s15, $0xb8;
	[tilespmem:$0x1D040] =	vst v63  }
0xa4: {  	s2 =	smov.u32 s10;
	s10 =	sadd.s32 $0x900, s19  }
0xa5: {  	[spmem:s3] =	stream.indirect.scatter.add.f32 [tilespmem:s20], [sflag:$0x3], $0x80, s10, s15, $0xb8;
	[tilespmem:$0x1D040] =	vst v63  }
0xa6: {  	s11 =	sadd.s32 $0x980, s19  }
0xa7: {  	[spmem:s3] =	stream.indirect.scatter.add.f32 [tilespmem:s22], [sflag:$0x3], $0x80, s11, s15, $0xb8;
	[tilespmem:$0x1D040] =	vst v63  }
0xa8: {  	_ =	swait.ge [sflag:s29], $0x1000  }
0xa9: {  	[sflag:s29] =	ssyncset.done $0x0  }
0xaa: {  	[sflag:s29] =	ssyncadd.s32 $0xFFFFF000  }
0xab: {  	_ =	swait.ge [sflag:s29], $0x1000  }
0xac: {  	[sflag:s29] =	ssyncset.done $0x0  }
0xad: {  	[sflag:s29] =	ssyncadd.s32 $0xFFFFF000  }
0xae: {  	_ =	swait.ge [sflag:s29], $0x1000  }
0xaf: {  	[sflag:s29] =	ssyncset.done $0x0  }
0xb0: {  	[sflag:s29] =	ssyncadd.s32 $0xFFFFF000  }
0xb1: {  	_ =	swait.ge [sflag:s29], $0x1000  }
0xb2: {  	[sflag:s29] =	ssyncset.done $0x0  }
0xb3: {  	s6 =	sor.u32 $0x800, s5;
	[sflag:s29] =	ssyncadd.s32 $0xFFFFF000  }
0xb4: {  	[spmem:s3] =	stream.indirect.scatter.add.f32 [tilespmem:s23], [sflag:$0x4], $0x80, s6, s15, $0xb8;
	[tilespmem:$0x1D040] =	vst v63  }
0xb5: {  	s7 =	sor.u32 $0x800, s7  }
0xb6: {  	[spmem:s3] =	stream.indirect.scatter.add.f32 [tilespmem:s24], [sflag:$0x4], $0x80, s7, s15, $0xb8;
	[tilespmem:$0x1D040] =	vst v63  }
0xb7: {  	s10 =	sor.u32 $0x800, s8  }
0xb8: {  	[spmem:s3] =	stream.indirect.scatter.add.f32 [tilespmem:s25], [sflag:$0x4], $0x80, s10, s15, $0xb8;
	[tilespmem:$0x1D040] =	vst v63  }
0xb9: {  	s11 =	sor.u32 $0x800, s9  }
0xba: {  	[spmem:s3] =	stream.indirect.scatter.add.f32 [tilespmem:s26], [sflag:$0x4], $0x80, s11, s15, $0xb8;
	[tilespmem:$0x1D040] =	vst v63  }
0xbb: {  	_ =	swait.ge [sflag:s30], $0x1000  }
0xbc: {  	[sflag:s30] =	ssyncset.done $0x0  }
0xbd: {  	[sflag:s30] =	ssyncadd.s32 $0xFFFFF000  }
0xbe: {  	_ =	swait.ge [sflag:s30], $0x1000  }
0xbf: {  	[sflag:s30] =	ssyncset.done $0x0  }
0xc0: {  	[sflag:s30] =	ssyncadd.s32 $0xFFFFF000  }
0xc1: {  	_ =	swait.ge [sflag:s30], $0x1000  }
0xc2: {  	[sflag:s30] =	ssyncset.done $0x0  }
0xc3: {  	[sflag:s30] =	ssyncadd.s32 $0xFFFFF000  }
0xc4: {  	_ =	swait.ge [sflag:s30], $0x1000  }
0xc5: {  	[sflag:s30] =	ssyncset.done $0x0  }
0xc6: {  	s4 =	simm.s32 @!p1 $0x20;
	s5 =	simm.s32 @!p1 $0x1000;
	[sflag:s30] =	ssyncadd.s32 $0xFFFFF000  }
0xc7: {  	[tilespmem:s5], [sflag:$0x1] =	stream.indirect.gather @!p1 [hbm4b:s1+s4], $0x80, s21, s4, $0xb8;
	[tilespmem:$0x1D040] =	vst v63  }
0xc8: {  	s6 =	simm.s32 @!p1 $0x2000;
	s5 =	ssub.s32 @!p1 $0x480, s19  }
0xc9: {  	[tilespmem:s6], [sflag:$0x1] =	stream.indirect.gather @!p1 [hbm4b:s1+s4], $0x80, s5, s4, $0xb8;
	[tilespmem:$0x1D040] =	vst v63  }
0xca: {  	s5 =	ssub.s32 @!p1 $0x500, s19;
	s6 =	simm.s32 @!p1 $0x3000  }
0xcb: {  	[tilespmem:s6], [sflag:$0x1] =	stream.indirect.gather @!p1 [hbm4b:s1+s4], $0x80, s5, s4, $0xb8;
	[tilespmem:$0x1D040] =	vst v63  }
0xcc: {  	s5 =	ssub.s32 @!p1 $0x580, s19;
	s6 =	simm.s32 @!p1 $0x4000  }
0xcd: {  	[tilespmem:s6], [sflag:$0x1] =	stream.indirect.gather @!p1 [hbm4b:s1+s4], $0x80, s5, s4, $0xb8;
	[tilespmem:$0x1D040] =	vst v63  }
0xce: {  	_ =	swait.ge [sflag:s31], $0x1000  }
0xcf: {  	[sflag:s31] =	ssyncset.done $0x0  }
0xd0: {  	[sflag:s31] =	ssyncadd.s32 $0xFFFFF000  }
0xd1: {  	_ =	swait.ge [sflag:s31], $0x1000  }
0xd2: {  	s17 =	sadd.s32 $0x80, s17;
	[sflag:s31] =	ssyncset.done $0x0  }
0xd3: {  	p0 =	sne.s32 s17, $0x1400;
	[sflag:s31] =	ssyncadd.s32 $0xFFFFF000  }
.Ltmp0:
0xd4: {  	_ =	swait.ge [sflag:s31], $0x1000;
	(pc) =	sbr.rel @p0 .LBB2_2-.Ltmp0, $4  }
0xd5: {  	[sflag:s31] =	ssyncset.done $0x0  }
0xd6: {  	[sflag:s31] =	ssyncadd.s32 $0xFFFFF000  }
0xd7: {  	_ =	swait.ge [sflag:s31], $0x1000  }
0xd8: {  	s14 =	sadd.s32 $0x8, s14;
	p1 =	seq.s32 s2, $0x0;
	[sflag:s31] =	ssyncset.done $0x0  }
0xd9: {  	s4 =	simm.s32 @!p1 $0x5;
	[sflag:s31] =	ssyncadd.s32 $0xFFFFF000  }
0xda: {  	_ =	swait.ge @!p1 [sflag:s4], $0x400  }
0xdb: {  	[sflag:s4] =	ssyncset.done @!p1 $0x0  }
0xdc: {  	[sflag:s4] =	ssyncadd.s32 @!p1 $0xFFFFFC00  }
0xdd: {  	s6 =	sand.u32 $0x8, s14;
	_ =	swait.ge @!p1 [sflag:s4], $0x400  }
0xde: {  	s5 =	sshll.u32 s6, $0x7;
	[sflag:s4] =	ssyncset.done @!p1 $0x0  }
0xdf: {  	[sflag:s4] =	ssyncadd.s32 @!p1 $0xFFFFFC00;
	s4 =	sor.u32 $0x200, s5  }
0xe0: {  	[tilespmem:s23], [sflag:$0x2] =	stream.indirect.gather [hbm4b:s1+s15], $0x80, s4, s15, $0xb8;
	[tilespmem:$0x1D040] =	vst v63  }
0xe1: {  	s7 =	sor.u32 $0x280, s5  }
0xe2: {  	[tilespmem:s24], [sflag:$0x2] =	stream.indirect.gather [hbm4b:s1+s15], $0x80, s7, s15, $0xb8;
	[tilespmem:$0x1D040] =	vst v63  }
0xe3: {  	p0 =	seq.s32 s2, $0x1380;
	s6 =	sxor.u32 $0x8, s6;
	s8 =	sor.u32 $0x300, s5  }
0xe4: {  	[tilespmem:s25], [sflag:$0x2] =	stream.indirect.gather [hbm4b:s1+s15], $0x80, s8, s15, $0xb8;
	[tilespmem:$0x1D040] =	vst v63  }
0xe5: {  	s14 =	simm.s32 @!p0 $0x0;
	s10 =	sor.u32 $0x380, s5;
	s9 =	rddreg [dreg:$0x5]  }
0xe6: {  	[tilespmem:s26], [sflag:$0x2] =	stream.indirect.gather [hbm4b:s1+s15], $0x80, s10, s15, $0xb8;
	[tilespmem:$0x1D040] =	vst v63  }
0xe7: {  	s6 =	sshll.u32 @!p0 s6, $0x7;
	s11 =	rddreg [dreg:$0x4];
	s9 =	sadd.s32 @!p0 s2, s9  }
0xe8: {  	[tilespmem:s6], [sflag:$0x5] =	stream.linear.gather @!p0 [hbm4b:s9+s14], $0x400, $0x38;
	[tilespmem:$0x1D040] =	vst v63  }
0xe9: {  	s2 =	sadd.s32 @!p0 s2, s11;
	s9 =	sor.u32 @!p0 $0x800, s6  }
0xea: {  	[tilespmem:s9], [sflag:$0x5] =	stream.linear.gather @!p0 [hbm4b:s2+s14], $0x400, $0x38;
	[tilespmem:$0x1D040] =	vst v63  }
0xeb: {  	_ =	swait.ge [sflag:s28], $0x1000  }
0xec: {  	[sflag:s28] =	ssyncset.done $0x0  }
0xed: {  	[sflag:s28] =	ssyncadd.s32 $0xFFFFF000  }
0xee: {  	_ =	swait.ge [sflag:s28], $0x1000  }
0xef: {  	[sflag:s28] =	ssyncset.done $0x0  }
0xf0: {  	[sflag:s28] =	ssyncadd.s32 $0xFFFFF000  }
0xf1: {  	_ =	swait.ge [sflag:s28], $0x1000  }
0xf2: {  	[sflag:s28] =	ssyncset.done $0x0  }
0xf3: {  	[sflag:s28] =	ssyncadd.s32 $0xFFFFF000  }
0xf4: {  	_ =	swait.ge [sflag:s28], $0x1000  }
0xf5: {  	[sflag:s28] =	ssyncset.done $0x0  }
0xf6: {  	s14 =	sor.u32 $0x800, s5;
	[sflag:s28] =	ssyncadd.s32 $0xFFFFF000  }
0xf7: {  	[spmem:s3] =	stream.indirect.scatter.add.f32 [tilespmem:s16], [sflag:$0x3], $0x80, s14, s15, $0xb8;
	[tilespmem:$0x1D040] =	vst v63  }
0xf8: {  	s17 =	sadd.s32 $0x880, s5  }
0xf9: {  	[spmem:s3] =	stream.indirect.scatter.add.f32 [tilespmem:s18], [sflag:$0x3], $0x80, s17, s15, $0xb8;
	[tilespmem:$0x1D040] =	vst v63  }
0xfa: {  	s19 =	sadd.s32 $0x900, s5  }
0xfb: {  	[spmem:s3] =	stream.indirect.scatter.add.f32 [tilespmem:s20], [sflag:$0x3], $0x80, s19, s15, $0xb8;
	[tilespmem:$0x1D040] =	vst v63  }
0xfc: {  	s21 =	sadd.s32 $0x980, s5  }
0xfd: {  	[spmem:s3] =	stream.indirect.scatter.add.f32 [tilespmem:s22], [sflag:$0x3], $0x80, s21, s15, $0xb8;
	[tilespmem:$0x1D040] =	vst v63  }
0xfe: {  	_ =	swait.ge [sflag:s29], $0x1000  }
0xff: {  	[sflag:s29] =	ssyncset.done $0x0  }
0x100: {  	[sflag:s29] =	ssyncadd.s32 $0xFFFFF000  }
0x101: {  	_ =	swait.ge [sflag:s29], $0x1000  }
0x102: {  	[sflag:s29] =	ssyncset.done $0x0  }
0x103: {  	[sflag:s29] =	ssyncadd.s32 $0xFFFFF000  }
0x104: {  	_ =	swait.ge [sflag:s29], $0x1000  }
0x105: {  	[sflag:s29] =	ssyncset.done $0x0  }
0x106: {  	[sflag:s29] =	ssyncadd.s32 $0xFFFFF000  }
0x107: {  	_ =	swait.ge [sflag:s29], $0x1000  }
0x108: {  	[sflag:s29] =	ssyncset.done $0x0  }
0x109: {  	s9 =	sor.u32 $0x800, s4;
	[sflag:s29] =	ssyncadd.s32 $0xFFFFF000  }
0x10a: {  	[spmem:s3] =	stream.indirect.scatter.add.f32 [tilespmem:s23], [sflag:$0x4], $0x80, s9, s15, $0xb8;
	[tilespmem:$0x1D040] =	vst v63  }
0x10b: {  	s11 =	sor.u32 $0x800, s7  }
0x10c: {  	[spmem:s3] =	stream.indirect.scatter.add.f32 [tilespmem:s24], [sflag:$0x4], $0x80, s11, s15, $0xb8;
	[tilespmem:$0x1D040] =	vst v63  }
0x10d: {  	s14 =	sor.u32 $0x800, s8  }
0x10e: {  	[spmem:s3] =	stream.indirect.scatter.add.f32 [tilespmem:s25], [sflag:$0x4], $0x80, s14, s15, $0xb8;
	[tilespmem:$0x1D040] =	vst v63  }
0x10f: {  	s17 =	sor.u32 $0x800, s10  }
0x110: {  	[spmem:s3] =	stream.indirect.scatter.add.f32 [tilespmem:s26], [sflag:$0x4], $0x80, s17, s15, $0xb8;
	[tilespmem:$0x1D040] =	vst v63  }
0x111: {  	_ =	swait.ge [sflag:s30], $0x1000  }
0x112: {  	[sflag:s30] =	ssyncset.done $0x0  }
0x113: {  	[sflag:s30] =	ssyncadd.s32 $0xFFFFF000  }
0x114: {  	_ =	swait.ge [sflag:s30], $0x1000  }
0x115: {  	[sflag:s30] =	ssyncset.done $0x0  }
0x116: {  	[sflag:s30] =	ssyncadd.s32 $0xFFFFF000  }
0x117: {  	_ =	swait.ge [sflag:s30], $0x1000  }
0x118: {  	[sflag:s30] =	ssyncset.done $0x0  }
0x119: {  	[sflag:s30] =	ssyncadd.s32 $0xFFFFF000  }
0x11a: {  	_ =	swait.ge [sflag:s30], $0x1000  }
0x11b: {  	[sflag:s30] =	ssyncset.done $0x0  }
0x11c: {  	s2 =	simm.s32 @!p0 $0x20;
	s4 =	simm.s32 @!p0 $0x1000;
	[sflag:s30] =	ssyncadd.s32 $0xFFFFF000  }
0x11d: {  	[tilespmem:s4], [sflag:$0x1] =	stream.indirect.gather @!p0 [hbm4b:s1+s2], $0x80, s6, s2, $0xb8;
	[tilespmem:$0x1D040] =	vst v63  }
0x11e: {  	s4 =	ssub.s32 @!p0 $0x480, s5;
	s6 =	simm.s32 @!p0 $0x2000  }
0x11f: {  	[tilespmem:s6], [sflag:$0x1] =	stream.indirect.gather @!p0 [hbm4b:s1+s2], $0x80, s4, s2, $0xb8;
	[tilespmem:$0x1D040] =	vst v63  }
0x120: {  	s4 =	ssub.s32 @!p0 $0x500, s5;
	s6 =	simm.s32 @!p0 $0x3000  }
0x121: {  	[tilespmem:s6], [sflag:$0x1] =	stream.indirect.gather @!p0 [hbm4b:s1+s2], $0x80, s4, s2, $0xb8;
	[tilespmem:$0x1D040] =	vst v63  }
0x122: {  	s4 =	ssub.s32 @!p0 $0x580, s5;
	s5 =	simm.s32 @!p0 $0x4000  }
0x123: {  	[tilespmem:s5], [sflag:$0x1] =	stream.indirect.gather @!p0 [hbm4b:s1+s2], $0x80, s4, s2, $0xb8;
	[tilespmem:$0x1D040] =	vst v63  }
0x124: {  	_ =	swait.ge [sflag:s31], $0x1000  }
0x125: {  	[sflag:s31] =	ssyncset.done $0x0  }
0x126: {  	[sflag:s31] =	ssyncadd.s32 $0xFFFFF000  }
0x127: {  	_ =	swait.ge [sflag:s31], $0x1000  }
0x128: {  	[sflag:s31] =	ssyncset.done $0x0  }
0x129: {  	[sflag:s31] =	ssyncadd.s32 $0xFFFFF000  }
0x12a: {  	_ =	swait.ge [sflag:s31], $0x1000  }
0x12b: {  	[sflag:s31] =	ssyncset.done $0x0  }
0x12c: {  	[sflag:s31] =	ssyncadd.s32 $0xFFFFF000  }
0x12d: {  	_ =	swait.ge [sflag:s31], $0x1000  }
0x12e: {  	[sflag:s31] =	ssyncset.done $0x0  }
0x12f: {  	[sflag:s31] =	ssyncadd.s32 $0xFFFFF000  }
0x130: {  	[bflag:$0x0] =	sbarrier.arrive $0xFFFF  }
0x131: {  	s4 =	rddreg [dreg:$0x7]  }
0x132: {  	s19 =	rddreg [dreg:$0xa]  }
0x133: {  	s5 =	rddreg [dreg:$0xc]  }
0x134: {  	[hbm:s19], [sflag:s4] =	dma.local [spmem:s5], $0x2800  }
0x135: {  	_ =	swait.ge [sflag:s12], $0x2800  }
0x136: {  	s0 =	sadd.s32 $0x1, s0;
	s21 =	rddreg [dreg:$0xb]  }
0x137: {  	p0 =	sne.s32 s0, s21  }
.Ltmp1:
0x138: {  	_ = 	snop;
	(pc) =	sbr.rel @p0 .LBB2_1-.Ltmp1, $3  }
0x139: {  	_ =	sdelay $0x1  }
0x13a: {  	[sflag:s12] =	ssyncset.done $0x0  }
0x13b: {  	[sflag:s12] =	ssyncadd.s32 $0xFFFFD800  }
0x13c: {  	_ =	sfence.sel $0x180000  }
0x13d: {  	[bflag:$0x0] =	sbarrier.arrive $0xFFFF  }
0x13e: {  	_ =	strace $0x9000004A  }
0x13f: {  	s0 =	stileid.u32;
	[bflag:$0x2] =	sbarrier.arrive $0xFFFF  }
0x140: {  	p0 =	sne.s32 s0, $0x0;
	s0 =	rddreg [dreg:$0x3]  }
0x141: {  	s0 =	sadd.s32 @!p0 $0x100000, s0  }
0x142: {  	[sflag:s0] =	ssyncadd.tile.s32 @!p0 $0x1;
	_ =	shalt  }
.Lfunc_end2:
_tile_overlayer_lowered:
.L_overlay_start_2:
0x143: {  	(tag) =	ssettag $0x2  }
0x144: {  	s0 =	rddreg [dreg:$0x0];
	s2 =	stileid.u32  }
0x145: {  	s1 =	rddreg [dreg:$0x1];
	p0 =	sne.s32 s2, $0x0  }
0x146: {  	s3 =	rddreg [dreg:$0x2];
	[bflag:$0x3] =	sbarrier.arrive $0xFFFF;
	s2 =	simm.s32 @!p0 $0x1C06  }
0x147: {  	[timem:s3], [sflag:s2] =	dma.local @!p0 [hbm:s0], s1  }
0x148: {  	s0 =	simm.s32 @!p0 $0x6  }
0x149: {  	_ =	swait.ge @!p0 [sflag:s0], s1  }
0x14a: {  	s1 =	ssub.s32 @!p0 $0x0, s1;
	[sflag:s0] =	ssyncset.done @!p0 $0x0  }
0x14b: {  	[sflag:s0] =	ssyncadd.s32 @!p0 s1  }
0x14c: {  	[bflag:$0x3] =	sbarrier.arrive $0xFFFF  }
0x14d: {  	_ =	shalt  }

// kernel: kernel.14.cloned.1.call-start
scs
__scs_entry_jumppad:
0x0: {  	(pc) =	sbr.rel $0x88, $3  }
0x1: {  	(tag) =	ssettag $0x0;
	lr =	simm.s32 $0x1  }
0x2: {  	[smem:$0x3F9B] =	sst lr;
	_ =	strace $0xD0000000  }
0x3: {  	_ = 	snop  }
0x4: {  	_ = 	snop  }
0x5: {  	_ = 	snop  }
0x6: {  	_ = 	snop  }
0x7: {  	_ = 	snop  }
__scs_overlays_trampoline_lowered:
0x8: {  	[smem:$0x3FAA] =	sst s0  }
0x9: {  	[smem:$0x3FAB] =	sst s1  }
0xa: {  	[smem:$0x3FAC] =	sst s2  }
0xb: {  	[smem:$0x3FAD] =	sst s3  }
0xc: {  	[smem:$0x3FAE] =	sst s4  }
0xd: {  	[smem:$0x3FAF] =	sst s5  }
0xe: {  	[smem:$0x3FB0] =	sst s6  }
0xf: {  	[smem:$0x3FB1] =	sst s7  }
0x10: {  	[smem:$0x3FB2] =	sst s8  }
0x11: {  	[smem:$0x3FB3] =	sst s9;
	s0 =	simm.s32 @!p0 $0x0  }
0x12: {  	s1 =	sld [smem:$0x3F99];
	s0 =	simm.s32 @p0 $0x1  }
0x13: {  	[smem:$0x3FB4] =	sst s0;
	s0 =	simm.s32 @!p1 $0x0  }
0x14: {  	s2 =	sld [smem:$0x3F98];
	s0 =	simm.s32 @p1 $0x1  }
0x15: {  	[smem:$0x3FB5] =	sst s0;
	s0 =	simm.s32 @!p2 $0x0  }
0x16: {  	s3 =	sld [smem:$0x3FDB];
	s0 =	simm.s32 @p2 $0x1  }
0x17: {  	s4 =	simm.s32 $0x1BF5;
	[smem:$0x3FB7] =	sst s0  }
0x18: {  	s0 =	sld [smem:$0x3F9A];
	_ =	swait.ge [sflag:s4], $0x0  }
0x19: {  	s7 =	sld [smem:$0x3F9B]  }
0x1a: {  	s8 =	sadd.s32 $0xFFFFE003, lr  }
0x1b: {  	s9 =	sadd.s32 $0xFFFFFEF7, lr;
	s5 =	simm.s32 $0xFFFFFFFF;
	p2 =	slt.u32 s8, $0xFFFFF086  }
0x1c: {  	p1 =	slt.u32 s9, $0xF7A;
	s5 =	simm.s32 @!p2 $0x0  }
0x1d: {  	s5 =	simm.s32 @p1 $0x1;
	p0 =	seq.s32 s7, s2  }
0x1e: {  	s7 =	smul.u32 @!p0 $0xF7A, s2;
	p2 =	seq.s32 @!p0 s5, $0x0  }
0x1f: {  	s9 =	smul.u32 $0xF7A, s1;
	s8 =	simm.s32 @!p0 $0x1BF5;
	p2 =	por !p2, p0  }
0x20: {  	[sflag:s8] =	ssyncset.s32 @!p0 $0xFFFFF086;
	s6 =	sadd.s32 @!p0 s3, s7;
	s7 =	simm.s32 @!p0 $0x108  }
0x21: {  	s3 =	sadd.s32 s3, s9;
	s6 =	sadd.s32 @!p0 $0x88, s6;
	s7 =	simm.s32 @p2 $0x1082  }
0x22: {  	[simem:s7], [sflag:s8] =	dma.local @!p0 [hbm:s6], $0xF7A  }
0x23: {  	s9 =	sor.u32 $0xD0000000, s2;
	s6 =	simm.s32 $0x108;
	_ =	swait.ge @!p0 [sflag:s8], $0x0  }
0x24: {  	s3 =	sadd.s32 $0x88, s3;
	s6 =	simm.s32 @!p1 $0x1082;
	[sflag:s4] =	ssyncset.s32 $0xFFFFF086  }
0x25: {  	[simem:s6], [sflag:s4] =	dma.local [hbm:s3], $0xF7A  }
0x26: {  	[smem:$0x3F9B] =	sst s1;
	(tag) =	ssettag s2;
	_ =	strace s9  }
0x27: {  	s1 =	sld [smem:$0x3FAB]  }
0x28: {  	s2 =	sld [smem:$0x3FAC]  }
0x29: {  	s4 =	sld [smem:$0x3FAE]  }
0x2a: {  	p0 =	seq.s32 s5, $0x0;
	s5 =	sld [smem:$0x3FAF]  }
0x2b: {  	s6 =	sld [smem:$0x3FB0]  }
0x2c: {  	s7 =	sld [smem:$0x3FB1]  }
0x2d: {  	s3 =	simm.s32 $0x108;
	s8 =	sld [smem:$0x3FB2]  }
0x2e: {  	s3 =	simm.s32 @!p0 $0x1082;
	s9 =	sld [smem:$0x3FB3]  }
0x2f: {  	lr =	sadd.s32 s0, s3;
	s0 =	sld [smem:$0x3FAA]  }
0x30: {  	s3 =	sld [smem:$0x3FAD]  }
0x31: {  	[smem:$0x3FB6] =	sst s10  }
0x32: {  	s10 =	sld [smem:$0x3FB4];
	_ =	sdelay $0x3  }
0x33: {  	p0 =	seq.s32 s10, $0x1;
	s10 =	sld [smem:$0x3FB6];
	_ =	sdelay $0x3  }
0x34: {  	[smem:$0x3FB6] =	sst s10  }
0x35: {  	s10 =	sld [smem:$0x3FB5];
	_ =	sdelay $0x3  }
0x36: {  	p1 =	seq.s32 s10, $0x1;
	s10 =	sld [smem:$0x3FB6];
	_ =	sdelay $0x3  }
0x37: {  	[smem:$0x3FB6] =	sst s10  }
0x38: {  	s10 =	sld [smem:$0x3FB7]  }
0x39: {  	_ = 	snop;
	(pc) =	sbr.ind lr, $3  }
0x3a: {  	_ = 	snop  }
0x3b: {  	_ = 	snop  }
0x3c: {  	p2 =	seq.s32 s10, $0x1;
	s10 =	sld [smem:$0x3FB6]  }
0x3d: {  	_ =	shalt  }
0x3e: {  	_ =	shalt  }
0x3f: {  	_ =	shalt  }
0x40: {  	_ =	shalt  }
0x41: {  	_ =	shalt  }
0x42: {  	_ =	shalt  }
0x43: {  	_ =	shalt  }
0x44: {  	_ =	shalt  }
0x45: {  	_ =	shalt  }
0x46: {  	_ =	shalt  }
0x47: {  	_ =	shalt  }
0x48: {  	_ =	shalt  }
0x49: {  	_ =	shalt  }
0x4a: {  	_ =	shalt  }
0x4b: {  	_ =	shalt  }
0x4c: {  	_ =	shalt  }
0x4d: {  	_ =	shalt  }
0x4e: {  	_ =	shalt  }
0x4f: {  	_ =	shalt  }
0x50: {  	_ =	shalt  }
0x51: {  	_ =	shalt  }
0x52: {  	_ =	shalt  }
0x53: {  	_ =	shalt  }
0x54: {  	_ =	shalt  }
0x55: {  	_ =	shalt  }
0x56: {  	_ =	shalt  }
0x57: {  	_ =	shalt  }
0x58: {  	_ =	shalt  }
0x59: {  	_ =	shalt  }
0x5a: {  	_ =	shalt  }
0x5b: {  	_ =	shalt  }
0x5c: {  	_ =	shalt  }
0x5d: {  	_ =	shalt  }
0x5e: {  	_ =	shalt  }
0x5f: {  	_ =	shalt  }
0x60: {  	_ =	shalt  }
0x61: {  	_ =	shalt  }
0x62: {  	_ =	shalt  }
0x63: {  	_ =	shalt  }
0x64: {  	_ =	shalt  }
0x65: {  	_ =	shalt  }
0x66: {  	_ =	shalt  }
0x67: {  	_ =	shalt  }
0x68: {  	_ =	shalt  }
0x69: {  	_ =	shalt  }
0x6a: {  	_ =	shalt  }
0x6b: {  	_ =	shalt  }
0x6c: {  	_ =	shalt  }
0x6d: {  	_ =	shalt  }
0x6e: {  	_ =	shalt  }
0x6f: {  	_ =	shalt  }
0x70: {  	_ =	shalt  }
0x71: {  	_ =	shalt  }
0x72: {  	_ =	shalt  }
0x73: {  	_ =	shalt  }
0x74: {  	_ =	shalt  }
0x75: {  	_ =	shalt  }
0x76: {  	_ =	shalt  }
0x77: {  	_ =	shalt  }
0x78: {  	_ =	shalt  }
0x79: {  	_ =	shalt  }
0x7a: {  	_ =	shalt  }
0x7b: {  	_ =	shalt  }
0x7c: {  	_ =	shalt  }
0x7d: {  	_ =	shalt  }
0x7e: {  	_ =	shalt  }
0x7f: {  	_ =	shalt  }
0x80: {  	_ =	shalt  }
0x81: {  	_ =	shalt  }
0x82: {  	_ =	shalt  }
0x83: {  	_ =	shalt  }
0x84: {  	_ =	shalt  }
0x85: {  	_ =	shalt  }
0x86: {  	_ =	shalt  }
0x87: {  	_ =	shalt  }
.Lfunc_end0:
.L_simem_size_0:
called_computation.2_lowered:
.L_overlay_start_0:
0x88: {  	s2 =	sld [smem:$0x3FD9]  }
0x89: {  	s3 =	sld [smem:$0x3FFE];
	_ =	sdelay $0x1  }
0x8a: {  	s1 =	srdreg.scid  }
0x8b: {  	s0 =	sand.u32 $0x1, s1  }
0x8c: {  	s17 =	sshll.u32 s0, $0xA;
	s2 =	sadd.s32 s3, s2  }
0x8d: {  	s2 =	sadd.s32 s2, s17  }
0x8e: {  	[smem:$0x3FC2] =	sst s2  }
0x8f: {  	_ = 	snop  }
0x90: {  	s2 =	sld [smem:$0x3FD0];
	(tm) =	ssettm $0x1  }
0x91: {  	s18 =	sld [smem:$0x3FFB];
	_ =	sdelay $0x3  }
0x92: {  	_ =	strace s18  }
0x93: {  	s3 =	sld [smem:$0x3FFC];
	_ =	sdelay $0x3  }
0x94: {  	_ =	strace s3  }
0x95: {  	s3 =	sld [smem:$0x3FFD];
	_ =	sdelay $0x3  }
0x96: {  	_ =	strace s3  }
0x97: {  	_ =	strace $0x8FFFFFFF  }
0x98: {  	s19 =	sld [smem:$0x3FDB];
	_ =	sdelay $0x1  }
0x99: {  	s4 =	simm.s32 $_scs_section_size  }
0x9a: {  	s5 =	simm.s32 $_size__tile_overlayer_lowered;
	s6 =	simm.s32 $_tile_overlayer_lowered  }
0x9b: {  	s22 =	simm.s32 $0x1BFF;
	s21 =	sshll.u32 s6, $0x1;
	s3 =	sadd.s32 s4, s19  }
0x9c: {  	s7 =	simm.s32 $0x0;
	s20 =	sshll.u32 s5, $0x1;
	s5 =	sadd.s32 s21, s3  }
0x9d: {  	[timem:s7], [sflag:s22] =	dma.local [hbm:s5], s20  }
0x9e: {  	_ =	swait.ge [sflag:s22], s20  }
0x9f: {  	s4 =	ssub.s32 $0x0, s20;
	[sflag:s22] =	ssyncset.done $0x0  }
0xa0: {  	[sflag:s22] =	ssyncadd.s32 s4;
	_ =	sdelay $0x1  }
0xa1: {  	s23 =	simm.s32 $0x1B8B  }
0xa2: {  	_ =	swait.ge [sflag:s23], $0x1  }
0xa3: {  	[sflag:s23] =	ssyncset.done $0x0  }
0xa4: {  	s25 =	simm.s32 $0x1B8E;
	s24 =	sld [smem:$0x3FFE];
	[sflag:s23] =	ssyncadd.s32 $0xFFFFFFFF  }
0xa5: {  	s26 =	simm.s32 $execute0_lowered;
	[smem:$0x3FD2] =	sst s25  }
0xa6: {  	s5 =	sshll.u32 s26, $0x1;
	_ =	strace $0x8000004C;
	[dreg:$0x1] =	wrdreg $0xFFFFFFFF  }
0xa7: {  	s28 =	simm.s32 $_size_execute0_lowered;
	s3 =	sadd.s32 s3, s5;
	[dreg:$0x0] =	wrdreg $0x0  }
0xa8: {  	s5 =	sshll.u32 s28, $0x1;
	[dreg:$0x2] =	wrdreg s3  }
0xa9: {  	[dreg:$0x3] =	wrdreg s5  }
0xaa: {  	[dreg:$0x4] =	wrdreg $0xC0  }
0xab: {  	_ =	task [dreg:s7], $0x5FFFF  }
0xac: {  	[dreg:$0x1] =	wrdreg $0xFFFFFFFF  }
0xad: {  	[dreg:$0x0] =	wrdreg $0x60  }
0xae: {  	[dreg:$0x2] =	wrdreg s2  }
0xaf: {  	[dreg:$0x3] =	wrdreg s24  }
0xb0: {  	[dreg:$0x4] =	wrdreg $0x90000  }
0xb1: {  	[dreg:$0x5] =	wrdreg $0x9  }
0xb2: {  	_ =	task.clear_ibuf [dreg:s7], $0x6FFFF;
	_ =	strace $0x9000004C  }
0xb3: {  	s29 =	simm.s32 $0x9;
	_ =	strace $0x8000004E  }
0xb4: {  	_ =	swait.ge [sflag:s29], $0x1  }
0xb5: {  	[sflag:s29] =	ssyncadd.s32 $0xFFFFFFFF  }
0xb6: {  	_ =	strace $0x9000004E  }
0xb7: {  	_ =	sfence  }
0xb8: {  	s30 =	sld [smem:$0x0];
	_ =	sdelay $0x2  }
0xb9: {  	s31 =	sshll.u32 s1, $0xD;
	s1 =	sshrl.u32 s1, $0x2  }
0xba: {  	s3 =	sand.u32 $0x4000, s31;
	s1 =	sadd.s32 s1, s30  }
0xbb: {  	s0 =	sor.u32 s3, s0;
	s1 =	sshll.u32 s1, $0x11  }
0xbc: {  	s0 =	sor.u32 s1, s0  }
0xbd: {  	s0 =	sadd.s32 $0x8F2B, s0  }
0xbe: {  	[sflag:s0] =	ssyncadd.remote.s32 $0x1  }
0xbf: {  	_ =	sfence.sel $0xFFFF  }
0xc0: {  	[dreg:$0x0] =	wrdreg $0xFFFFFFFF;
	(pc) =	sbr.abs _section_cstart, $3  }
0xc1: {  	[dreg:$0x1] =	wrdreg $0xFFFFFFFF  }
0xc2: {  	_ =	task.clear_ibuf [dreg:s7], $0x2FFFF;
	_ =	strace $0x9FFFFFFF  }
0xc3: {  	(tm) =	ssettm $0x7FFFFFFF  }
tec
execute0_lowered:
.L_overlay_start_1:
0x0: {  	(tag) =	ssettag $0x1  }
0x1: {  	s1 =	rddreg [dreg:$0x0]  }
0x2: {  	s0 =	rddreg [dreg:$0x1]  }
0x3: {  	s3 =	rddreg [dreg:$0x2];
	s5 =	simm.s32 $0x0;
	s4 =	stileid.u32  }
0x4: {  	s2 =	srdreg.scid;
	s28 =	simm.s32 $0x1;
	s29 =	simm.s32 $0x2  }
0x5: {  	s30 =	simm.s32 $0x3;
	s31 =	simm.s32 $0x4;
	s15 =	smul.u32 $0x14000, s4  }
0x6: {  	[smem:$0x7FF] =	sst s5;
	s2 =	sand.u32 $0x1, s2;
	s16 =	smul.u32 $0x50000, s4  }
0x7: {  	s7 =	sadd.s32 $0x3000, s0;
	s8 =	sadd.s32 $0x2B000, s0;
	s13 =	smul.u32 $0xA000, s4  }
0x8: {  	s22 =	sshll.u32 s4, $0x6;
	_ =	strace $0x8000004D;
	s6 =	smul.u32 $0x140000, s2  }
0x9: {  	s10 =	ssub.s32 $0x2, s2;
	s11 =	smul.u32 $0xA0000, s2;
	s2 =	sshll.u32 s2, $0x4  }
0xa: {  	s9 =	sshrl.u32 s15, $0x3;
	s12 =	sshrl.u32 s10, $0x1;
	s2 =	sor.u32 s4, s2  }
0xb: {  	s4 =	sor.u32 $0x1C06, s22;
	s22 =	simm.s32 $0x4000;
	s9 =	sadd.s32 s9, s0  }
0xc: {  	s5 =	sadd.s32 s15, s6;
	s17 =	ssub.s32 s10, s12;
	s6 =	sshrl.u32 s16, $0x2  }
0xd: {  	s2 =	smul.u32 $0xA000, s2;
	s18 =	sadd.s32 s13, s11;
	s12 =	simm.s32 $0x6  }
0xe: {  	s13 =	simm.s32 $0x5;
	s15 =	simm.s32 $0x20;
	[dreg:$0x7] =	wrdreg s4  }
0xf: {  	s5 =	sshrl.u32 s5, $0x3;
	s19 =	sadd.s32 s6, s3;
	s20 =	sadd.s32 $0x53000, s9  }
0x10: {  	s26 =	smax.u32 s17, $0x1;
	s0 =	sadd.s32 s5, s0;
	[dreg:$0x6] =	wrdreg s20  }
0x11: {  	s2 =	sshrl.u32 s2, $0x3;
	[dreg:$0xb] =	wrdreg s26;
	s5 =	sshrl.u32 s19, $0x3  }
0x12: {  	s21 =	sor.u32 $0x400, s18;
	s23 =	sadd.s32 s7, s2;
	[dreg:$0xc] =	wrdreg s5  }
0x13: {  	s10 =	sshrl.u32 s21, $0x3;
	s2 =	sadd.s32 s8, s2;
	[dreg:$0x8] =	wrdreg s23  }
0x14: {  	s16 =	simm.s32 $0x1000;
	s24 =	sadd.s32 s10, s8;
	[dreg:$0x9] =	wrdreg s2  }
0x15: {  	s18 =	simm.s32 $0x2000;
	s0 =	sadd.s32 $0x7B000, s0;
	[dreg:$0x4] =	wrdreg s24  }
0x16: {  	s20 =	simm.s32 $0x3000;
	s25 =	sadd.s32 s10, s7;
	[dreg:$0xa] =	wrdreg s0  }
0x17: {  	s26 =	simm.s32 $0x8000;
	[dreg:$0x5] =	wrdreg s25;
	s23 =	simm.s32 $0x5000  }
0x18: {  	s24 =	simm.s32 $0x6000;
	s25 =	simm.s32 $0x7000;
	s0 =	simm.s32 $0x0  }
.LBB2_1:
0x19: {  	s2 =	rddreg [dreg:$0x6]  }
0x1a: {  	[spmem:s5], [sflag:s4] =	dma.local [hbm:s2], $0x2800  }
0x1b: {  	_ =	swait.ge [sflag:s12], $0x2800  }
0x1c: {  	[sflag:s12] =	ssyncset.done $0x0  }
0x1d: {  	s9 =	simm.s32 $0x0;
	s10 =	rddreg [dreg:$0x8];
	[sflag:s12] =	ssyncadd.s32 $0xFFFFD800  }
0x1e: {  	[tilespmem:s9], [sflag:$0x5] =	stream.linear.gather [hbm4b:s10+s9], $0x400, $0x38;
	[tilespmem:$0x1D040] =	vst v63  }
0x1f: {  	_ =	swait.ge [sflag:s13], $0x400  }
0x20: {  	[sflag:s13] =	ssyncset.done $0x0  }
0x21: {  	s14 =	simm.s32 $0x800;
	s11 =	rddreg [dreg:$0x9];
	[sflag:s13] =	ssyncadd.s32 $0xFFFFFC00  }
0x22: {  	[tilespmem:s14], [sflag:$0x5] =	stream.linear.gather [hbm4b:s11+s9], $0x400, $0x38;
	[tilespmem:$0x1D040] =	vst v63  }
0x23: {  	_ =	swait.ge [sflag:s13], $0x400  }
0x24: {  	[sflag:s13] =	ssyncset.done $0x0  }
0x25: {  	[sflag:s13] =	ssyncadd.s32 $0xFFFFFC00  }
0x26: {  	[bflag:$0x0] =	sbarrier.arrive $0xFFFF  }
0x27: {  	[tilespmem:s16], [sflag:$0x1] =	stream.indirect.gather [hbm4b:s1+s15], $0x80, s9, s15, $0xb8;
	[tilespmem:$0x1D040] =	vst v63  }
0x28: {  	s17 =	simm.s32 $0x80  }
0x29: {  	[tilespmem:s18], [sflag:$0x1] =	stream.indirect.gather [hbm4b:s1+s15], $0x80, s17, s15, $0xb8;
	[tilespmem:$0x1D040] =	vst v63  }
0x2a: {  	s19 =	simm.s32 $0x100;
	p0 =	por $0x1, $0x1  }
0x2b: {  	[tilespmem:s20], [sflag:$0x1] =	stream.indirect.gather [hbm4b:s1+s15], $0x80, s19, s15, $0xb8;
	[tilespmem:$0x1D040] =	vst v63  }
0x2c: {  	s21 =	simm.s32 $0x180;
	s5 =	simm.s32 @!p0 $0x5  }
0x2d: {  	[tilespmem:s22], [sflag:$0x1] =	stream.indirect.gather [hbm4b:s1+s15], $0x80, s21, s15, $0xb8;
	[tilespmem:$0x1D040] =	vst v63  }
0x2e: {  	_ =	swait.ge @!p0 [sflag:s5], $0x400  }
0x2f: {  	[sflag:s5] =	ssyncset.done @!p0 $0x0  }
0x30: {  	[sflag:s5] =	ssyncadd.s32 @!p0 $0xFFFFFC00  }
0x31: {  	s7 =	sand.u32 $0x8, s9;
	_ =	swait.ge @!p0 [sflag:s5], $0x400  }
0x32: {  	s2 =	sshll.u32 s7, $0x7;
	[sflag:s5] =	ssyncset.done @!p0 $0x0  }
0x33: {  	[sflag:s5] =	ssyncadd.s32 @!p0 $0xFFFFFC00;
	s5 =	sor.u32 $0x200, s2  }
0x34: {  	[tilespmem:s23], [sflag:$0x2] =	stream.indirect.gather [hbm4b:s1+s15], $0x80, s5, s15, $0xb8;
	[tilespmem:$0x1D040] =	vst v63  }
0x35: {  	s8 =	sor.u32 $0x280, s2  }
0x36: {  	[tilespmem:s24], [sflag:$0x2] =	stream.indirect.gather [hbm4b:s1+s15], $0x80, s8, s15, $0xb8;
	[tilespmem:$0x1D040] =	vst v63  }
0x37: {  	s7 =	sxor.u32 $0x8, s7;
	s9 =	sor.u32 $0x300, s2;
	s14 =	rddreg [dreg:$0x5]  }
0x38: {  	[tilespmem:s25], [sflag:$0x2] =	stream.indirect.gather [hbm4b:s1+s15], $0x80, s9, s15, $0xb8;
	[tilespmem:$0x1D040] =	vst v63  }
0x39: {  	s17 =	sor.u32 $0x380, s2;
	s19 =	rddreg [dreg:$0x4];
	p0 =	por $0x0, $0x0  }
0x3a: {  	[tilespmem:s26], [sflag:$0x2] =	stream.indirect.gather [hbm4b:s1+s15], $0x80, s17, s15, $0xb8;
	[tilespmem:$0x1D040] =	vst v63  }
0x3b: {  	s7 =	sshll.u32 @!p0 s7, $0x7;
	s14 =	sadd.s32 @!p0 $0x0, s14;
	s21 =	simm.s32 @!p0 $0x0  }
0x3c: {  	[tilespmem:s7], [sflag:$0x5] =	stream.linear.gather @!p0 [hbm4b:s14+s21], $0x400, $0x38;
	[tilespmem:$0x1D040] =	vst v63  }
0x3d: {  	s19 =	sadd.s32 @!p0 $0x0, s19;
	s14 =	sor.u32 @!p0 $0x800, s7  }
0x3e: {  	[tilespmem:s14], [sflag:$0x5] =	stream.linear.gather @!p0 [hbm4b:s19+s21], $0x400, $0x38;
	[tilespmem:$0x1D040] =	vst v63  }
0x3f: {  	_ =	swait.ge [sflag:s28], $0x1000  }
0x40: {  	[sflag:s28] =	ssyncset.done $0x0  }
0x41: {  	[sflag:s28] =	ssyncadd.s32 $0xFFFFF000  }
0x42: {  	_ =	swait.ge [sflag:s28], $0x1000  }
0x43: {  	[sflag:s28] =	ssyncset.done $0x0  }
0x44: {  	[sflag:s28] =	ssyncadd.s32 $0xFFFFF000  }
0x45: {  	_ =	swait.ge [sflag:s28], $0x1000  }
0x46: {  	[sflag:s28] =	ssyncset.done $0x0  }
0x47: {  	[sflag:s28] =	ssyncadd.s32 $0xFFFFF000  }
0x48: {  	_ =	swait.ge [sflag:s28], $0x1000  }
0x49: {  	[sflag:s28] =	ssyncset.done $0x0  }
0x4a: {  	s4 =	sor.u32 $0x800, s2;
	[sflag:s28] =	ssyncadd.s32 $0xFFFFF000  }
0x4b: {  	[spmem:s3] =	stream.indirect.scatter.add.f32 [tilespmem:s16], [sflag:$0x3], $0x80, s4, s15, $0xb8;
	[tilespmem:$0x1D040] =	vst v63  }
0x4c: {  	s6 =	sadd.s32 $0x880, s2  }
0x4d: {  	[spmem:s3] =	stream.indirect.scatter.add.f32 [tilespmem:s18], [sflag:$0x3], $0x80, s6, s15, $0xb8;
	[tilespmem:$0x1D040] =	vst v63  }
0x4e: {  	s10 =	sadd.s32 $0x900, s2  }
0x4f: {  	[spmem:s3] =	stream.indirect.scatter.add.f32 [tilespmem:s20], [sflag:$0x3], $0x80, s10, s15, $0xb8;
	[tilespmem:$0x1D040] =	vst v63  }
0x50: {  	s11 =	sadd.s32 $0x980, s2  }
0x51: {  	[spmem:s3] =	stream.indirect.scatter.add.f32 [tilespmem:s22], [sflag:$0x3], $0x80, s11, s15, $0xb8;
	[tilespmem:$0x1D040] =	vst v63  }
0x52: {  	_ =	swait.ge [sflag:s29], $0x1000  }
0x53: {  	[sflag:s29] =	ssyncset.done $0x0  }
0x54: {  	[sflag:s29] =	ssyncadd.s32 $0xFFFFF000  }
0x55: {  	_ =	swait.ge [sflag:s29], $0x1000  }
0x56: {  	[sflag:s29] =	ssyncset.done $0x0  }
0x57: {  	[sflag:s29] =	ssyncadd.s32 $0xFFFFF000  }
0x58: {  	_ =	swait.ge [sflag:s29], $0x1000  }
0x59: {  	[sflag:s29] =	ssyncset.done $0x0  }
0x5a: {  	[sflag:s29] =	ssyncadd.s32 $0xFFFFF000  }
0x5b: {  	_ =	swait.ge [sflag:s29], $0x1000  }
0x5c: {  	[sflag:s29] =	ssyncset.done $0x0  }
0x5d: {  	s5 =	sor.u32 $0x800, s5;
	[sflag:s29] =	ssyncadd.s32 $0xFFFFF000  }
0x5e: {  	[spmem:s3] =	stream.indirect.scatter.add.f32 [tilespmem:s23], [sflag:$0x4], $0x80, s5, s15, $0xb8;
	[tilespmem:$0x1D040] =	vst v63  }
0x5f: {  	s14 =	sor.u32 $0x800, s8  }
0x60: {  	[spmem:s3] =	stream.indirect.scatter.add.f32 [tilespmem:s24], [sflag:$0x4], $0x80, s14, s15, $0xb8;
	[tilespmem:$0x1D040] =	vst v63  }
0x61: {  	s19 =	sor.u32 $0x800, s9  }
0x62: {  	[spmem:s3] =	stream.indirect.scatter.add.f32 [tilespmem:s25], [sflag:$0x4], $0x80, s19, s15, $0xb8;
	[tilespmem:$0x1D040] =	vst v63  }
0x63: {  	s21 =	sor.u32 $0x800, s17  }
0x64: {  	[spmem:s3] =	stream.indirect.scatter.add.f32 [tilespmem:s26], [sflag:$0x4], $0x80, s21, s15, $0xb8;
	[tilespmem:$0x1D040] =	vst v63  }
0x65: {  	_ =	swait.ge [sflag:s30], $0x1000  }
0x66: {  	[sflag:s30] =	ssyncset.done $0x0  }
0x67: {  	[sflag:s30] =	ssyncadd.s32 $0xFFFFF000  }
0x68: {  	_ =	swait.ge [sflag:s30], $0x1000  }
0x69: {  	[sflag:s30] =	ssyncset.done $0x0  }
0x6a: {  	[sflag:s30] =	ssyncadd.s32 $0xFFFFF000  }
0x6b: {  	_ =	swait.ge [sflag:s30], $0x1000  }
0x6c: {  	[sflag:s30] =	ssyncset.done $0x0  }
0x6d: {  	[sflag:s30] =	ssyncadd.s32 $0xFFFFF000  }
0x6e: {  	_ =	swait.ge [sflag:s30], $0x1000  }
0x6f: {  	[sflag:s30] =	ssyncset.done $0x0  }
0x70: {  	s8 =	simm.s32 @!p0 $0x1000;
	s5 =	simm.s32 @!p0 $0x20;
	[sflag:s30] =	ssyncadd.s32 $0xFFFFF000  }
0x71: {  	[tilespmem:s8], [sflag:$0x1] =	stream.indirect.gather @!p0 [hbm4b:s1+s5], $0x80, s7, s5, $0xb8;
	[tilespmem:$0x1D040] =	vst v63  }
0x72: {  	s7 =	ssub.s32 @!p0 $0x480, s2;
	s8 =	simm.s32 @!p0 $0x2000  }
0x73: {  	[tilespmem:s8], [sflag:$0x1] =	stream.indirect.gather @!p0 [hbm4b:s1+s5], $0x80, s7, s5, $0xb8;
	[tilespmem:$0x1D040] =	vst v63  }
0x74: {  	s7 =	ssub.s32 @!p0 $0x500, s2;
	s8 =	simm.s32 @!p0 $0x3000  }
0x75: {  	[tilespmem:s8], [sflag:$0x1] =	stream.indirect.gather @!p0 [hbm4b:s1+s5], $0x80, s7, s5, $0xb8;
	[tilespmem:$0x1D040] =	vst v63  }
0x76: {  	s2 =	ssub.s32 @!p0 $0x580, s2;
	s7 =	simm.s32 @!p0 $0x4000  }
0x77: {  	[tilespmem:s7], [sflag:$0x1] =	stream.indirect.gather @!p0 [hbm4b:s1+s5], $0x80, s2, s5, $0xb8;
	[tilespmem:$0x1D040] =	vst v63  }
0x78: {  	_ =	swait.ge [sflag:s31], $0x1000  }
0x79: {  	[sflag:s31] =	ssyncset.done $0x0  }
0x7a: {  	[sflag:s31] =	ssyncadd.s32 $0xFFFFF000  }
0x7b: {  	_ =	swait.ge [sflag:s31], $0x1000  }
0x7c: {  	[sflag:s31] =	ssyncset.done $0x0  }
0x7d: {  	[sflag:s31] =	ssyncadd.s32 $0xFFFFF000  }
0x7e: {  	_ =	swait.ge [sflag:s31], $0x1000  }
0x7f: {  	[sflag:s31] =	ssyncset.done $0x0  }
0x80: {  	[sflag:s31] =	ssyncadd.s32 $0xFFFFF000  }
0x81: {  	p1 =	por $0x0, $0x0;
	s17 =	simm.s32 $0x100;
	_ =	swait.ge [sflag:s31], $0x1000  }
0x82: {  	s14 =	simm.s32 $0x8;
	s2 =	simm.s32 $0x80;
	[sflag:s31] =	ssyncset.done $0x0  }
.LBB2_2:
0x83: {  	s5 =	simm.s32 @!p1 $0x5;
	[sflag:s31] =	ssyncadd.s32 $0xFFFFF000  }
0x84: {  	_ =	swait.ge @!p1 [sflag:s5], $0x400  }
0x85: {  	[sflag:s5] =	ssyncset.done @!p1 $0x0  }
0x86: {  	[sflag:s5] =	ssyncadd.s32 @!p1 $0xFFFFFC00  }
0x87: {  	s7 =	sand.u32 $0x8, s14;
	_ =	swait.ge @!p1 [sflag:s5], $0x400  }
0x88: {  	s19 =	sshll.u32 s7, $0x7;
	[sflag:s5] =	ssyncset.done @!p1 $0x0  }
0x89: {  	[sflag:s5] =	ssyncadd.s32 @!p1 $0xFFFFFC00;
	s5 =	sor.u32 $0x200, s19  }
0x8a: {  	[tilespmem:s23], [sflag:$0x2] =	stream.indirect.gather [hbm4b:s1+s15], $0x80, s5, s15, $0xb8;
	[tilespmem:$0x1D040] =	vst v63  }
0x8b: {  	s21 =	sxor.u32 $0x8, s7;
	s7 =	sor.u32 $0x280, s19  }
0x8c: {  	[tilespmem:s24], [sflag:$0x2] =	stream.indirect.gather [hbm4b:s1+s15], $0x80, s7, s15, $0xb8;
	[tilespmem:$0x1D040] =	vst v63  }
0x8d: {  	s8 =	sor.u32 $0x300, s19;
	s4 =	rddreg [dreg:$0x5]  }
0x8e: {  	[tilespmem:s25], [sflag:$0x2] =	stream.indirect.gather [hbm4b:s1+s15], $0x80, s8, s15, $0xb8;
	[tilespmem:$0x1D040] =	vst v63  }
0x8f: {  	s9 =	sor.u32 $0x380, s19;
	s6 =	rddreg [dreg:$0x4];
	p1 =	seq.s32 s2, $0x1380  }
0x90: {  	[tilespmem:s26], [sflag:$0x2] =	stream.indirect.gather [hbm4b:s1+s15], $0x80, s9, s15, $0xb8;
	[tilespmem:$0x1D040] =	vst v63  }
0x91: {  	s21 =	sshll.u32 @!p1 s21, $0x7;
	s4 =	sadd.s32 @!p1 s2, s4;
	s11 =	simm.s32 @!p1 $0x0  }
0x92: {  	[tilespmem:s21], [sflag:$0x5] =	stream.linear.gather @!p1 [hbm4b:s4+s11], $0x400, $0x38;
	[tilespmem:$0x1D040] =	vst v63  }
0x93: {  	s6 =	sadd.s32 @!p1 s2, s6;
	s4 =	sor.u32 @!p1 $0x800, s21  }
0x94: {  	[tilespmem:s4], [sflag:$0x5] =	stream.linear.gather @!p1 [hbm4b:s6+s11], $0x400, $0x38;
	[tilespmem:$0x1D040] =	vst v63  }
0x95: {  	_ =	swait.ge [sflag:s28], $0x1000  }
0x96: {  	[sflag:s28] =	ssyncset.done $0x0  }
0x97: {  	[sflag:s28] =	ssyncadd.s32 $0xFFFFF000  }
0x98: {  	_ =	swait.ge [sflag:s28], $0x1000  }
0x99: {  	[sflag:s28] =	ssyncset.done $0x0  }
0x9a: {  	[sflag:s28] =	ssyncadd.s32 $0xFFFFF000  }
0x9b: {  	_ =	swait.ge [sflag:s28], $0x1000  }
0x9c: {  	[sflag:s28] =	ssyncset.done $0x0  }
0x9d: {  	[sflag:s28] =	ssyncadd.s32 $0xFFFFF000  }
0x9e: {  	_ =	swait.ge [sflag:s28], $0x1000  }
0x9f: {  	[sflag:s28] =	ssyncset.done $0x0  }
0xa0: {  	s11 =	sor.u32 $0x800, s19;
	[sflag:s28] =	ssyncadd.s32 $0xFFFFF000  }
0xa1: {  	[spmem:s3] =	stream.indirect.scatter.add.f32 [tilespmem:s16], [sflag:$0x3], $0x80, s11, s15, $0xb8;
	[tilespmem:$0x1D040] =	vst v63  }
0xa2: {  	s10 =	smov.u32 s17;
	s6 =	sadd.s32 $0x880, s19  }
0xa3: {  	[spmem:s3] =	stream.indirect.scatter.add.f32 [tilespmem:s18], [sflag:$0x3], $0x80, s6, s15, $0xb8;
	[tilespmem:$0x1D040] =	vst v63  }
0xa4: {  	s2 =	smov.u32 s10;
	s10 =	sadd.s32 $0x900, s19  }
0xa5: {  	[spmem:s3] =	stream.indirect.scatter.add.f32 [tilespmem:s20], [sflag:$0x3], $0x80, s10, s15, $0xb8;
	[tilespmem:$0x1D040] =	vst v63  }
0xa6: {  	s11 =	sadd.s32 $0x980, s19  }
0xa7: {  	[spmem:s3] =	stream.indirect.scatter.add.f32 [tilespmem:s22], [sflag:$0x3], $0x80, s11, s15, $0xb8;
	[tilespmem:$0x1D040] =	vst v63  }
0xa8: {  	_ =	swait.ge [sflag:s29], $0x1000  }
0xa9: {  	[sflag:s29] =	ssyncset.done $0x0  }
0xaa: {  	[sflag:s29] =	ssyncadd.s32 $0xFFFFF000  }
0xab: {  	_ =	swait.ge [sflag:s29], $0x1000  }
0xac: {  	[sflag:s29] =	ssyncset.done $0x0  }
0xad: {  	[sflag:s29] =	ssyncadd.s32 $0xFFFFF000  }
0xae: {  	_ =	swait.ge [sflag:s29], $0x1000  }
0xaf: {  	[sflag:s29] =	ssyncset.done $0x0  }
0xb0: {  	[sflag:s29] =	ssyncadd.s32 $0xFFFFF000  }
0xb1: {  	_ =	swait.ge [sflag:s29], $0x1000  }
0xb2: {  	[sflag:s29] =	ssyncset.done $0x0  }
0xb3: {  	s6 =	sor.u32 $0x800, s5;
	[sflag:s29] =	ssyncadd.s32 $0xFFFFF000  }
0xb4: {  	[spmem:s3] =	stream.indirect.scatter.add.f32 [tilespmem:s23], [sflag:$0x4], $0x80, s6, s15, $0xb8;
	[tilespmem:$0x1D040] =	vst v63  }
0xb5: {  	s7 =	sor.u32 $0x800, s7  }
0xb6: {  	[spmem:s3] =	stream.indirect.scatter.add.f32 [tilespmem:s24], [sflag:$0x4], $0x80, s7, s15, $0xb8;
	[tilespmem:$0x1D040] =	vst v63  }
0xb7: {  	s10 =	sor.u32 $0x800, s8  }
0xb8: {  	[spmem:s3] =	stream.indirect.scatter.add.f32 [tilespmem:s25], [sflag:$0x4], $0x80, s10, s15, $0xb8;
	[tilespmem:$0x1D040] =	vst v63  }
0xb9: {  	s11 =	sor.u32 $0x800, s9  }
0xba: {  	[spmem:s3] =	stream.indirect.scatter.add.f32 [tilespmem:s26], [sflag:$0x4], $0x80, s11, s15, $0xb8;
	[tilespmem:$0x1D040] =	vst v63  }
0xbb: {  	_ =	swait.ge [sflag:s30], $0x1000  }
0xbc: {  	[sflag:s30] =	ssyncset.done $0x0  }
0xbd: {  	[sflag:s30] =	ssyncadd.s32 $0xFFFFF000  }
0xbe: {  	_ =	swait.ge [sflag:s30], $0x1000  }
0xbf: {  	[sflag:s30] =	ssyncset.done $0x0  }
0xc0: {  	[sflag:s30] =	ssyncadd.s32 $0xFFFFF000  }
0xc1: {  	_ =	swait.ge [sflag:s30], $0x1000  }
0xc2: {  	[sflag:s30] =	ssyncset.done $0x0  }
0xc3: {  	[sflag:s30] =	ssyncadd.s32 $0xFFFFF000  }
0xc4: {  	_ =	swait.ge [sflag:s30], $0x1000  }
0xc5: {  	[sflag:s30] =	ssyncset.done $0x0  }
0xc6: {  	s4 =	simm.s32 @!p1 $0x20;
	s5 =	simm.s32 @!p1 $0x1000;
	[sflag:s30] =	ssyncadd.s32 $0xFFFFF000  }
0xc7: {  	[tilespmem:s5], [sflag:$0x1] =	stream.indirect.gather @!p1 [hbm4b:s1+s4], $0x80, s21, s4, $0xb8;
	[tilespmem:$0x1D040] =	vst v63  }
0xc8: {  	s6 =	simm.s32 @!p1 $0x2000;
	s5 =	ssub.s32 @!p1 $0x480, s19  }
0xc9: {  	[tilespmem:s6], [sflag:$0x1] =	stream.indirect.gather @!p1 [hbm4b:s1+s4], $0x80, s5, s4, $0xb8;
	[tilespmem:$0x1D040] =	vst v63  }
0xca: {  	s5 =	ssub.s32 @!p1 $0x500, s19;
	s6 =	simm.s32 @!p1 $0x3000  }
0xcb: {  	[tilespmem:s6], [sflag:$0x1] =	stream.indirect.gather @!p1 [hbm4b:s1+s4], $0x80, s5, s4, $0xb8;
	[tilespmem:$0x1D040] =	vst v63  }
0xcc: {  	s5 =	ssub.s32 @!p1 $0x580, s19;
	s6 =	simm.s32 @!p1 $0x4000  }
0xcd: {  	[tilespmem:s6], [sflag:$0x1] =	stream.indirect.gather @!p1 [hbm4b:s1+s4], $0x80, s5, s4, $0xb8;
	[tilespmem:$0x1D040] =	vst v63  }
0xce: {  	_ =	swait.ge [sflag:s31], $0x1000  }
0xcf: {  	[sflag:s31] =	ssyncset.done $0x0  }
0xd0: {  	[sflag:s31] =	ssyncadd.s32 $0xFFFFF000  }
0xd1: {  	_ =	swait.ge [sflag:s31], $0x1000  }
0xd2: {  	s17 =	sadd.s32 $0x80, s17;
	[sflag:s31] =	ssyncset.done $0x0  }
0xd3: {  	p0 =	sne.s32 s17, $0x1400;
	[sflag:s31] =	ssyncadd.s32 $0xFFFFF000  }
.Ltmp0:
0xd4: {  	_ =	swait.ge [sflag:s31], $0x1000;
	(pc) =	sbr.rel @p0 .LBB2_2-.Ltmp0, $4  }
0xd5: {  	[sflag:s31] =	ssyncset.done $0x0  }
0xd6: {  	[sflag:s31] =	ssyncadd.s32 $0xFFFFF000  }
0xd7: {  	_ =	swait.ge [sflag:s31], $0x1000  }
0xd8: {  	s14 =	sadd.s32 $0x8, s14;
	p1 =	seq.s32 s2, $0x0;
	[sflag:s31] =	ssyncset.done $0x0  }
0xd9: {  	s4 =	simm.s32 @!p1 $0x5;
	[sflag:s31] =	ssyncadd.s32 $0xFFFFF000  }
0xda: {  	_ =	swait.ge @!p1 [sflag:s4], $0x400  }
0xdb: {  	[sflag:s4] =	ssyncset.done @!p1 $0x0  }
0xdc: {  	[sflag:s4] =	ssyncadd.s32 @!p1 $0xFFFFFC00  }
0xdd: {  	s6 =	sand.u32 $0x8, s14;
	_ =	swait.ge @!p1 [sflag:s4], $0x400  }
0xde: {  	s5 =	sshll.u32 s6, $0x7;
	[sflag:s4] =	ssyncset.done @!p1 $0x0  }
0xdf: {  	[sflag:s4] =	ssyncadd.s32 @!p1 $0xFFFFFC00;
	s4 =	sor.u32 $0x200, s5  }
0xe0: {  	[tilespmem:s23], [sflag:$0x2] =	stream.indirect.gather [hbm4b:s1+s15], $0x80, s4, s15, $0xb8;
	[tilespmem:$0x1D040] =	vst v63  }
0xe1: {  	s7 =	sor.u32 $0x280, s5  }
0xe2: {  	[tilespmem:s24], [sflag:$0x2] =	stream.indirect.gather [hbm4b:s1+s15], $0x80, s7, s15, $0xb8;
	[tilespmem:$0x1D040] =	vst v63  }
0xe3: {  	p0 =	seq.s32 s2, $0x1380;
	s6 =	sxor.u32 $0x8, s6;
	s8 =	sor.u32 $0x300, s5  }
0xe4: {  	[tilespmem:s25], [sflag:$0x2] =	stream.indirect.gather [hbm4b:s1+s15], $0x80, s8, s15, $0xb8;
	[tilespmem:$0x1D040] =	vst v63  }
0xe5: {  	s14 =	simm.s32 @!p0 $0x0;
	s10 =	sor.u32 $0x380, s5;
	s9 =	rddreg [dreg:$0x5]  }
0xe6: {  	[tilespmem:s26], [sflag:$0x2] =	stream.indirect.gather [hbm4b:s1+s15], $0x80, s10, s15, $0xb8;
	[tilespmem:$0x1D040] =	vst v63  }
0xe7: {  	s6 =	sshll.u32 @!p0 s6, $0x7;
	s11 =	rddreg [dreg:$0x4];
	s9 =	sadd.s32 @!p0 s2, s9  }
0xe8: {  	[tilespmem:s6], [sflag:$0x5] =	stream.linear.gather @!p0 [hbm4b:s9+s14], $0x400, $0x38;
	[tilespmem:$0x1D040] =	vst v63  }
0xe9: {  	s2 =	sadd.s32 @!p0 s2, s11;
	s9 =	sor.u32 @!p0 $0x800, s6  }
0xea: {  	[tilespmem:s9], [sflag:$0x5] =	stream.linear.gather @!p0 [hbm4b:s2+s14], $0x400, $0x38;
	[tilespmem:$0x1D040] =	vst v63  }
0xeb: {  	_ =	swait.ge [sflag:s28], $0x1000  }
0xec: {  	[sflag:s28] =	ssyncset.done $0x0  }
0xed: {  	[sflag:s28] =	ssyncadd.s32 $0xFFFFF000  }
0xee: {  	_ =	swait.ge [sflag:s28], $0x1000  }
0xef: {  	[sflag:s28] =	ssyncset.done $0x0  }
0xf0: {  	[sflag:s28] =	ssyncadd.s32 $0xFFFFF000  }
0xf1: {  	_ =	swait.ge [sflag:s28], $0x1000  }
0xf2: {  	[sflag:s28] =	ssyncset.done $0x0  }
0xf3: {  	[sflag:s28] =	ssyncadd.s32 $0xFFFFF000  }
0xf4: {  	_ =	swait.ge [sflag:s28], $0x1000  }
0xf5: {  	[sflag:s28] =	ssyncset.done $0x0  }
0xf6: {  	s14 =	sor.u32 $0x800, s5;
	[sflag:s28] =	ssyncadd.s32 $0xFFFFF000  }
0xf7: {  	[spmem:s3] =	stream.indirect.scatter.add.f32 [tilespmem:s16], [sflag:$0x3], $0x80, s14, s15, $0xb8;
	[tilespmem:$0x1D040] =	vst v63  }
0xf8: {  	s17 =	sadd.s32 $0x880, s5  }
0xf9: {  	[spmem:s3] =	stream.indirect.scatter.add.f32 [tilespmem:s18], [sflag:$0x3], $0x80, s17, s15, $0xb8;
	[tilespmem:$0x1D040] =	vst v63  }
0xfa: {  	s19 =	sadd.s32 $0x900, s5  }
0xfb: {  	[spmem:s3] =	stream.indirect.scatter.add.f32 [tilespmem:s20], [sflag:$0x3], $0x80, s19, s15, $0xb8;
	[tilespmem:$0x1D040] =	vst v63  }
0xfc: {  	s21 =	sadd.s32 $0x980, s5  }
0xfd: {  	[spmem:s3] =	stream.indirect.scatter.add.f32 [tilespmem:s22], [sflag:$0x3], $0x80, s21, s15, $0xb8;
	[tilespmem:$0x1D040] =	vst v63  }
0xfe: {  	_ =	swait.ge [sflag:s29], $0x1000  }
0xff: {  	[sflag:s29] =	ssyncset.done $0x0  }
0x100: {  	[sflag:s29] =	ssyncadd.s32 $0xFFFFF000  }
0x101: {  	_ =	swait.ge [sflag:s29], $0x1000  }
0x102: {  	[sflag:s29] =	ssyncset.done $0x0  }
0x103: {  	[sflag:s29] =	ssyncadd.s32 $0xFFFFF000  }
0x104: {  	_ =	swait.ge [sflag:s29], $0x1000  }
0x105: {  	[sflag:s29] =	ssyncset.done $0x0  }
0x106: {  	[sflag:s29] =	ssyncadd.s32 $0xFFFFF000  }
0x107: {  	_ =	swait.ge [sflag:s29], $0x1000  }
0x108: {  	[sflag:s29] =	ssyncset.done $0x0  }
0x109: {  	s9 =	sor.u32 $0x800, s4;
	[sflag:s29] =	ssyncadd.s32 $0xFFFFF000  }
0x10a: {  	[spmem:s3] =	stream.indirect.scatter.add.f32 [tilespmem:s23], [sflag:$0x4], $0x80, s9, s15, $0xb8;
	[tilespmem:$0x1D040] =	vst v63  }
0x10b: {  	s11 =	sor.u32 $0x800, s7  }
0x10c: {  	[spmem:s3] =	stream.indirect.scatter.add.f32 [tilespmem:s24], [sflag:$0x4], $0x80, s11, s15, $0xb8;
	[tilespmem:$0x1D040] =	vst v63  }
0x10d: {  	s14 =	sor.u32 $0x800, s8  }
0x10e: {  	[spmem:s3] =	stream.indirect.scatter.add.f32 [tilespmem:s25], [sflag:$0x4], $0x80, s14, s15, $0xb8;
	[tilespmem:$0x1D040] =	vst v63  }
0x10f: {  	s17 =	sor.u32 $0x800, s10  }
0x110: {  	[spmem:s3] =	stream.indirect.scatter.add.f32 [tilespmem:s26], [sflag:$0x4], $0x80, s17, s15, $0xb8;
	[tilespmem:$0x1D040] =	vst v63  }
0x111: {  	_ =	swait.ge [sflag:s30], $0x1000  }
0x112: {  	[sflag:s30] =	ssyncset.done $0x0  }
0x113: {  	[sflag:s30] =	ssyncadd.s32 $0xFFFFF000  }
0x114: {  	_ =	swait.ge [sflag:s30], $0x1000  }
0x115: {  	[sflag:s30] =	ssyncset.done $0x0  }
0x116: {  	[sflag:s30] =	ssyncadd.s32 $0xFFFFF000  }
0x117: {  	_ =	swait.ge [sflag:s30], $0x1000  }
0x118: {  	[sflag:s30] =	ssyncset.done $0x0  }
0x119: {  	[sflag:s30] =	ssyncadd.s32 $0xFFFFF000  }
0x11a: {  	_ =	swait.ge [sflag:s30], $0x1000  }
0x11b: {  	[sflag:s30] =	ssyncset.done $0x0  }
0x11c: {  	s2 =	simm.s32 @!p0 $0x20;
	s4 =	simm.s32 @!p0 $0x1000;
	[sflag:s30] =	ssyncadd.s32 $0xFFFFF000  }
0x11d: {  	[tilespmem:s4], [sflag:$0x1] =	stream.indirect.gather @!p0 [hbm4b:s1+s2], $0x80, s6, s2, $0xb8;
	[tilespmem:$0x1D040] =	vst v63  }
0x11e: {  	s4 =	ssub.s32 @!p0 $0x480, s5;
	s6 =	simm.s32 @!p0 $0x2000  }
0x11f: {  	[tilespmem:s6], [sflag:$0x1] =	stream.indirect.gather @!p0 [hbm4b:s1+s2], $0x80, s4, s2, $0xb8;
	[tilespmem:$0x1D040] =	vst v63  }
0x120: {  	s4 =	ssub.s32 @!p0 $0x500, s5;
	s6 =	simm.s32 @!p0 $0x3000  }
0x121: {  	[tilespmem:s6], [sflag:$0x1] =	stream.indirect.gather @!p0 [hbm4b:s1+s2], $0x80, s4, s2, $0xb8;
	[tilespmem:$0x1D040] =	vst v63  }
0x122: {  	s4 =	ssub.s32 @!p0 $0x580, s5;
	s5 =	simm.s32 @!p0 $0x4000  }
0x123: {  	[tilespmem:s5], [sflag:$0x1] =	stream.indirect.gather @!p0 [hbm4b:s1+s2], $0x80, s4, s2, $0xb8;
	[tilespmem:$0x1D040] =	vst v63  }
0x124: {  	_ =	swait.ge [sflag:s31], $0x1000  }
0x125: {  	[sflag:s31] =	ssyncset.done $0x0  }
0x126: {  	[sflag:s31] =	ssyncadd.s32 $0xFFFFF000  }
0x127: {  	_ =	swait.ge [sflag:s31], $0x1000  }
0x128: {  	[sflag:s31] =	ssyncset.done $0x0  }
0x129: {  	[sflag:s31] =	ssyncadd.s32 $0xFFFFF000  }
0x12a: {  	_ =	swait.ge [sflag:s31], $0x1000  }
0x12b: {  	[sflag:s31] =	ssyncset.done $0x0  }
0x12c: {  	[sflag:s31] =	ssyncadd.s32 $0xFFFFF000  }
0x12d: {  	_ =	swait.ge [sflag:s31], $0x1000  }
0x12e: {  	[sflag:s31] =	ssyncset.done $0x0  }
0x12f: {  	[sflag:s31] =	ssyncadd.s32 $0xFFFFF000  }
0x130: {  	[bflag:$0x0] =	sbarrier.arrive $0xFFFF  }
0x131: {  	s4 =	rddreg [dreg:$0x7]  }
0x132: {  	s19 =	rddreg [dreg:$0xa]  }
0x133: {  	s5 =	rddreg [dreg:$0xc]  }
0x134: {  	[hbm:s19], [sflag:s4] =	dma.local [spmem:s5], $0x2800  }
0x135: {  	_ =	swait.ge [sflag:s12], $0x2800  }
0x136: {  	s0 =	sadd.s32 $0x1, s0;
	s21 =	rddreg [dreg:$0xb]  }
0x137: {  	p0 =	sne.s32 s0, s21  }
.Ltmp1:
0x138: {  	_ = 	snop;
	(pc) =	sbr.rel @p0 .LBB2_1-.Ltmp1, $3  }
0x139: {  	_ =	sdelay $0x1  }
0x13a: {  	[sflag:s12] =	ssyncset.done $0x0  }
0x13b: {  	[sflag:s12] =	ssyncadd.s32 $0xFFFFD800  }
0x13c: {  	_ =	sfence.sel $0x180000  }
0x13d: {  	[bflag:$0x0] =	sbarrier.arrive $0xFFFF  }
0x13e: {  	_ =	strace $0x9000004D  }
0x13f: {  	s0 =	stileid.u32;
	[bflag:$0x2] =	sbarrier.arrive $0xFFFF  }
0x140: {  	p0 =	sne.s32 s0, $0x0;
	s0 =	rddreg [dreg:$0x3]  }
0x141: {  	s0 =	sadd.s32 @!p0 $0x100000, s0  }
0x142: {  	[sflag:s0] =	ssyncadd.tile.s32 @!p0 $0x1;
	_ =	shalt  }
.Lfunc_end2:
_tile_overlayer_lowered:
.L_overlay_start_2:
0x143: {  	(tag) =	ssettag $0x2  }
0x144: {  	s0 =	rddreg [dreg:$0x0];
	s2 =	stileid.u32  }
0x145: {  	s1 =	rddreg [dreg:$0x1];
	p0 =	sne.s32 s2, $0x0  }
0x146: {  	s3 =	rddreg [dreg:$0x2];
	[bflag:$0x3] =	sbarrier.arrive $0xFFFF;
	s2 =	simm.s32 @!p0 $0x1C06  }
0x147: {  	[timem:s3], [sflag:s2] =	dma.local @!p0 [hbm:s0], s1  }
0x148: {  	s0 =	simm.s32 @!p0 $0x6  }
0x149: {  	_ =	swait.ge @!p0 [sflag:s0], s1  }
0x14a: {  	s1 =	ssub.s32 @!p0 $0x0, s1;
	[sflag:s0] =	ssyncset.done @!p0 $0x0  }
0x14b: {  	[sflag:s0] =	ssyncadd.s32 @!p0 s1  }
0x14c: {  	[bflag:$0x3] =	sbarrier.arrive $0xFFFF  }
0x14d: {  	_ =	shalt  }

// kernel: kernel.8.cloned.1.call-start
scs
__scs_entry_jumppad:
0x0: {  	(pc) =	sbr.rel $0x88, $3  }
0x1: {  	(tag) =	ssettag $0x0;
	lr =	simm.s32 $0x1  }
0x2: {  	[smem:$0x3F9B] =	sst lr;
	_ =	strace $0xD0000000  }
0x3: {  	_ = 	snop  }
0x4: {  	_ = 	snop  }
0x5: {  	_ = 	snop  }
0x6: {  	_ = 	snop  }
0x7: {  	_ = 	snop  }
__scs_overlays_trampoline_lowered:
0x8: {  	[smem:$0x3FAA] =	sst s0  }
0x9: {  	[smem:$0x3FAB] =	sst s1  }
0xa: {  	[smem:$0x3FAC] =	sst s2  }
0xb: {  	[smem:$0x3FAD] =	sst s3  }
0xc: {  	[smem:$0x3FAE] =	sst s4  }
0xd: {  	[smem:$0x3FAF] =	sst s5  }
0xe: {  	[smem:$0x3FB0] =	sst s6  }
0xf: {  	[smem:$0x3FB1] =	sst s7  }
0x10: {  	[smem:$0x3FB2] =	sst s8  }
0x11: {  	[smem:$0x3FB3] =	sst s9;
	s0 =	simm.s32 @!p0 $0x0  }
0x12: {  	s1 =	sld [smem:$0x3F99];
	s0 =	simm.s32 @p0 $0x1  }
0x13: {  	[smem:$0x3FB4] =	sst s0;
	s0 =	simm.s32 @!p1 $0x0  }
0x14: {  	s2 =	sld [smem:$0x3F98];
	s0 =	simm.s32 @p1 $0x1  }
0x15: {  	[smem:$0x3FB5] =	sst s0;
	s0 =	simm.s32 @!p2 $0x0  }
0x16: {  	s3 =	sld [smem:$0x3FDB];
	s0 =	simm.s32 @p2 $0x1  }
0x17: {  	s4 =	simm.s32 $0x1BF5;
	[smem:$0x3FB7] =	sst s0  }
0x18: {  	s0 =	sld [smem:$0x3F9A];
	_ =	swait.ge [sflag:s4], $0x0  }
0x19: {  	s7 =	sld [smem:$0x3F9B]  }
0x1a: {  	s8 =	sadd.s32 $0xFFFFE003, lr  }
0x1b: {  	s9 =	sadd.s32 $0xFFFFFEF7, lr;
	s5 =	simm.s32 $0xFFFFFFFF;
	p2 =	slt.u32 s8, $0xFFFFF086  }
0x1c: {  	p1 =	slt.u32 s9, $0xF7A;
	s5 =	simm.s32 @!p2 $0x0  }
0x1d: {  	s5 =	simm.s32 @p1 $0x1;
	p0 =	seq.s32 s7, s2  }
0x1e: {  	s7 =	smul.u32 @!p0 $0xF7A, s2;
	p2 =	seq.s32 @!p0 s5, $0x0  }
0x1f: {  	s9 =	smul.u32 $0xF7A, s1;
	s8 =	simm.s32 @!p0 $0x1BF5;
	p2 =	por !p2, p0  }
0x20: {  	[sflag:s8] =	ssyncset.s32 @!p0 $0xFFFFF086;
	s6 =	sadd.s32 @!p0 s3, s7;
	s7 =	simm.s32 @!p0 $0x108  }
0x21: {  	s3 =	sadd.s32 s3, s9;
	s6 =	sadd.s32 @!p0 $0x88, s6;
	s7 =	simm.s32 @p2 $0x1082  }
0x22: {  	[simem:s7], [sflag:s8] =	dma.local @!p0 [hbm:s6], $0xF7A  }
0x23: {  	s9 =	sor.u32 $0xD0000000, s2;
	s6 =	simm.s32 $0x108;
	_ =	swait.ge @!p0 [sflag:s8], $0x0  }
0x24: {  	s3 =	sadd.s32 $0x88, s3;
	s6 =	simm.s32 @!p1 $0x1082;
	[sflag:s4] =	ssyncset.s32 $0xFFFFF086  }
0x25: {  	[simem:s6], [sflag:s4] =	dma.local [hbm:s3], $0xF7A  }
0x26: {  	[smem:$0x3F9B] =	sst s1;
	(tag) =	ssettag s2;
	_ =	strace s9  }
0x27: {  	s1 =	sld [smem:$0x3FAB]  }
0x28: {  	s2 =	sld [smem:$0x3FAC]  }
0x29: {  	s4 =	sld [smem:$0x3FAE]  }
0x2a: {  	p0 =	seq.s32 s5, $0x0;
	s5 =	sld [smem:$0x3FAF]  }
0x2b: {  	s6 =	sld [smem:$0x3FB0]  }
0x2c: {  	s7 =	sld [smem:$0x3FB1]  }
0x2d: {  	s3 =	simm.s32 $0x108;
	s8 =	sld [smem:$0x3FB2]  }
0x2e: {  	s3 =	simm.s32 @!p0 $0x1082;
	s9 =	sld [smem:$0x3FB3]  }
0x2f: {  	lr =	sadd.s32 s0, s3;
	s0 =	sld [smem:$0x3FAA]  }
0x30: {  	s3 =	sld [smem:$0x3FAD]  }
0x31: {  	[smem:$0x3FB6] =	sst s10  }
0x32: {  	s10 =	sld [smem:$0x3FB4];
	_ =	sdelay $0x3  }
0x33: {  	p0 =	seq.s32 s10, $0x1;
	s10 =	sld [smem:$0x3FB6];
	_ =	sdelay $0x3  }
0x34: {  	[smem:$0x3FB6] =	sst s10  }
0x35: {  	s10 =	sld [smem:$0x3FB5];
	_ =	sdelay $0x3  }
0x36: {  	p1 =	seq.s32 s10, $0x1;
	s10 =	sld [smem:$0x3FB6];
	_ =	sdelay $0x3  }
0x37: {  	[smem:$0x3FB6] =	sst s10  }
0x38: {  	s10 =	sld [smem:$0x3FB7]  }
0x39: {  	_ = 	snop;
	(pc) =	sbr.ind lr, $3  }
0x3a: {  	_ = 	snop  }
0x3b: {  	_ = 	snop  }
0x3c: {  	p2 =	seq.s32 s10, $0x1;
	s10 =	sld [smem:$0x3FB6]  }
0x3d: {  	_ =	shalt  }
0x3e: {  	_ =	shalt  }
0x3f: {  	_ =	shalt  }
0x40: {  	_ =	shalt  }
0x41: {  	_ =	shalt  }
0x42: {  	_ =	shalt  }
0x43: {  	_ =	shalt  }
0x44: {  	_ =	shalt  }
0x45: {  	_ =	shalt  }
0x46: {  	_ =	shalt  }
0x47: {  	_ =	shalt  }
0x48: {  	_ =	shalt  }
0x49: {  	_ =	shalt  }
0x4a: {  	_ =	shalt  }
0x4b: {  	_ =	shalt  }
0x4c: {  	_ =	shalt  }
0x4d: {  	_ =	shalt  }
0x4e: {  	_ =	shalt  }
0x4f: {  	_ =	shalt  }
0x50: {  	_ =	shalt  }
0x51: {  	_ =	shalt  }
0x52: {  	_ =	shalt  }
0x53: {  	_ =	shalt  }
0x54: {  	_ =	shalt  }
0x55: {  	_ =	shalt  }
0x56: {  	_ =	shalt  }
0x57: {  	_ =	shalt  }
0x58: {  	_ =	shalt  }
0x59: {  	_ =	shalt  }
0x5a: {  	_ =	shalt  }
0x5b: {  	_ =	shalt  }
0x5c: {  	_ =	shalt  }
0x5d: {  	_ =	shalt  }
0x5e: {  	_ =	shalt  }
0x5f: {  	_ =	shalt  }
0x60: {  	_ =	shalt  }
0x61: {  	_ =	shalt  }
0x62: {  	_ =	shalt  }
0x63: {  	_ =	shalt  }
0x64: {  	_ =	shalt  }
0x65: {  	_ =	shalt  }
0x66: {  	_ =	shalt  }
0x67: {  	_ =	shalt  }
0x68: {  	_ =	shalt  }
0x69: {  	_ =	shalt  }
0x6a: {  	_ =	shalt  }
0x6b: {  	_ =	shalt  }
0x6c: {  	_ =	shalt  }
0x6d: {  	_ =	shalt  }
0x6e: {  	_ =	shalt  }
0x6f: {  	_ =	shalt  }
0x70: {  	_ =	shalt  }
0x71: {  	_ =	shalt  }
0x72: {  	_ =	shalt  }
0x73: {  	_ =	shalt  }
0x74: {  	_ =	shalt  }
0x75: {  	_ =	shalt  }
0x76: {  	_ =	shalt  }
0x77: {  	_ =	shalt  }
0x78: {  	_ =	shalt  }
0x79: {  	_ =	shalt  }
0x7a: {  	_ =	shalt  }
0x7b: {  	_ =	shalt  }
0x7c: {  	_ =	shalt  }
0x7d: {  	_ =	shalt  }
0x7e: {  	_ =	shalt  }
0x7f: {  	_ =	shalt  }
0x80: {  	_ =	shalt  }
0x81: {  	_ =	shalt  }
0x82: {  	_ =	shalt  }
0x83: {  	_ =	shalt  }
0x84: {  	_ =	shalt  }
0x85: {  	_ =	shalt  }
0x86: {  	_ =	shalt  }
0x87: {  	_ =	shalt  }
.Lfunc_end0:
.L_simem_size_0:
called_computation_lowered:
.L_overlay_start_0:
0x88: {  	s2 =	sld [smem:$0x3FD9]  }
0x89: {  	s3 =	sld [smem:$0x3FFE];
	_ =	sdelay $0x1  }
0x8a: {  	s1 =	srdreg.scid  }
0x8b: {  	s0 =	sand.u32 $0x1, s1  }
0x8c: {  	s17 =	sshll.u32 s0, $0xA;
	s2 =	sadd.s32 s3, s2  }
0x8d: {  	s2 =	sadd.s32 s2, s17  }
0x8e: {  	[smem:$0x3FC2] =	sst s2  }
0x8f: {  	_ = 	snop  }
0x90: {  	s2 =	sld [smem:$0x3FD0];
	(tm) =	ssettm $0x1  }
0x91: {  	s18 =	sld [smem:$0x3FFB];
	_ =	sdelay $0x3  }
0x92: {  	_ =	strace s18  }
0x93: {  	s3 =	sld [smem:$0x3FFC];
	_ =	sdelay $0x3  }
0x94: {  	_ =	strace s3  }
0x95: {  	s3 =	sld [smem:$0x3FFD];
	_ =	sdelay $0x3  }
0x96: {  	_ =	strace s3  }
0x97: {  	_ =	strace $0x8FFFFFFF  }
0x98: {  	s19 =	sld [smem:$0x3FDB];
	_ =	sdelay $0x1  }
0x99: {  	s4 =	simm.s32 $_scs_section_size  }
0x9a: {  	s5 =	simm.s32 $_size__tile_overlayer_lowered;
	s6 =	simm.s32 $_tile_overlayer_lowered  }
0x9b: {  	s22 =	simm.s32 $0x1BFF;
	s21 =	sshll.u32 s6, $0x1;
	s3 =	sadd.s32 s4, s19  }
0x9c: {  	s7 =	simm.s32 $0x0;
	s20 =	sshll.u32 s5, $0x1;
	s5 =	sadd.s32 s21, s3  }
0x9d: {  	[timem:s7], [sflag:s22] =	dma.local [hbm:s5], s20  }
0x9e: {  	_ =	swait.ge [sflag:s22], s20  }
0x9f: {  	s4 =	ssub.s32 $0x0, s20;
	[sflag:s22] =	ssyncset.done $0x0  }
0xa0: {  	[sflag:s22] =	ssyncadd.s32 s4;
	_ =	sdelay $0x1  }
0xa1: {  	s23 =	simm.s32 $0x1B8B  }
0xa2: {  	_ =	swait.ge [sflag:s23], $0x1  }
0xa3: {  	[sflag:s23] =	ssyncset.done $0x0  }
0xa4: {  	s25 =	simm.s32 $0x1B8E;
	s24 =	sld [smem:$0x3FFE];
	[sflag:s23] =	ssyncadd.s32 $0xFFFFFFFF  }
0xa5: {  	s26 =	simm.s32 $execute0_lowered;
	[smem:$0x3FD2] =	sst s25  }
0xa6: {  	s5 =	sshll.u32 s26, $0x1;
	_ =	strace $0x80000046;
	[dreg:$0x1] =	wrdreg $0xFFFFFFFF  }
0xa7: {  	s28 =	simm.s32 $_size_execute0_lowered;
	s3 =	sadd.s32 s3, s5;
	[dreg:$0x0] =	wrdreg $0x0  }
0xa8: {  	s5 =	sshll.u32 s28, $0x1;
	[dreg:$0x2] =	wrdreg s3  }
0xa9: {  	[dreg:$0x3] =	wrdreg s5  }
0xaa: {  	[dreg:$0x4] =	wrdreg $0xC0  }
0xab: {  	_ =	task [dreg:s7], $0x5FFFF  }
0xac: {  	[dreg:$0x1] =	wrdreg $0xFFFFFFFF  }
0xad: {  	[dreg:$0x0] =	wrdreg $0x60  }
0xae: {  	[dreg:$0x2] =	wrdreg s2  }
0xaf: {  	[dreg:$0x3] =	wrdreg s24  }
0xb0: {  	[dreg:$0x4] =	wrdreg $0x2C800  }
0xb1: {  	[dreg:$0x5] =	wrdreg $0x9  }
0xb2: {  	_ =	task.clear_ibuf [dreg:s7], $0x6FFFF;
	_ =	strace $0x90000046  }
0xb3: {  	s29 =	simm.s32 $0x9;
	_ =	strace $0x80000048  }
0xb4: {  	_ =	swait.ge [sflag:s29], $0x1  }
0xb5: {  	[sflag:s29] =	ssyncadd.s32 $0xFFFFFFFF  }
0xb6: {  	_ =	strace $0x90000048  }
0xb7: {  	_ =	sfence  }
0xb8: {  	s30 =	sld [smem:$0x0];
	_ =	sdelay $0x2  }
0xb9: {  	s31 =	sshll.u32 s1, $0xD;
	s1 =	sshrl.u32 s1, $0x2  }
0xba: {  	s3 =	sand.u32 $0x4000, s31;
	s1 =	sadd.s32 s1, s30  }
0xbb: {  	s0 =	sor.u32 s3, s0;
	s1 =	sshll.u32 s1, $0x11  }
0xbc: {  	s0 =	sor.u32 s1, s0  }
0xbd: {  	s0 =	sadd.s32 $0x8F2B, s0  }
0xbe: {  	[sflag:s0] =	ssyncadd.remote.s32 $0x1  }
0xbf: {  	_ =	sfence.sel $0xFFFF  }
0xc0: {  	[dreg:$0x0] =	wrdreg $0xFFFFFFFF;
	(pc) =	sbr.abs _section_cstart, $3  }
0xc1: {  	[dreg:$0x1] =	wrdreg $0xFFFFFFFF  }
0xc2: {  	_ =	task.clear_ibuf [dreg:s7], $0x2FFFF;
	_ =	strace $0x9FFFFFFF  }
0xc3: {  	(tm) =	ssettm $0x7FFFFFFF  }
tec
execute0_lowered:
.L_overlay_start_1:
0x0: {  	(tag) =	ssettag $0x1  }
0x1: {  	s7 =	rddreg [dreg:$0x0]  }
0x2: {  	s5 =	rddreg [dreg:$0x1]  }
0x3: {  	s1 =	rddreg [dreg:$0x2];
	s3 =	srdreg.scid  }
0x4: {  	s0 =	rddreg [dreg:$0x3];
	s2 =	simm.s32 $0x0;
	s9 =	stileid.u32  }
0x5: {  	s12 =	simm.s32 $0x50;
	s13 =	simm.s32 $0x0;
	s6 =	sand.u32 $0x1, s3  }
0x6: {  	[smem:$0x7FF] =	sst s2;
	s11 =	smul.u32 $0x6C00, s9;
	s3 =	sadd.s32 $0x1E00, s5  }
0x7: {  	s4 =	sadd.s32 $0x2000, s5;
	p0 =	sne.s32 s9, $0x0;
	s8 =	smul.u32 $0x500, s6  }
0x8: {  	s9 =	simm.s32 $0x1;
	s10 =	smul.u32 $0x6C000, s6;
	s6 =	ssub.s32 $0x2, s6  }
0x9: {  	_ =	strace $0x80000047;
	s30 =	sshrl.u32 s6, $0x1;
	s5 =	sadd.s32 s8, s5  }
0xa: {  	s10 =	sadd.s32 s11, s10;
	s6 =	ssub.s32 s6, s30;
	s8 =	simm.s32 $0x2C00  }
0xb: {  	s11 =	sshrl.u32 @!p0 s1, $0x3;
	s5 =	sadd.s32 $0x2600, s5;
	s31 =	sshrl.u32 s10, $0x3  }
0xc: {  	v0 =	vimm.f32 $1.000000000e+00;
	s6 =	smax.u32 s6, $0x1;
	s10 =	simm.s32 $0x400;
	s7 =	sadd.s32 s31, s7  }
.LBB2_1:
0xd: {  	[tilespmem:s8], [sflag:$0x1] =	stream.linear.gather [hbm4b:s3+s2], $0x80, $0x38;
	[tilespmem:$0x2F00] =	vst v63  }
0xe: {  	_ =	swait.ge [sflag:s9], $0x80  }
0xf: {  	[sflag:s9] =	ssyncset.done $0x0  }
0x10: {  	[sflag:s9] =	ssyncadd.s32 $0xFFFFFF80  }
0x11: {  	[tilespmem:s10], [sflag:$0x1] =	stream.linear.gather [hbm4b:s4+s2], $0x2800, $0x38;
	[tilespmem:$0x2F00] =	vst v63  }
0x12: {  	_ =	swait.ge [sflag:s9], $0x2800  }
0x13: {  	[sflag:s9] =	ssyncset.done $0x0  }
0x14: {  	s14 =	simm.s32 @!p0 $0x1C01;
	[sflag:s9] =	ssyncadd.s32 $0xFFFFD800  }
0x15: {  	[spmem:s11], [sflag:s14] =	dma.local @!p0 [hbm:s4], $0x500  }
0x16: {  	s14 =	simm.s32 @!p0 $0x1  }
0x17: {  	_ =	swait.ge @!p0 [sflag:s14], $0x500  }
0x18: {  	[sflag:s14] =	ssyncset.done @!p0 $0x0  }
0x19: {  	[sflag:s14] =	ssyncadd.s32 @!p0 $0xFFFFFB00;
	s14 =	simm.s32 $0x0  }
.LBB2_2:
0x1a: {  	s15 =	sadd.s32 s14, s7  }
0x1b: {  	[tilespmem:s2], [sflag:$0x1] =	stream.linear.gather [hbm4b:s15+s2], $0x400, $0x38;
	[tilespmem:$0x2F00] =	vst v63  }
0x1c: {  	_ =	swait.ge [sflag:s9], $0x400  }
0x1d: {  	[sflag:s9] =	ssyncset.done $0x0  }
0x1e: {  	[sflag:s9] =	ssyncadd.s32 $0xFFFFFC00  }
0x1f: {  	v1 =	vld [tilespmem:$0x0];
	_ =	sdelay $0x7  }
0x20: {  	[tilespmem:v1+s10+$0x0] =	vst.idx.add.f32.msk $0xffff, v0  }
0x21: {  	v1 =	vld [tilespmem:$0x10];
	_ =	sdelay $0x7  }
0x22: {  	[tilespmem:v1+s10+$0x0] =	vst.idx.add.f32.msk $0xffff, v0  }
0x23: {  	v1 =	vld [tilespmem:$0x20];
	_ =	sdelay $0x7  }
0x24: {  	[tilespmem:v1+s10+$0x0] =	vst.idx.add.f32.msk $0xffff, v0  }
0x25: {  	v1 =	vld [tilespmem:$0x80];
	_ =	sdelay $0x7  }
0x26: {  	[tilespmem:v1+s10+$0x0] =	vst.idx.add.f32.msk $0xffff, v0  }
0x27: {  	v1 =	vld [tilespmem:$0x90];
	_ =	sdelay $0x7  }
0x28: {  	[tilespmem:v1+s10+$0x0] =	vst.idx.add.f32.msk $0xffff, v0  }
0x29: {  	v1 =	vld [tilespmem:$0xA0];
	_ =	sdelay $0x7  }
0x2a: {  	[tilespmem:v1+s10+$0x0] =	vst.idx.add.f32.msk $0xffff, v0  }
0x2b: {  	v1 =	vld [tilespmem:$0x100];
	_ =	sdelay $0x7  }
0x2c: {  	[tilespmem:v1+s10+$0x0] =	vst.idx.add.f32.msk $0xffff, v0  }
0x2d: {  	v1 =	vld [tilespmem:$0x110];
	_ =	sdelay $0x7  }
0x2e: {  	[tilespmem:v1+s10+$0x0] =	vst.idx.add.f32.msk $0xffff, v0  }
0x2f: {  	v1 =	vld [tilespmem:$0x120];
	_ =	sdelay $0x7  }
0x30: {  	[tilespmem:v1+s10+$0x0] =	vst.idx.add.f32.msk $0xffff, v0  }
0x31: {  	v1 =	vld [tilespmem:$0x180];
	_ =	sdelay $0x7  }
0x32: {  	[tilespmem:v1+s10+$0x0] =	vst.idx.add.f32.msk $0xffff, v0  }
0x33: {  	v1 =	vld [tilespmem:$0x190];
	_ =	sdelay $0x7  }
0x34: {  	[tilespmem:v1+s10+$0x0] =	vst.idx.add.f32.msk $0xffff, v0  }
0x35: {  	v1 =	vld [tilespmem:$0x1A0];
	_ =	sdelay $0x7  }
0x36: {  	[tilespmem:v1+s10+$0x0] =	vst.idx.add.f32.msk $0xffff, v0  }
0x37: {  	v1 =	vld [tilespmem:$0x200];
	_ =	sdelay $0x7  }
0x38: {  	[tilespmem:v1+s10+$0x0] =	vst.idx.add.f32.msk $0xffff, v0  }
0x39: {  	v1 =	vld [tilespmem:$0x210];
	_ =	sdelay $0x7  }
0x3a: {  	[tilespmem:v1+s10+$0x0] =	vst.idx.add.f32.msk $0xffff, v0  }
0x3b: {  	v1 =	vld [tilespmem:$0x220];
	_ =	sdelay $0x7  }
0x3c: {  	[tilespmem:v1+s10+$0x0] =	vst.idx.add.f32.msk $0xffff, v0  }
0x3d: {  	v1 =	vld [tilespmem:$0x280];
	_ =	sdelay $0x7  }
0x3e: {  	[tilespmem:v1+s10+$0x0] =	vst.idx.add.f32.msk $0xffff, v0  }
0x3f: {  	v1 =	vld [tilespmem:$0x290];
	_ =	sdelay $0x7  }
0x40: {  	[tilespmem:v1+s10+$0x0] =	vst.idx.add.f32.msk $0xffff, v0  }
0x41: {  	v1 =	vld [tilespmem:$0x2A0];
	_ =	sdelay $0x7  }
0x42: {  	[tilespmem:v1+s10+$0x0] =	vst.idx.add.f32.msk $0xffff, v0  }
0x43: {  	v1 =	vld [tilespmem:$0x300];
	_ =	sdelay $0x7  }
0x44: {  	[tilespmem:v1+s10+$0x0] =	vst.idx.add.f32.msk $0xffff, v0  }
0x45: {  	v1 =	vld [tilespmem:$0x310];
	_ =	sdelay $0x7  }
0x46: {  	[tilespmem:v1+s10+$0x0] =	vst.idx.add.f32.msk $0xffff, v0  }
0x47: {  	v1 =	vld [tilespmem:$0x320];
	_ =	sdelay $0x7  }
0x48: {  	[tilespmem:v1+s10+$0x0] =	vst.idx.add.f32.msk $0xffff, v0  }
0x49: {  	v1 =	vld [tilespmem:$0x380];
	_ =	sdelay $0x7  }
0x4a: {  	[tilespmem:v1+s10+$0x0] =	vst.idx.add.f32.msk $0xffff, v0  }
0x4b: {  	v1 =	vld [tilespmem:$0x390];
	_ =	sdelay $0x7  }
0x4c: {  	[tilespmem:v1+s10+$0x0] =	vst.idx.add.f32.msk $0xffff, v0  }
0x4d: {  	v1 =	vld [tilespmem:$0x3A0];
	_ =	sdelay $0x2  }
0x4e: {  	p1 =	sne.s32 s14, $0xD00  }
.Ltmp0:
0x4f: {  	_ = 	snop;
	(pc) =	sbr.rel @p1 .LBB2_2-.Ltmp0, $2  }
0x50: {  	_ =	sdelay $0x2  }
0x51: {  	s14 =	sadd.s32 $0x80, s14;
	[tilespmem:v1+s10+$0x0] =	vst.idx.add.f32.msk $0xffff, v0  }
0x52: {  	[bflag:$0x0] =	sbarrier.arrive $0xFFFF  }
0x53: {  	[spmem:s1] =	stream.indirect.scatter.add.f32 [tilespmem:s10], [sflag:$0x1], $0x80, s8, s12, $0xb8;
	[tilespmem:$0x2F00] =	vst v63  }
0x54: {  	_ =	swait.ge [sflag:s9], $0x2800  }
0x55: {  	[sflag:s9] =	ssyncset.done $0x0  }
0x56: {  	s13 =	sadd.s32 $0x1, s13;
	[sflag:s9] =	ssyncadd.s32 $0xFFFFD800  }
0x57: {  	s14 =	simm.s32 @!p0 $0x1C01;
	p1 =	sne.s32 s13, s6;
	[bflag:$0x0] =	sbarrier.arrive $0xFFFF  }
0x58: {  	[hbm:s5], [sflag:s14] =	dma.local @!p0 [spmem:s11], $0x500  }
.Ltmp1:
0x59: {  	_ = 	snop;
	(pc) =	sbr.rel @p1 .LBB2_1-.Ltmp1, $4  }
0x5a: {  	s14 =	simm.s32 @!p0 $0x1  }
0x5b: {  	_ =	swait.ge @!p0 [sflag:s14], $0x500  }
0x5c: {  	[sflag:s14] =	ssyncset.done @!p0 $0x0  }
0x5d: {  	[sflag:s14] =	ssyncadd.s32 @!p0 $0xFFFFFB00  }
0x5e: {  	_ =	sfence.sel $0x180000  }
0x5f: {  	[bflag:$0x0] =	sbarrier.arrive $0xFFFF  }
0x60: {  	_ =	strace $0x90000047  }
0x61: {  	s0 =	sadd.s32 @!p0 $0x100000, s0;
	[bflag:$0x2] =	sbarrier.arrive $0xFFFF  }
0x62: {  	[sflag:s0] =	ssyncadd.tile.s32 @!p0 $0x1;
	_ =	shalt  }
.Lfunc_end2:
_tile_overlayer_lowered:
.L_overlay_start_2:
0x63: {  	(tag) =	ssettag $0x2  }
0x64: {  	s0 =	rddreg [dreg:$0x0];
	s2 =	stileid.u32  }
0x65: {  	s1 =	rddreg [dreg:$0x1];
	p0 =	sne.s32 s2, $0x0  }
0x66: {  	s3 =	rddreg [dreg:$0x2];
	[bflag:$0x3] =	sbarrier.arrive $0xFFFF;
	s2 =	simm.s32 @!p0 $0x1C01  }
0x67: {  	[timem:s3], [sflag:s2] =	dma.local @!p0 [hbm:s0], s1  }
0x68: {  	s0 =	simm.s32 @!p0 $0x1  }
0x69: {  	_ =	swait.ge @!p0 [sflag:s0], s1  }
0x6a: {  	s1 =	ssub.s32 @!p0 $0x0, s1;
	[sflag:s0] =	ssyncset.done @!p0 $0x0  }
0x6b: {  	[sflag:s0] =	ssyncadd.s32 @!p0 s1  }
0x6c: {  	[bflag:$0x3] =	sbarrier.arrive $0xFFFF  }
0x6d: {  	_ =	shalt  }

</sc_bundles>
